<compile_context>
chip_gen: v7x
topology: tpu7x:2x2x1
jax: 0.10.2.dev20260603
libtpu: 0.0.44.dev20260713+nightly
codegen_flags: <defaults>
</compile_context>

<pallas_src>
import jax
import jax.numpy as jnp
from jax import lax
from jax.experimental import pallas as pl
from jax.experimental.pallas import tpu as pltpu
from jax.experimental.pallas import tpu_sc as plsc

B, N, D = 64, 576, 768
R = B * N
NUM_PATCHES = 576

_info = plsc.get_sparse_core_info()
NC, NS, L = _info.num_cores, _info.num_subcores, _info.num_lanes
NW = NC * NS
ROWS_PER_W = R // NW
C = 24
NBUF = 3
NCHUNK = ROWS_PER_W // C
NROUND = NCHUNK // NBUF


def _body(x_hbm, ids_hbm, pe_hbm, out_hbm,
          ids_all, xb0, xb1, xb2, pb0, pb1, pb2,
          sx0, sx1, sx2, sg0, sg1, sg2, so0, so1, so2):
    xb = (xb0, xb1, xb2)
    pb = (pb0, pb1, pb2)
    sx = (sx0, sx1, sx2)
    sg = (sg0, sg1, sg2)
    so = (so0, so1, so2)

    wid = lax.axis_index("s") * NC + lax.axis_index("c")
    base = wid * ROWS_PER_W

    pltpu.sync_copy(ids_hbm.at[pl.ds(base, ROWS_PER_W)], ids_all)

    def start(b, g, first):
        if not first:
            pltpu.make_async_copy(
                xb[b], out_hbm.at[pl.ds(base, C)], so[b]).wait()
        pltpu.async_copy(x_hbm.at[pl.ds(base + g * C, C)], xb[b], sx[b])
        pltpu.async_copy(
            pe_hbm.at[ids_all.at[pl.ds(g * C, C)]], pb[b], sg[b])

    def finish(b, g):
        pltpu.make_async_copy(
            x_hbm.at[pl.ds(base, C)], xb[b], sx[b]).wait()
        pltpu.make_async_copy(
            pe_hbm.at[ids_all.at[pl.ds(g * C, C)]], pb[b], sg[b]).wait()

        def row(r, rc):
            for gr in range(D // L):
                sl = pl.ds(gr * L, L)
                plsc.addupdate(xb[b].at[r, sl], pb[b][r, sl])
            return rc

        lax.fori_loop(0, C, row, 0)
        pltpu.async_copy(xb[b], out_hbm.at[pl.ds(base + g * C, C)], so[b])

    start(0, 0, True)
    start(1, 1, True)
    start(2, 2, True)

    def round_(k, carry):
        for b in range(NBUF):
            g = k * NBUF + b
            finish(b, g)

            @pl.when(g + NBUF < NCHUNK)
            def _():
                start(b, g + NBUF, False)

        return carry

    lax.fori_loop(0, NROUND, round_, 0)

    for b in range(NBUF):
        pltpu.make_async_copy(xb[b], out_hbm.at[pl.ds(base, C)], so[b]).wait()


@jax.jit
def kernel(x, ids, pe):
    x2 = x.reshape(R, D)
    ids2 = ids.reshape(R).astype(jnp.int32)
    pe2 = pe.reshape(NUM_PATCHES, D)

    mesh = plsc.VectorSubcoreMesh(core_axis_name="c", subcore_axis_name="s")
    out = pl.kernel(
        _body,
        mesh=mesh,
        out_type=jax.ShapeDtypeStruct((R, D), jnp.float32),
        scratch_types=[
            pltpu.VMEM((ROWS_PER_W,), jnp.int32),
            pltpu.VMEM((C, D), jnp.float32),
            pltpu.VMEM((C, D), jnp.float32),
            pltpu.VMEM((C, D), jnp.float32),
            pltpu.VMEM((C, D), jnp.float32),
            pltpu.VMEM((C, D), jnp.float32),
            pltpu.VMEM((C, D), jnp.float32),
        ] + [pltpu.SemaphoreType.DMA] * 9,
    )(x2, ids2, pe2)
    return out.reshape(1, B, N, D)

# --- scband reference (transcript-rebuilt; emitter-appended) ---
"""Pipeline reference for scband-learnable-positional-encoding-46059229283128 (READ-ONLY COPY).

The authoritative reference and input builder live on the scoring server;
editing this copy changes nothing except your own understanding.
"""

import jax, jax.numpy as jnp
import numpy as np

B, N, D = 64, 576, 768
NUM_PATCHES = 576

def setup_inputs(seed: int = 0) -> dict:
    key = jax.random.key(seed)
    k1, k2, k3 = jax.random.split(key, 3)
    x = jax.random.normal(k1, (B, N, D), dtype=jnp.float32)
    ids = jax.random.randint(k2, (B, N), 0, NUM_PATCHES, dtype=jnp.int64)
    pe = jax.random.normal(k3, (1, NUM_PATCHES, D), dtype=jnp.float32) * 0.02
    return {"x": x, "ids": ids, "pe": pe}

def reference(x, ids, pe):
    # Faithful translation of: return x + self.pe[:, ids]
    # pe: (1, num_patches, D); pe[:, ids] with ids (B, N) -> (1, B, N, D)
    gathered = pe[:, ids]
    return x + gathered

if __name__ == "__main__":
    import jax
    _d = setup_inputs()
    print(jax.jit(kernel)(*tuple(_d.values())))

</pallas_src>

<mosaic_0001>
#map = affine_map<(d0, d1) -> (0, 0)>
#map1 = affine_map<(d0, d1) -> (0)>
module attributes {stable_mosaic.version = 14 : i64} {
  func.func @_body(%arg0: i32, %arg1: i32, %arg2: memref<36864x768xf32, #tpu.memory_space<hbm>>, %arg3: memref<36864xi32, #tpu.memory_space<hbm>>, %arg4: memref<576x768xf32, #tpu.memory_space<hbm>>, %arg5: memref<36864x768xf32, #tpu.memory_space<hbm>>, %arg6: memref<1152xi32, #tpu.memory_space<vmem>>, %arg7: memref<24x768xf32, #tpu.memory_space<vmem>>, %arg8: memref<24x768xf32, #tpu.memory_space<vmem>>, %arg9: memref<24x768xf32, #tpu.memory_space<vmem>>, %arg10: memref<24x768xf32, #tpu.memory_space<vmem>>, %arg11: memref<24x768xf32, #tpu.memory_space<vmem>>, %arg12: memref<24x768xf32, #tpu.memory_space<vmem>>, %arg13: memref<!tpu.dma_semaphore, #tpu.memory_space<semaphore_mem>>, %arg14: memref<!tpu.dma_semaphore, #tpu.memory_space<semaphore_mem>>, %arg15: memref<!tpu.dma_semaphore, #tpu.memory_space<semaphore_mem>>, %arg16: memref<!tpu.dma_semaphore, #tpu.memory_space<semaphore_mem>>, %arg17: memref<!tpu.dma_semaphore, #tpu.memory_space<semaphore_mem>>, %arg18: memref<!tpu.dma_semaphore, #tpu.memory_space<semaphore_mem>>, %arg19: memref<!tpu.dma_semaphore, #tpu.memory_space<semaphore_mem>>, %arg20: memref<!tpu.dma_semaphore, #tpu.memory_space<semaphore_mem>>, %arg21: memref<!tpu.dma_semaphore, #tpu.memory_space<semaphore_mem>>) attributes {dimension_semantics = [#tpu.dimension_semantics<core_parallel>, #tpu.dimension_semantics<subcore_parallel>], iteration_bounds = array<i64: 2, 16>, scalar_prefetch = 0 : i64, scratch_operands = 16 : i64, tpu.core_type = #tpu.core_type<sc_vector_subcore>, window_params = [{transform_indices = #map}, {transform_indices = #map1}, {transform_indices = #map}, {transform_indices = #map}]} {
    %mul3A = arith.constant 2 : i32
    %mul3A_0 = arith.muli %arg1, %mul3A : i32
    %add3A = arith.addi %mul3A_0, %arg0 : i32
    %mul3A_1 = arith.constant 1152 : i32
    %mul3A_2 = arith.muli %add3A, %mul3A_1 : i32
    "tpu.region"() ({
      %run_scoped3A = tpu.sem_alloc : memref<!tpu.dma_semaphore, #tpu.memory_space<semaphore_mem>>
      %dma_start3A_51 = tpu.memref_slice %arg3[%mul3A_2] : memref<36864xi32, #tpu.memory_space<hbm>> -> memref<1152xi32, #tpu.memory_space<hbm>>
      %dma_start3A_52 = tpu.memref_slice %arg3[%mul3A_2] : memref<36864xi32, #tpu.memory_space<hbm>> -> memref<1152xi32, #tpu.memory_space<hbm>>
      tpu.enqueue_dma source(%dma_start3A_52 : memref<1152xi32, #tpu.memory_space<hbm>>) target(%arg6 : memref<1152xi32, #tpu.memory_space<vmem>>) target_semaphore(%run_scoped3A : memref<!tpu.dma_semaphore, #tpu.memory_space<semaphore_mem>>)
      %dma_wait3A_53 = tpu.memref_slice %arg3[%mul3A_2] : memref<36864xi32, #tpu.memory_space<hbm>> -> memref<1152xi32, #tpu.memory_space<hbm>>
      %dma_wait3A_54 = tpu.memref_slice %arg3[%mul3A_2] : memref<36864xi32, #tpu.memory_space<hbm>> -> memref<1152xi32, #tpu.memory_space<hbm>>
      tpu.wait_dma2 semaphore(%run_scoped3A : memref<!tpu.dma_semaphore, #tpu.memory_space<semaphore_mem>>) src(%dma_wait3A_54 : memref<1152xi32, #tpu.memory_space<hbm>>) dst(%arg6 : memref<1152xi32, #tpu.memory_space<vmem>>)
      tpu.yield
    }) : () -> ()
    %add3A_3 = arith.constant 0 : i32
    %add3A_4 = arith.addi %mul3A_2, %add3A_3 : i32
    %dma_start3A = arith.constant 0 : i32
    %dma_start3A_5 = tpu.memref_slice %arg2[%add3A_4, %dma_start3A] : memref<36864x768xf32, #tpu.memory_space<hbm>> -> memref<24x768xf32, #tpu.memory_space<hbm>>
    %dma_start3A_6 = arith.constant 0 : i32
    %dma_start3A_7 = tpu.memref_slice %arg2[%add3A_4, %dma_start3A_6] : memref<36864x768xf32, #tpu.memory_space<hbm>> -> memref<24x768xf32, #tpu.memory_space<hbm>>
    tpu.enqueue_dma source(%dma_start3A_7 : memref<24x768xf32, #tpu.memory_space<hbm>>) target(%arg7 : memref<24x768xf32, #tpu.memory_space<vmem>>) target_semaphore(%arg13 : memref<!tpu.dma_semaphore, #tpu.memory_space<semaphore_mem>>)
    %dma_start3A_8 = arith.constant 0 : i32
    %dma_start3A_9 = tpu.memref_slice %arg6[%dma_start3A_8] : memref<1152xi32, #tpu.memory_space<vmem>> -> memref<24xi32, #tpu.memory_space<vmem>>
    %dma_start3A_10 = arith.constant 0 : i32
    %dma_start3A_11 = arith.constant 0 : i32
    %dma_start3A_12 = tpu.memref_slice %arg4[%dma_start3A_10, %dma_start3A_11] : memref<576x768xf32, #tpu.memory_space<hbm>> -> memref<576x768xf32, #tpu.memory_space<hbm>>
    tpu.enqueue_indirect_dma source(%dma_start3A_12 : memref<576x768xf32, #tpu.memory_space<hbm>>) target(%arg10 : memref<24x768xf32, #tpu.memory_space<vmem>>) offsets(%dma_start3A_9 : memref<24xi32, #tpu.memory_space<vmem>>) semaphore(%arg16 : memref<!tpu.dma_semaphore, #tpu.memory_space<semaphore_mem>>)
    %add3A_13 = arith.constant 24 : i32
    %add3A_14 = arith.addi %mul3A_2, %add3A_13 : i32
    %dma_start3A_15 = arith.constant 0 : i32
    %dma_start3A_16 = tpu.memref_slice %arg2[%add3A_14, %dma_start3A_15] : memref<36864x768xf32, #tpu.memory_space<hbm>> -> memref<24x768xf32, #tpu.memory_space<hbm>>
    %dma_start3A_17 = arith.constant 0 : i32
    %dma_start3A_18 = tpu.memref_slice %arg2[%add3A_14, %dma_start3A_17] : memref<36864x768xf32, #tpu.memory_space<hbm>> -> memref<24x768xf32, #tpu.memory_space<hbm>>
    tpu.enqueue_dma source(%dma_start3A_18 : memref<24x768xf32, #tpu.memory_space<hbm>>) target(%arg8 : memref<24x768xf32, #tpu.memory_space<vmem>>) target_semaphore(%arg14 : memref<!tpu.dma_semaphore, #tpu.memory_space<semaphore_mem>>)
    %dma_start3A_19 = arith.constant 24 : i32
    %dma_start3A_20 = tpu.memref_slice %arg6[%dma_start3A_19] : memref<1152xi32, #tpu.memory_space<vmem>> -> memref<24xi32, #tpu.memory_space<vmem>>
    %dma_start3A_21 = arith.constant 0 : i32
    %dma_start3A_22 = arith.constant 0 : i32
    %dma_start3A_23 = tpu.memref_slice %arg4[%dma_start3A_21, %dma_start3A_22] : memref<576x768xf32, #tpu.memory_space<hbm>> -> memref<576x768xf32, #tpu.memory_space<hbm>>
    tpu.enqueue_indirect_dma source(%dma_start3A_23 : memref<576x768xf32, #tpu.memory_space<hbm>>) target(%arg11 : memref<24x768xf32, #tpu.memory_space<vmem>>) offsets(%dma_start3A_20 : memref<24xi32, #tpu.memory_space<vmem>>) semaphore(%arg17 : memref<!tpu.dma_semaphore, #tpu.memory_space<semaphore_mem>>)
    %add3A_24 = arith.constant 48 : i32
    %add3A_25 = arith.addi %mul3A_2, %add3A_24 : i32
    %dma_start3A_26 = arith.constant 0 : i32
    %dma_start3A_27 = tpu.memref_slice %arg2[%add3A_25, %dma_start3A_26] : memref<36864x768xf32, #tpu.memory_space<hbm>> -> memref<24x768xf32, #tpu.memory_space<hbm>>
    %dma_start3A_28 = arith.constant 0 : i32
    %dma_start3A_29 = tpu.memref_slice %arg2[%add3A_25, %dma_start3A_28] : memref<36864x768xf32, #tpu.memory_space<hbm>> -> memref<24x768xf32, #tpu.memory_space<hbm>>
    tpu.enqueue_dma source(%dma_start3A_29 : memref<24x768xf32, #tpu.memory_space<hbm>>) target(%arg9 : memref<24x768xf32, #tpu.memory_space<vmem>>) target_semaphore(%arg15 : memref<!tpu.dma_semaphore, #tpu.memory_space<semaphore_mem>>)
    %dma_start3A_30 = arith.constant 48 : i32
    %dma_start3A_31 = tpu.memref_slice %arg6[%dma_start3A_30] : memref<1152xi32, #tpu.memory_space<vmem>> -> memref<24xi32, #tpu.memory_space<vmem>>
    %dma_start3A_32 = arith.constant 0 : i32
    %dma_start3A_33 = arith.constant 0 : i32
    %dma_start3A_34 = tpu.memref_slice %arg4[%dma_start3A_32, %dma_start3A_33] : memref<576x768xf32, #tpu.memory_space<hbm>> -> memref<576x768xf32, #tpu.memory_space<hbm>>
    tpu.enqueue_indirect_dma source(%dma_start3A_34 : memref<576x768xf32, #tpu.memory_space<hbm>>) target(%arg12 : memref<24x768xf32, #tpu.memory_space<vmem>>) offsets(%dma_start3A_31 : memref<24xi32, #tpu.memory_space<vmem>>) semaphore(%arg18 : memref<!tpu.dma_semaphore, #tpu.memory_space<semaphore_mem>>)
    %scan3A = arith.constant 0 : i32
    %scan3A_35 = arith.constant 0 : i32
    %scan3A_36 = arith.constant 16 : i32
    %scan3A_37 = arith.addi %scan3A_35, %scan3A_36 : i32
    %scan3A_38 = arith.constant 1 : i32
    scf.for %scan3A_51 = %scan3A_35 to %scan3A_37 step %scan3A_38  : i32 {
      %mul3A_52 = arith.constant 3 : i32
      %mul3A_53 = arith.muli %scan3A_51, %mul3A_52 : i32
      %add3A_54 = arith.constant 0 : i32
      %add3A_55 = arith.addi %mul3A_53, %add3A_54 : i32
      %dma_wait3A_56 = arith.constant 0 : i32
      %dma_wait3A_57 = tpu.memref_slice %arg2[%mul3A_2, %dma_wait3A_56] : memref<36864x768xf32, #tpu.memory_space<hbm>> -> memref<24x768xf32, #tpu.memory_space<hbm>>
      %dma_wait3A_58 = arith.constant 0 : i32
      %dma_wait3A_59 = tpu.memref_slice %arg2[%mul3A_2, %dma_wait3A_58] : memref<36864x768xf32, #tpu.memory_space<hbm>> -> memref<24x768xf32, #tpu.memory_space<hbm>>
      tpu.wait_dma2 semaphore(%arg13 : memref<!tpu.dma_semaphore, #tpu.memory_space<semaphore_mem>>) src(%dma_wait3A_59 : memref<24x768xf32, #tpu.memory_space<hbm>>) dst(%arg7 : memref<24x768xf32, #tpu.memory_space<vmem>>)
      %mul3A_60 = arith.constant 24 : i32
      %mul3A_61 = arith.muli %add3A_55, %mul3A_60 : i32
      %dma_wait3A_62 = tpu.memref_slice %arg6[%mul3A_61] : memref<1152xi32, #tpu.memory_space<vmem>> -> memref<24xi32, #tpu.memory_space<vmem>>
      %dma_wait3A_63 = arith.constant 0 : i32
      %dma_wait3A_64 = arith.constant 0 : i32
      %dma_wait3A_65 = tpu.memref_slice %arg4[%dma_wait3A_63, %dma_wait3A_64] : memref<576x768xf32, #tpu.memory_space<hbm>> -> memref<576x768xf32, #tpu.memory_space<hbm>>
      tpu.wait_indirect_dma semaphore(%arg16 : memref<!tpu.dma_semaphore, #tpu.memory_space<semaphore_mem>>) src(%dma_wait3A_65 : memref<576x768xf32, #tpu.memory_space<hbm>>) dst(%arg10 : memref<24x768xf32, #tpu.memory_space<vmem>>)
      %scan3A_66 = arith.constant 0 : i32
      %scan3A_67 = arith.constant 0 : i32
      %scan3A_68 = arith.constant 24 : i32
      %scan3A_69 = arith.addi %scan3A_67, %scan3A_68 : i32
      %scan3A_70 = arith.constant 1 : i32
      scf.for %scan3A_151 = %scan3A_67 to %scan3A_69 step %scan3A_70  : i32 {
        %get3A = arith.index_cast %scan3A_151 : i32 to index
        %get3A_152 = arith.constant 0 : index
        %get3A_153 = tpu.vector_load %arg10[%get3A, %get3A_152] {strides = array<i32>} : memref<24x768xf32, #tpu.memory_space<vmem>>, vector<1x16xf32>,
        %get3A_154 = vector.shape_cast %get3A_153 : vector<1x16xf32> to vector<16xf32>
        %swap3A = arith.index_cast %scan3A_151 : i32 to index
        %swap3A_155 = arith.constant 0 : index
        %swap3A_156 = tpu.vector_load %arg7[%swap3A, %swap3A_155] {strides = array<i32>} : memref<24x768xf32, #tpu.memory_space<vmem>>, vector<1x16xf32>,
        %swap3A_157 = vector.shape_cast %swap3A_156 : vector<1x16xf32> to vector<16xf32>
        %swap3A_158 = vector.shape_cast %get3A_154 : vector<16xf32> to vector<1x16xf32>
        tpu.vector_store %arg7[%swap3A, %swap3A_155], %swap3A_158 {add = true, strides = array<i32>} : memref<24x768xf32, #tpu.memory_space<vmem>>, vector<1x16xf32>,
        %get3A_159 = arith.index_cast %scan3A_151 : i32 to index
        %get3A_160 = arith.constant 16 : index
        %get3A_161 = tpu.vector_load %arg10[%get3A_159, %get3A_160] {strides = array<i32>} : memref<24x768xf32, #tpu.memory_space<vmem>>, vector<1x16xf32>,
        %get3A_162 = vector.shape_cast %get3A_161 : vector<1x16xf32> to vector<16xf32>
        %swap3A_163 = arith.index_cast %scan3A_151 : i32 to index
        %swap3A_164 = arith.constant 16 : index
        %swap3A_165 = tpu.vector_load %arg7[%swap3A_163, %swap3A_164] {strides = array<i32>} : memref<24x768xf32, #tpu.memory_space<vmem>>, vector<1x16xf32>,
        %swap3A_166 = vector.shape_cast %swap3A_165 : vector<1x16xf32> to vector<16xf32>
        %swap3A_167 = vector.shape_cast %get3A_162 : vector<16xf32> to vector<1x16xf32>
        tpu.vector_store %arg7[%swap3A_163, %swap3A_164], %swap3A_167 {add = true, strides = array<i32>} : memref<24x768xf32, #tpu.memory_space<vmem>>, vector<1x16xf32>,
        %get3A_168 = arith.index_cast %scan3A_151 : i32 to index
        %get3A_169 = arith.constant 32 : index
        %get3A_170 = tpu.vector_load %arg10[%get3A_168, %get3A_169] {strides = array<i32>} : memref<24x768xf32, #tpu.memory_space<vmem>>, vector<1x16xf32>,
        %get3A_171 = vector.shape_cast %get3A_170 : vector<1x16xf32> to vector<16xf32>
        %swap3A_172 = arith.index_cast %scan3A_151 : i32 to index
        %swap3A_173 = arith.constant 32 : index
        %swap3A_174 = tpu.vector_load %arg7[%swap3A_172, %swap3A_173] {strides = array<i32>} : memref<24x768xf32, #tpu.memory_space<vmem>>, vector<1x16xf32>,
        %swap3A_175 = vector.shape_cast %swap3A_174 : vector<1x16xf32> to vector<16xf32>
        %swap3A_176 = vector.shape_cast %get3A_171 : vector<16xf32> to vector<1x16xf32>
        tpu.vector_store %arg7[%swap3A_172, %swap3A_173], %swap3A_176 {add = true, strides = array<i32>} : memref<24x768xf32, #tpu.memory_space<vmem>>, vector<1x16xf32>,
        %get3A_177 = arith.index_cast %scan3A_151 : i32 to index
        %get3A_178 = arith.constant 48 : index
        %get3A_179 = tpu.vector_load %arg10[%get3A_177, %get3A_178] {strides = array<i32>} : memref<24x768xf32, #tpu.memory_space<vmem>>, vector<1x16xf32>,
        %get3A_180 = vector.shape_cast %get3A_179 : vector<1x16xf32> to vector<16xf32>
        %swap3A_181 = arith.index_cast %scan3A_151 : i32 to index
        %swap3A_182 = arith.constant 48 : index
        %swap3A_183 = tpu.vector_load %arg7[%swap3A_181, %swap3A_182] {strides = array<i32>} : memref<24x768xf32, #tpu.memory_space<vmem>>, vector<1x16xf32>,
        %swap3A_184 = vector.shape_cast %swap3A_183 : vector<1x16xf32> to vector<16xf32>
        %swap3A_185 = vector.shape_cast %get3A_180 : vector<16xf32> to vector<1x16xf32>
        tpu.vector_store %arg7[%swap3A_181, %swap3A_182], %swap3A_185 {add = true, strides = array<i32>} : memref<24x768xf32, #tpu.memory_space<vmem>>, vector<1x16xf32>,
        %get3A_186 = arith.index_cast %scan3A_151 : i32 to index
        %get3A_187 = arith.constant 64 : index
        %get3A_188 = tpu.vector_load %arg10[%get3A_186, %get3A_187] {strides = array<i32>} : memref<24x768xf32, #tpu.memory_space<vmem>>, vector<1x16xf32>,
        %get3A_189 = vector.shape_cast %get3A_188 : vector<1x16xf32> to vector<16xf32>
        %swap3A_190 = arith.index_cast %scan3A_151 : i32 to index
        %swap3A_191 = arith.constant 64 : index
        %swap3A_192 = tpu.vector_load %arg7[%swap3A_190, %swap3A_191] {strides = array<i32>} : memref<24x768xf32, #tpu.memory_space<vmem>>, vector<1x16xf32>,
        %swap3A_193 = vector.shape_cast %swap3A_192 : vector<1x16xf32> to vector<16xf32>
        %swap3A_194 = vector.shape_cast %get3A_189 : vector<16xf32> to vector<1x16xf32>
        tpu.vector_store %arg7[%swap3A_190, %swap3A_191], %swap3A_194 {add = true, strides = array<i32>} : memref<24x768xf32, #tpu.memory_space<vmem>>, vector<1x16xf32>,
        %get3A_195 = arith.index_cast %scan3A_151 : i32 to index
        %get3A_196 = arith.constant 80 : index
        %get3A_197 = tpu.vector_load %arg10[%get3A_195, %get3A_196] {strides = array<i32>} : memref<24x768xf32, #tpu.memory_space<vmem>>, vector<1x16xf32>,
        %get3A_198 = vector.shape_cast %get3A_197 : vector<1x16xf32> to vector<16xf32>
        %swap3A_199 = arith.index_cast %scan3A_151 : i32 to index
        %swap3A_200 = arith.constant 80 : index
        %swap3A_201 = tpu.vector_load %arg7[%swap3A_199, %swap3A_200] {strides = array<i32>} : memref<24x768xf32, #tpu.memory_space<vmem>>, vector<1x16xf32>,
        %swap3A_202 = vector.shape_cast %swap3A_201 : vector<1x16xf32> to vector<16xf32>
        %swap3A_203 = vector.shape_cast %get3A_198 : vector<16xf32> to vector<1x16xf32>
        tpu.vector_store %arg7[%swap3A_199, %swap3A_200], %swap3A_203 {add = true, strides = array<i32>} : memref<24x768xf32, #tpu.memory_space<vmem>>, vector<1x16xf32>,
        %get3A_204 = arith.index_cast %scan3A_151 : i32 to index
        %get3A_205 = arith.constant 96 : index
        %get3A_206 = tpu.vector_load %arg10[%get3A_204, %get3A_205] {strides = array<i32>} : memref<24x768xf32, #tpu.memory_space<vmem>>, vector<1x16xf32>,
        %get3A_207 = vector.shape_cast %get3A_206 : vector<1x16xf32> to vector<16xf32>
        %swap3A_208 = arith.index_cast %scan3A_151 : i32 to index
        %swap3A_209 = arith.constant 96 : index
        %swap3A_210 = tpu.vector_load %arg7[%swap3A_208, %swap3A_209] {strides = array<i32>} : memref<24x768xf32, #tpu.memory_space<vmem>>, vector<1x16xf32>,
        %swap3A_211 = vector.shape_cast %swap3A_210 : vector<1x16xf32> to vector<16xf32>
        %swap3A_212 = vector.shape_cast %get3A_207 : vector<16xf32> to vector<1x16xf32>
        tpu.vector_store %arg7[%swap3A_208, %swap3A_209], %swap3A_212 {add = true, strides = array<i32>} : memref<24x768xf32, #tpu.memory_space<vmem>>, vector<1x16xf32>,
        %get3A_213 = arith.index_cast %scan3A_151 : i32 to index
        %get3A_214 = arith.constant 112 : index
        %get3A_215 = tpu.vector_load %arg10[%get3A_213, %get3A_214] {strides = array<i32>} : memref<24x768xf32, #tpu.memory_space<vmem>>, vector<1x16xf32>,
        %get3A_216 = vector.shape_cast %get3A_215 : vector<1x16xf32> to vector<16xf32>
        %swap3A_217 = arith.index_cast %scan3A_151 : i32 to index
        %swap3A_218 = arith.constant 112 : index
        %swap3A_219 = tpu.vector_load %arg7[%swap3A_217, %swap3A_218] {strides = array<i32>} : memref<24x768xf32, #tpu.memory_space<vmem>>, vector<1x16xf32>,
        %swap3A_220 = vector.shape_cast %swap3A_219 : vector<1x16xf32> to vector<16xf32>
        %swap3A_221 = vector.shape_cast %get3A_216 : vector<16xf32> to vector<1x16xf32>
        tpu.vector_store %arg7[%swap3A_217, %swap3A_218], %swap3A_221 {add = true, strides = array<i32>} : memref<24x768xf32, #tpu.memory_space<vmem>>, vector<1x16xf32>,
        %get3A_222 = arith.index_cast %scan3A_151 : i32 to index
        %get3A_223 = arith.constant 128 : index
        %get3A_224 = tpu.vector_load %arg10[%get3A_222, %get3A_223] {strides = array<i32>} : memref<24x768xf32, #tpu.memory_space<vmem>>, vector<1x16xf32>,
        %get3A_225 = vector.shape_cast %get3A_224 : vector<1x16xf32> to vector<16xf32>
        %swap3A_226 = arith.index_cast %scan3A_151 : i32 to index
        %swap3A_227 = arith.constant 128 : index
        %swap3A_228 = tpu.vector_load %arg7[%swap3A_226, %swap3A_227] {strides = array<i32>} : memref<24x768xf32, #tpu.memory_space<vmem>>, vector<1x16xf32>,
        %swap3A_229 = vector.shape_cast %swap3A_228 : vector<1x16xf32> to vector<16xf32>
        %swap3A_230 = vector.shape_cast %get3A_225 : vector<16xf32> to vector<1x16xf32>
        tpu.vector_store %arg7[%swap3A_226, %swap3A_227], %swap3A_230 {add = true, strides = array<i32>} : memref<24x768xf32, #tpu.memory_space<vmem>>, vector<1x16xf32>,
        %get3A_231 = arith.index_cast %scan3A_151 : i32 to index
        %get3A_232 = arith.constant 144 : index
        %get3A_233 = tpu.vector_load %arg10[%get3A_231, %get3A_232] {strides = array<i32>} : memref<24x768xf32, #tpu.memory_space<vmem>>, vector<1x16xf32>,
        %get3A_234 = vector.shape_cast %get3A_233 : vector<1x16xf32> to vector<16xf32>
        %swap3A_235 = arith.index_cast %scan3A_151 : i32 to index
        %swap3A_236 = arith.constant 144 : index
        %swap3A_237 = tpu.vector_load %arg7[%swap3A_235, %swap3A_236] {strides = array<i32>} : memref<24x768xf32, #tpu.memory_space<vmem>>, vector<1x16xf32>,
        %swap3A_238 = vector.shape_cast %swap3A_237 : vector<1x16xf32> to vector<16xf32>
        %swap3A_239 = vector.shape_cast %get3A_234 : vector<16xf32> to vector<1x16xf32>
        tpu.vector_store %arg7[%swap3A_235, %swap3A_236], %swap3A_239 {add = true, strides = array<i32>} : memref<24x768xf32, #tpu.memory_space<vmem>>, vector<1x16xf32>,
        %get3A_240 = arith.index_cast %scan3A_151 : i32 to index
        %get3A_241 = arith.constant 160 : index
        %get3A_242 = tpu.vector_load %arg10[%get3A_240, %get3A_241] {strides = array<i32>} : memref<24x768xf32, #tpu.memory_space<vmem>>, vector<1x16xf32>,
        %get3A_243 = vector.shape_cast %get3A_242 : vector<1x16xf32> to vector<16xf32>
        %swap3A_244 = arith.index_cast %scan3A_151 : i32 to index
        %swap3A_245 = arith.constant 160 : index
        %swap3A_246 = tpu.vector_load %arg7[%swap3A_244, %swap3A_245] {strides = array<i32>} : memref<24x768xf32, #tpu.memory_space<vmem>>, vector<1x16xf32>,
        %swap3A_247 = vector.shape_cast %swap3A_246 : vector<1x16xf32> to vector<16xf32>
        %swap3A_248 = vector.shape_cast %get3A_243 : vector<16xf32> to vector<1x16xf32>
        tpu.vector_store %arg7[%swap3A_244, %swap3A_245], %swap3A_248 {add = true, strides = array<i32>} : memref<24x768xf32, #tpu.memory_space<vmem>>, vector<1x16xf32>,
        %get3A_249 = arith.index_cast %scan3A_151 : i32 to index
        %get3A_250 = arith.constant 176 : index
        %get3A_251 = tpu.vector_load %arg10[%get3A_249, %get3A_250] {strides = array<i32>} : memref<24x768xf32, #tpu.memory_space<vmem>>, vector<1x16xf32>,
        %get3A_252 = vector.shape_cast %get3A_251 : vector<1x16xf32> to vector<16xf32>
        %swap3A_253 = arith.index_cast %scan3A_151 : i32 to index
        %swap3A_254 = arith.constant 176 : index
        %swap3A_255 = tpu.vector_load %arg7[%swap3A_253, %swap3A_254] {strides = array<i32>} : memref<24x768xf32, #tpu.memory_space<vmem>>, vector<1x16xf32>,
        %swap3A_256 = vector.shape_cast %swap3A_255 : vector<1x16xf32> to vector<16xf32>
        %swap3A_257 = vector.shape_cast %get3A_252 : vector<16xf32> to vector<1x16xf32>
        tpu.vector_store %arg7[%swap3A_253, %swap3A_254], %swap3A_257 {add = true, strides = array<i32>} : memref<24x768xf32, #tpu.memory_space<vmem>>, vector<1x16xf32>,
        %get3A_258 = arith.index_cast %scan3A_151 : i32 to index
        %get3A_259 = arith.constant 192 : index
        %get3A_260 = tpu.vector_load %arg10[%get3A_258, %get3A_259] {strides = array<i32>} : memref<24x768xf32, #tpu.memory_space<vmem>>, vector<1x16xf32>,
        %get3A_261 = vector.shape_cast %get3A_260 : vector<1x16xf32> to vector<16xf32>
        %swap3A_262 = arith.index_cast %scan3A_151 : i32 to index
        %swap3A_263 = arith.constant 192 : index
        %swap3A_264 = tpu.vector_load %arg7[%swap3A_262, %swap3A_263] {strides = array<i32>} : memref<24x768xf32, #tpu.memory_space<vmem>>, vector<1x16xf32>,
        %swap3A_265 = vector.shape_cast %swap3A_264 : vector<1x16xf32> to vector<16xf32>
        %swap3A_266 = vector.shape_cast %get3A_261 : vector<16xf32> to vector<1x16xf32>
        tpu.vector_store %arg7[%swap3A_262, %swap3A_263], %swap3A_266 {add = true, strides = array<i32>} : memref<24x768xf32, #tpu.memory_space<vmem>>, vector<1x16xf32>,
        %get3A_267 = arith.index_cast %scan3A_151 : i32 to index
        %get3A_268 = arith.constant 208 : index
        %get3A_269 = tpu.vector_load %arg10[%get3A_267, %get3A_268] {strides = array<i32>} : memref<24x768xf32, #tpu.memory_space<vmem>>, vector<1x16xf32>,
        %get3A_270 = vector.shape_cast %get3A_269 : vector<1x16xf32> to vector<16xf32>
        %swap3A_271 = arith.index_cast %scan3A_151 : i32 to index
        %swap3A_272 = arith.constant 208 : index
        %swap3A_273 = tpu.vector_load %arg7[%swap3A_271, %swap3A_272] {strides = array<i32>} : memref<24x768xf32, #tpu.memory_space<vmem>>, vector<1x16xf32>,
        %swap3A_274 = vector.shape_cast %swap3A_273 : vector<1x16xf32> to vector<16xf32>
        %swap3A_275 = vector.shape_cast %get3A_270 : vector<16xf32> to vector<1x16xf32>
        tpu.vector_store %arg7[%swap3A_271, %swap3A_272], %swap3A_275 {add = true, strides = array<i32>} : memref<24x768xf32, #tpu.memory_space<vmem>>, vector<1x16xf32>,
        %get3A_276 = arith.index_cast %scan3A_151 : i32 to index
        %get3A_277 = arith.constant 224 : index
        %get3A_278 = tpu.vector_load %arg10[%get3A_276, %get3A_277] {strides = array<i32>} : memref<24x768xf32, #tpu.memory_space<vmem>>, vector<1x16xf32>,
        %get3A_279 = vector.shape_cast %get3A_278 : vector<1x16xf32> to vector<16xf32>
        %swap3A_280 = arith.index_cast %scan3A_151 : i32 to index
        %swap3A_281 = arith.constant 224 : index
        %swap3A_282 = tpu.vector_load %arg7[%swap3A_280, %swap3A_281] {strides = array<i32>} : memref<24x768xf32, #tpu.memory_space<vmem>>, vector<1x16xf32>,
        %swap3A_283 = vector.shape_cast %swap3A_282 : vector<1x16xf32> to vector<16xf32>
        %swap3A_284 = vector.shape_cast %get3A_279 : vector<16xf32> to vector<1x16xf32>
        tpu.vector_store %arg7[%swap3A_280, %swap3A_281], %swap3A_284 {add = true, strides = array<i32>} : memref<24x768xf32, #tpu.memory_space<vmem>>, vector<1x16xf32>,
        %get3A_285 = arith.index_cast %scan3A_151 : i32 to index
        %get3A_286 = arith.constant 240 : index
        %get3A_287 = tpu.vector_load %arg10[%get3A_285, %get3A_286] {strides = array<i32>} : memref<24x768xf32, #tpu.memory_space<vmem>>, vector<1x16xf32>,
        %get3A_288 = vector.shape_cast %get3A_287 : vector<1x16xf32> to vector<16xf32>
        %swap3A_289 = arith.index_cast %scan3A_151 : i32 to index
        %swap3A_290 = arith.constant 240 : index
        %swap3A_291 = tpu.vector_load %arg7[%swap3A_289, %swap3A_290] {strides = array<i32>} : memref<24x768xf32, #tpu.memory_space<vmem>>, vector<1x16xf32>,
        %swap3A_292 = vector.shape_cast %swap3A_291 : vector<1x16xf32> to vector<16xf32>
        %swap3A_293 = vector.shape_cast %get3A_288 : vector<16xf32> to vector<1x16xf32>
        tpu.vector_store %arg7[%swap3A_289, %swap3A_290], %swap3A_293 {add = true, strides = array<i32>} : memref<24x768xf32, #tpu.memory_space<vmem>>, vector<1x16xf32>,
        %get3A_294 = arith.index_cast %scan3A_151 : i32 to index
        %get3A_295 = arith.constant 256 : index
        %get3A_296 = tpu.vector_load %arg10[%get3A_294, %get3A_295] {strides = array<i32>} : memref<24x768xf32, #tpu.memory_space<vmem>>, vector<1x16xf32>,
        %get3A_297 = vector.shape_cast %get3A_296 : vector<1x16xf32> to vector<16xf32>
        %swap3A_298 = arith.index_cast %scan3A_151 : i32 to index
        %swap3A_299 = arith.constant 256 : index
        %swap3A_300 = tpu.vector_load %arg7[%swap3A_298, %swap3A_299] {strides = array<i32>} : memref<24x768xf32, #tpu.memory_space<vmem>>, vector<1x16xf32>,
        %swap3A_301 = vector.shape_cast %swap3A_300 : vector<1x16xf32> to vector<16xf32>
        %swap3A_302 = vector.shape_cast %get3A_297 : vector<16xf32> to vector<1x16xf32>
        tpu.vector_store %arg7[%swap3A_298, %swap3A_299], %swap3A_302 {add = true, strides = array<i32>} : memref<24x768xf32, #tpu.memory_space<vmem>>, vector<1x16xf32>,
        %get3A_303 = arith.index_cast %scan3A_151 : i32 to index
        %get3A_304 = arith.constant 272 : index
        %get3A_305 = tpu.vector_load %arg10[%get3A_303, %get3A_304] {strides = array<i32>} : memref<24x768xf32, #tpu.memory_space<vmem>>, vector<1x16xf32>,
        %get3A_306 = vector.shape_cast %get3A_305 : vector<1x16xf32> to vector<16xf32>
        %swap3A_307 = arith.index_cast %scan3A_151 : i32 to index
        %swap3A_308 = arith.constant 272 : index
        %swap3A_309 = tpu.vector_load %arg7[%swap3A_307, %swap3A_308] {strides = array<i32>} : memref<24x768xf32, #tpu.memory_space<vmem>>, vector<1x16xf32>,
        %swap3A_310 = vector.shape_cast %swap3A_309 : vector<1x16xf32> to vector<16xf32>
        %swap3A_311 = vector.shape_cast %get3A_306 : vector<16xf32> to vector<1x16xf32>
        tpu.vector_store %arg7[%swap3A_307, %swap3A_308], %swap3A_311 {add = true, strides = array<i32>} : memref<24x768xf32, #tpu.memory_space<vmem>>, vector<1x16xf32>,
        %get3A_312 = arith.index_cast %scan3A_151 : i32 to index
        %get3A_313 = arith.constant 288 : index
        %get3A_314 = tpu.vector_load %arg10[%get3A_312, %get3A_313] {strides = array<i32>} : memref<24x768xf32, #tpu.memory_space<vmem>>, vector<1x16xf32>,
        %get3A_315 = vector.shape_cast %get3A_314 : vector<1x16xf32> to vector<16xf32>
        %swap3A_316 = arith.index_cast %scan3A_151 : i32 to index
        %swap3A_317 = arith.constant 288 : index
        %swap3A_318 = tpu.vector_load %arg7[%swap3A_316, %swap3A_317] {strides = array<i32>} : memref<24x768xf32, #tpu.memory_space<vmem>>, vector<1x16xf32>,
        %swap3A_319 = vector.shape_cast %swap3A_318 : vector<1x16xf32> to vector<16xf32>
        %swap3A_320 = vector.shape_cast %get3A_315 : vector<16xf32> to vector<1x16xf32>
        tpu.vector_store %arg7[%swap3A_316, %swap3A_317], %swap3A_320 {add = true, strides = array<i32>} : memref<24x768xf32, #tpu.memory_space<vmem>>, vector<1x16xf32>,
        %get3A_321 = arith.index_cast %scan3A_151 : i32 to index
        %get3A_322 = arith.constant 304 : index
        %get3A_323 = tpu.vector_load %arg10[%get3A_321, %get3A_322] {strides = array<i32>} : memref<24x768xf32, #tpu.memory_space<vmem>>, vector<1x16xf32>,
        %get3A_324 = vector.shape_cast %get3A_323 : vector<1x16xf32> to vector<16xf32>
        %swap3A_325 = arith.index_cast %scan3A_151 : i32 to index
        %swap3A_326 = arith.constant 304 : index
        %swap3A_327 = tpu.vector_load %arg7[%swap3A_325, %swap3A_326] {strides = array<i32>} : memref<24x768xf32, #tpu.memory_space<vmem>>, vector<1x16xf32>,
        %swap3A_328 = vector.shape_cast %swap3A_327 : vector<1x16xf32> to vector<16xf32>
        %swap3A_329 = vector.shape_cast %get3A_324 : vector<16xf32> to vector<1x16xf32>
        tpu.vector_store %arg7[%swap3A_325, %swap3A_326], %swap3A_329 {add = true, strides = array<i32>} : memref<24x768xf32, #tpu.memory_space<vmem>>, vector<1x16xf32>,
        %get3A_330 = arith.index_cast %scan3A_151 : i32 to index
        %get3A_331 = arith.constant 320 : index
        %get3A_332 = tpu.vector_load %arg10[%get3A_330, %get3A_331] {strides = array<i32>} : memref<24x768xf32, #tpu.memory_space<vmem>>, vector<1x16xf32>,
        %get3A_333 = vector.shape_cast %get3A_332 : vector<1x16xf32> to vector<16xf32>
        %swap3A_334 = arith.index_cast %scan3A_151 : i32 to index
        %swap3A_335 = arith.constant 320 : index
        %swap3A_336 = tpu.vector_load %arg7[%swap3A_334, %swap3A_335] {strides = array<i32>} : memref<24x768xf32, #tpu.memory_space<vmem>>, vector<1x16xf32>,
        %swap3A_337 = vector.shape_cast %swap3A_336 : vector<1x16xf32> to vector<16xf32>
        %swap3A_338 = vector.shape_cast %get3A_333 : vector<16xf32> to vector<1x16xf32>
        tpu.vector_store %arg7[%swap3A_334, %swap3A_335], %swap3A_338 {add = true, strides = array<i32>} : memref<24x768xf32, #tpu.memory_space<vmem>>, vector<1x16xf32>,
        %get3A_339 = arith.index_cast %scan3A_151 : i32 to index
        %get3A_340 = arith.constant 336 : index
        %get3A_341 = tpu.vector_load %arg10[%get3A_339, %get3A_340] {strides = array<i32>} : memref<24x768xf32, #tpu.memory_space<vmem>>, vector<1x16xf32>,
        %get3A_342 = vector.shape_cast %get3A_341 : vector<1x16xf32> to vector<16xf32>
        %swap3A_343 = arith.index_cast %scan3A_151 : i32 to index
        %swap3A_344 = arith.constant 336 : index
        %swap3A_345 = tpu.vector_load %arg7[%swap3A_343, %swap3A_344] {strides = array<i32>} : memref<24x768xf32, #tpu.memory_space<vmem>>, vector<1x16xf32>,
        %swap3A_346 = vector.shape_cast %swap3A_345 : vector<1x16xf32> to vector<16xf32>
        %swap3A_347 = vector.shape_cast %get3A_342 : vector<16xf32> to vector<1x16xf32>
        tpu.vector_store %arg7[%swap3A_343, %swap3A_344], %swap3A_347 {add = true, strides = array<i32>} : memref<24x768xf32, #tpu.memory_space<vmem>>, vector<1x16xf32>,
        %get3A_348 = arith.index_cast %scan3A_151 : i32 to index
        %get3A_349 = arith.constant 352 : index
        %get3A_350 = tpu.vector_load %arg10[%get3A_348, %get3A_349] {strides = array<i32>} : memref<24x768xf32, #tpu.memory_space<vmem>>, vector<1x16xf32>,
        %get3A_351 = vector.shape_cast %get3A_350 : vector<1x16xf32> to vector<16xf32>
        %swap3A_352 = arith.index_cast %scan3A_151 : i32 to index
        %swap3A_353 = arith.constant 352 : index
        %swap3A_354 = tpu.vector_load %arg7[%swap3A_352, %swap3A_353] {strides = array<i32>} : memref<24x768xf32, #tpu.memory_space<vmem>>, vector<1x16xf32>,
        %swap3A_355 = vector.shape_cast %swap3A_354 : vector<1x16xf32> to vector<16xf32>
        %swap3A_356 = vector.shape_cast %get3A_351 : vector<16xf32> to vector<1x16xf32>
        tpu.vector_store %arg7[%swap3A_352, %swap3A_353], %swap3A_356 {add = true, strides = array<i32>} : memref<24x768xf32, #tpu.memory_space<vmem>>, vector<1x16xf32>,
        %get3A_357 = arith.index_cast %scan3A_151 : i32 to index
        %get3A_358 = arith.constant 368 : index
        %get3A_359 = tpu.vector_load %arg10[%get3A_357, %get3A_358] {strides = array<i32>} : memref<24x768xf32, #tpu.memory_space<vmem>>, vector<1x16xf32>,
        %get3A_360 = vector.shape_cast %get3A_359 : vector<1x16xf32> to vector<16xf32>
        %swap3A_361 = arith.index_cast %scan3A_151 : i32 to index
        %swap3A_362 = arith.constant 368 : index
        %swap3A_363 = tpu.vector_load %arg7[%swap3A_361, %swap3A_362] {strides = array<i32>} : memref<24x768xf32, #tpu.memory_space<vmem>>, vector<1x16xf32>,
        %swap3A_364 = vector.shape_cast %swap3A_363 : vector<1x16xf32> to vector<16xf32>
        %swap3A_365 = vector.shape_cast %get3A_360 : vector<16xf32> to vector<1x16xf32>
        tpu.vector_store %arg7[%swap3A_361, %swap3A_362], %swap3A_365 {add = true, strides = array<i32>} : memref<24x768xf32, #tpu.memory_space<vmem>>, vector<1x16xf32>,
        %get3A_366 = arith.index_cast %scan3A_151 : i32 to index
        %get3A_367 = arith.constant 384 : index
        %get3A_368 = tpu.vector_load %arg10[%get3A_366, %get3A_367] {strides = array<i32>} : memref<24x768xf32, #tpu.memory_space<vmem>>, vector<1x16xf32>,
        %get3A_369 = vector.shape_cast %get3A_368 : vector<1x16xf32> to vector<16xf32>
        %swap3A_370 = arith.index_cast %scan3A_151 : i32 to index
        %swap3A_371 = arith.constant 384 : index
        %swap3A_372 = tpu.vector_load %arg7[%swap3A_370, %swap3A_371] {strides = array<i32>} : memref<24x768xf32, #tpu.memory_space<vmem>>, vector<1x16xf32>,
        %swap3A_373 = vector.shape_cast %swap3A_372 : vector<1x16xf32> to vector<16xf32>
        %swap3A_374 = vector.shape_cast %get3A_369 : vector<16xf32> to vector<1x16xf32>
        tpu.vector_store %arg7[%swap3A_370, %swap3A_371], %swap3A_374 {add = true, strides = array<i32>} : memref<24x768xf32, #tpu.memory_space<vmem>>, vector<1x16xf32>,
        %get3A_375 = arith.index_cast %scan3A_151 : i32 to index
        %get3A_376 = arith.constant 400 : index
        %get3A_377 = tpu.vector_load %arg10[%get3A_375, %get3A_376] {strides = array<i32>} : memref<24x768xf32, #tpu.memory_space<vmem>>, vector<1x16xf32>,
        %get3A_378 = vector.shape_cast %get3A_377 : vector<1x16xf32> to vector<16xf32>
        %swap3A_379 = arith.index_cast %scan3A_151 : i32 to index
        %swap3A_380 = arith.constant 400 : index
        %swap3A_381 = tpu.vector_load %arg7[%swap3A_379, %swap3A_380] {strides = array<i32>} : memref<24x768xf32, #tpu.memory_space<vmem>>, vector<1x16xf32>,
        %swap3A_382 = vector.shape_cast %swap3A_381 : vector<1x16xf32> to vector<16xf32>
        %swap3A_383 = vector.shape_cast %get3A_378 : vector<16xf32> to vector<1x16xf32>
        tpu.vector_store %arg7[%swap3A_379, %swap3A_380], %swap3A_383 {add = true, strides = array<i32>} : memref<24x768xf32, #tpu.memory_space<vmem>>, vector<1x16xf32>,
        %get3A_384 = arith.index_cast %scan3A_151 : i32 to index
        %get3A_385 = arith.constant 416 : index
        %get3A_386 = tpu.vector_load %arg10[%get3A_384, %get3A_385] {strides = array<i32>} : memref<24x768xf32, #tpu.memory_space<vmem>>, vector<1x16xf32>,
        %get3A_387 = vector.shape_cast %get3A_386 : vector<1x16xf32> to vector<16xf32>
        %swap3A_388 = arith.index_cast %scan3A_151 : i32 to index
        %swap3A_389 = arith.constant 416 : index
        %swap3A_390 = tpu.vector_load %arg7[%swap3A_388, %swap3A_389] {strides = array<i32>} : memref<24x768xf32, #tpu.memory_space<vmem>>, vector<1x16xf32>,
        %swap3A_391 = vector.shape_cast %swap3A_390 : vector<1x16xf32> to vector<16xf32>
        %swap3A_392 = vector.shape_cast %get3A_387 : vector<16xf32> to vector<1x16xf32>
        tpu.vector_store %arg7[%swap3A_388, %swap3A_389], %swap3A_392 {add = true, strides = array<i32>} : memref<24x768xf32, #tpu.memory_space<vmem>>, vector<1x16xf32>,
        %get3A_393 = arith.index_cast %scan3A_151 : i32 to index
        %get3A_394 = arith.constant 432 : index
        %get3A_395 = tpu.vector_load %arg10[%get3A_393, %get3A_394] {strides = array<i32>} : memref<24x768xf32, #tpu.memory_space<vmem>>, vector<1x16xf32>,
        %get3A_396 = vector.shape_cast %get3A_395 : vector<1x16xf32> to vector<16xf32>
        %swap3A_397 = arith.index_cast %scan3A_151 : i32 to index
        %swap3A_398 = arith.constant 432 : index
        %swap3A_399 = tpu.vector_load %arg7[%swap3A_397, %swap3A_398] {strides = array<i32>} : memref<24x768xf32, #tpu.memory_space<vmem>>, vector<1x16xf32>,
        %swap3A_400 = vector.shape_cast %swap3A_399 : vector<1x16xf32> to vector<16xf32>
        %swap3A_401 = vector.shape_cast %get3A_396 : vector<16xf32> to vector<1x16xf32>
        tpu.vector_store %arg7[%swap3A_397, %swap3A_398], %swap3A_401 {add = true, strides = array<i32>} : memref<24x768xf32, #tpu.memory_space<vmem>>, vector<1x16xf32>,
        %get3A_402 = arith.index_cast %scan3A_151 : i32 to index
        %get3A_403 = arith.constant 448 : index
        %get3A_404 = tpu.vector_load %arg10[%get3A_402, %get3A_403] {strides = array<i32>} : memref<24x768xf32, #tpu.memory_space<vmem>>, vector<1x16xf32>,
        %get3A_405 = vector.shape_cast %get3A_404 : vector<1x16xf32> to vector<16xf32>
        %swap3A_406 = arith.index_cast %scan3A_151 : i32 to index
        %swap3A_407 = arith.constant 448 : index
        %swap3A_408 = tpu.vector_load %arg7[%swap3A_406, %swap3A_407] {strides = array<i32>} : memref<24x768xf32, #tpu.memory_space<vmem>>, vector<1x16xf32>,
        %swap3A_409 = vector.shape_cast %swap3A_408 : vector<1x16xf32> to vector<16xf32>
        %swap3A_410 = vector.shape_cast %get3A_405 : vector<16xf32> to vector<1x16xf32>
        tpu.vector_store %arg7[%swap3A_406, %swap3A_407], %swap3A_410 {add = true, strides = array<i32>} : memref<24x768xf32, #tpu.memory_space<vmem>>, vector<1x16xf32>,
        %get3A_411 = arith.index_cast %scan3A_151 : i32 to index
        %get3A_412 = arith.constant 464 : index
        %get3A_413 = tpu.vector_load %arg10[%get3A_411, %get3A_412] {strides = array<i32>} : memref<24x768xf32, #tpu.memory_space<vmem>>, vector<1x16xf32>,
        %get3A_414 = vector.shape_cast %get3A_413 : vector<1x16xf32> to vector<16xf32>
        %swap3A_415 = arith.index_cast %scan3A_151 : i32 to index
        %swap3A_416 = arith.constant 464 : index
        %swap3A_417 = tpu.vector_load %arg7[%swap3A_415, %swap3A_416] {strides = array<i32>} : memref<24x768xf32, #tpu.memory_space<vmem>>, vector<1x16xf32>,
        %swap3A_418 = vector.shape_cast %swap3A_417 : vector<1x16xf32> to vector<16xf32>
        %swap3A_419 = vector.shape_cast %get3A_414 : vector<16xf32> to vector<1x16xf32>
        tpu.vector_store %arg7[%swap3A_415, %swap3A_416], %swap3A_419 {add = true, strides = array<i32>} : memref<24x768xf32, #tpu.memory_space<vmem>>, vector<1x16xf32>,
        %get3A_420 = arith.index_cast %scan3A_151 : i32 to index
        %get3A_421 = arith.constant 480 : index
        %get3A_422 = tpu.vector_load %arg10[%get3A_420, %get3A_421] {strides = array<i32>} : memref<24x768xf32, #tpu.memory_space<vmem>>, vector<1x16xf32>,
        %get3A_423 = vector.shape_cast %get3A_422 : vector<1x16xf32> to vector<16xf32>
        %swap3A_424 = arith.index_cast %scan3A_151 : i32 to index
        %swap3A_425 = arith.constant 480 : index
        %swap3A_426 = tpu.vector_load %arg7[%swap3A_424, %swap3A_425] {strides = array<i32>} : memref<24x768xf32, #tpu.memory_space<vmem>>, vector<1x16xf32>,
        %swap3A_427 = vector.shape_cast %swap3A_426 : vector<1x16xf32> to vector<16xf32>
        %swap3A_428 = vector.shape_cast %get3A_423 : vector<16xf32> to vector<1x16xf32>
        tpu.vector_store %arg7[%swap3A_424, %swap3A_425], %swap3A_428 {add = true, strides = array<i32>} : memref<24x768xf32, #tpu.memory_space<vmem>>, vector<1x16xf32>,
        %get3A_429 = arith.index_cast %scan3A_151 : i32 to index
        %get3A_430 = arith.constant 496 : index
        %get3A_431 = tpu.vector_load %arg10[%get3A_429, %get3A_430] {strides = array<i32>} : memref<24x768xf32, #tpu.memory_space<vmem>>, vector<1x16xf32>,
        %get3A_432 = vector.shape_cast %get3A_431 : vector<1x16xf32> to vector<16xf32>
        %swap3A_433 = arith.index_cast %scan3A_151 : i32 to index
        %swap3A_434 = arith.constant 496 : index
        %swap3A_435 = tpu.vector_load %arg7[%swap3A_433, %swap3A_434] {strides = array<i32>} : memref<24x768xf32, #tpu.memory_space<vmem>>, vector<1x16xf32>,
        %swap3A_436 = vector.shape_cast %swap3A_435 : vector<1x16xf32> to vector<16xf32>
        %swap3A_437 = vector.shape_cast %get3A_432 : vector<16xf32> to vector<1x16xf32>
        tpu.vector_store %arg7[%swap3A_433, %swap3A_434], %swap3A_437 {add = true, strides = array<i32>} : memref<24x768xf32, #tpu.memory_space<vmem>>, vector<1x16xf32>,
        %get3A_438 = arith.index_cast %scan3A_151 : i32 to index
        %get3A_439 = arith.constant 512 : index
        %get3A_440 = tpu.vector_load %arg10[%get3A_438, %get3A_439] {strides = array<i32>} : memref<24x768xf32, #tpu.memory_space<vmem>>, vector<1x16xf32>,
        %get3A_441 = vector.shape_cast %get3A_440 : vector<1x16xf32> to vector<16xf32>
        %swap3A_442 = arith.index_cast %scan3A_151 : i32 to index
        %swap3A_443 = arith.constant 512 : index
        %swap3A_444 = tpu.vector_load %arg7[%swap3A_442, %swap3A_443] {strides = array<i32>} : memref<24x768xf32, #tpu.memory_space<vmem>>, vector<1x16xf32>,
        %swap3A_445 = vector.shape_cast %swap3A_444 : vector<1x16xf32> to vector<16xf32>
        %swap3A_446 = vector.shape_cast %get3A_441 : vector<16xf32> to vector<1x16xf32>
        tpu.vector_store %arg7[%swap3A_442, %swap3A_443], %swap3A_446 {add = true, strides = array<i32>} : memref<24x768xf32, #tpu.memory_space<vmem>>, vector<1x16xf32>,
        %get3A_447 = arith.index_cast %scan3A_151 : i32 to index
        %get3A_448 = arith.constant 528 : index
        %get3A_449 = tpu.vector_load %arg10[%get3A_447, %get3A_448] {strides = array<i32>} : memref<24x768xf32, #tpu.memory_space<vmem>>, vector<1x16xf32>,
        %get3A_450 = vector.shape_cast %get3A_449 : vector<1x16xf32> to vector<16xf32>
        %swap3A_451 = arith.index_cast %scan3A_151 : i32 to index
        %swap3A_452 = arith.constant 528 : index
        %swap3A_453 = tpu.vector_load %arg7[%swap3A_451, %swap3A_452] {strides = array<i32>} : memref<24x768xf32, #tpu.memory_space<vmem>>, vector<1x16xf32>,
        %swap3A_454 = vector.shape_cast %swap3A_453 : vector<1x16xf32> to vector<16xf32>
        %swap3A_455 = vector.shape_cast %get3A_450 : vector<16xf32> to vector<1x16xf32>
        tpu.vector_store %arg7[%swap3A_451, %swap3A_452], %swap3A_455 {add = true, strides = array<i32>} : memref<24x768xf32, #tpu.memory_space<vmem>>, vector<1x16xf32>,
        %get3A_456 = arith.index_cast %scan3A_151 : i32 to index
        %get3A_457 = arith.constant 544 : index
        %get3A_458 = tpu.vector_load %arg10[%get3A_456, %get3A_457] {strides = array<i32>} : memref<24x768xf32, #tpu.memory_space<vmem>>, vector<1x16xf32>,
        %get3A_459 = vector.shape_cast %get3A_458 : vector<1x16xf32> to vector<16xf32>
        %swap3A_460 = arith.index_cast %scan3A_151 : i32 to index
        %swap3A_461 = arith.constant 544 : index
        %swap3A_462 = tpu.vector_load %arg7[%swap3A_460, %swap3A_461] {strides = array<i32>} : memref<24x768xf32, #tpu.memory_space<vmem>>, vector<1x16xf32>,
        %swap3A_463 = vector.shape_cast %swap3A_462 : vector<1x16xf32> to vector<16xf32>
        %swap3A_464 = vector.shape_cast %get3A_459 : vector<16xf32> to vector<1x16xf32>
        tpu.vector_store %arg7[%swap3A_460, %swap3A_461], %swap3A_464 {add = true, strides = array<i32>} : memref<24x768xf32, #tpu.memory_space<vmem>>, vector<1x16xf32>,
        %get3A_465 = arith.index_cast %scan3A_151 : i32 to index
        %get3A_466 = arith.constant 560 : index
        %get3A_467 = tpu.vector_load %arg10[%get3A_465, %get3A_466] {strides = array<i32>} : memref<24x768xf32, #tpu.memory_space<vmem>>, vector<1x16xf32>,
        %get3A_468 = vector.shape_cast %get3A_467 : vector<1x16xf32> to vector<16xf32>
        %swap3A_469 = arith.index_cast %scan3A_151 : i32 to index
        %swap3A_470 = arith.constant 560 : index
        %swap3A_471 = tpu.vector_load %arg7[%swap3A_469, %swap3A_470] {strides = array<i32>} : memref<24x768xf32, #tpu.memory_space<vmem>>, vector<1x16xf32>,
        %swap3A_472 = vector.shape_cast %swap3A_471 : vector<1x16xf32> to vector<16xf32>
        %swap3A_473 = vector.shape_cast %get3A_468 : vector<16xf32> to vector<1x16xf32>
        tpu.vector_store %arg7[%swap3A_469, %swap3A_470], %swap3A_473 {add = true, strides = array<i32>} : memref<24x768xf32, #tpu.memory_space<vmem>>, vector<1x16xf32>,
        %get3A_474 = arith.index_cast %scan3A_151 : i32 to index
        %get3A_475 = arith.constant 576 : index
        %get3A_476 = tpu.vector_load %arg10[%get3A_474, %get3A_475] {strides = array<i32>} : memref<24x768xf32, #tpu.memory_space<vmem>>, vector<1x16xf32>,
        %get3A_477 = vector.shape_cast %get3A_476 : vector<1x16xf32> to vector<16xf32>
        %swap3A_478 = arith.index_cast %scan3A_151 : i32 to index
        %swap3A_479 = arith.constant 576 : index
        %swap3A_480 = tpu.vector_load %arg7[%swap3A_478, %swap3A_479] {strides = array<i32>} : memref<24x768xf32, #tpu.memory_space<vmem>>, vector<1x16xf32>,
        %swap3A_481 = vector.shape_cast %swap3A_480 : vector<1x16xf32> to vector<16xf32>
        %swap3A_482 = vector.shape_cast %get3A_477 : vector<16xf32> to vector<1x16xf32>
        tpu.vector_store %arg7[%swap3A_478, %swap3A_479], %swap3A_482 {add = true, strides = array<i32>} : memref<24x768xf32, #tpu.memory_space<vmem>>, vector<1x16xf32>,
        %get3A_483 = arith.index_cast %scan3A_151 : i32 to index
        %get3A_484 = arith.constant 592 : index
        %get3A_485 = tpu.vector_load %arg10[%get3A_483, %get3A_484] {strides = array<i32>} : memref<24x768xf32, #tpu.memory_space<vmem>>, vector<1x16xf32>,
        %get3A_486 = vector.shape_cast %get3A_485 : vector<1x16xf32> to vector<16xf32>
        %swap3A_487 = arith.index_cast %scan3A_151 : i32 to index
        %swap3A_488 = arith.constant 592 : index
        %swap3A_489 = tpu.vector_load %arg7[%swap3A_487, %swap3A_488] {strides = array<i32>} : memref<24x768xf32, #tpu.memory_space<vmem>>, vector<1x16xf32>,
        %swap3A_490 = vector.shape_cast %swap3A_489 : vector<1x16xf32> to vector<16xf32>
        %swap3A_491 = vector.shape_cast %get3A_486 : vector<16xf32> to vector<1x16xf32>
        tpu.vector_store %arg7[%swap3A_487, %swap3A_488], %swap3A_491 {add = true, strides = array<i32>} : memref<24x768xf32, #tpu.memory_space<vmem>>, vector<1x16xf32>,
        %get3A_492 = arith.index_cast %scan3A_151 : i32 to index
        %get3A_493 = arith.constant 608 : index
        %get3A_494 = tpu.vector_load %arg10[%get3A_492, %get3A_493] {strides = array<i32>} : memref<24x768xf32, #tpu.memory_space<vmem>>, vector<1x16xf32>,
        %get3A_495 = vector.shape_cast %get3A_494 : vector<1x16xf32> to vector<16xf32>
        %swap3A_496 = arith.index_cast %scan3A_151 : i32 to index
        %swap3A_497 = arith.constant 608 : index
        %swap3A_498 = tpu.vector_load %arg7[%swap3A_496, %swap3A_497] {strides = array<i32>} : memref<24x768xf32, #tpu.memory_space<vmem>>, vector<1x16xf32>,
        %swap3A_499 = vector.shape_cast %swap3A_498 : vector<1x16xf32> to vector<16xf32>
        %swap3A_500 = vector.shape_cast %get3A_495 : vector<16xf32> to vector<1x16xf32>
        tpu.vector_store %arg7[%swap3A_496, %swap3A_497], %swap3A_500 {add = true, strides = array<i32>} : memref<24x768xf32, #tpu.memory_space<vmem>>, vector<1x16xf32>,
        %get3A_501 = arith.index_cast %scan3A_151 : i32 to index
        %get3A_502 = arith.constant 624 : index
        %get3A_503 = tpu.vector_load %arg10[%get3A_501, %get3A_502] {strides = array<i32>} : memref<24x768xf32, #tpu.memory_space<vmem>>, vector<1x16xf32>,
        %get3A_504 = vector.shape_cast %get3A_503 : vector<1x16xf32> to vector<16xf32>
        %swap3A_505 = arith.index_cast %scan3A_151 : i32 to index
        %swap3A_506 = arith.constant 624 : index
        %swap3A_507 = tpu.vector_load %arg7[%swap3A_505, %swap3A_506] {strides = array<i32>} : memref<24x768xf32, #tpu.memory_space<vmem>>, vector<1x16xf32>,
        %swap3A_508 = vector.shape_cast %swap3A_507 : vector<1x16xf32> to vector<16xf32>
        %swap3A_509 = vector.shape_cast %get3A_504 : vector<16xf32> to vector<1x16xf32>
        tpu.vector_store %arg7[%swap3A_505, %swap3A_506], %swap3A_509 {add = true, strides = array<i32>} : memref<24x768xf32, #tpu.memory_space<vmem>>, vector<1x16xf32>,
        %get3A_510 = arith.index_cast %scan3A_151 : i32 to index
        %get3A_511 = arith.constant 640 : index
        %get3A_512 = tpu.vector_load %arg10[%get3A_510, %get3A_511] {strides = array<i32>} : memref<24x768xf32, #tpu.memory_space<vmem>>, vector<1x16xf32>,
        %get3A_513 = vector.shape_cast %get3A_512 : vector<1x16xf32> to vector<16xf32>
        %swap3A_514 = arith.index_cast %scan3A_151 : i32 to index
        %swap3A_515 = arith.constant 640 : index
        %swap3A_516 = tpu.vector_load %arg7[%swap3A_514, %swap3A_515] {strides = array<i32>} : memref<24x768xf32, #tpu.memory_space<vmem>>, vector<1x16xf32>,
        %swap3A_517 = vector.shape_cast %swap3A_516 : vector<1x16xf32> to vector<16xf32>
        %swap3A_518 = vector.shape_cast %get3A_513 : vector<16xf32> to vector<1x16xf32>
        tpu.vector_store %arg7[%swap3A_514, %swap3A_515], %swap3A_518 {add = true, strides = array<i32>} : memref<24x768xf32, #tpu.memory_space<vmem>>, vector<1x16xf32>,
        %get3A_519 = arith.index_cast %scan3A_151 : i32 to index
        %get3A_520 = arith.constant 656 : index
        %get3A_521 = tpu.vector_load %arg10[%get3A_519, %get3A_520] {strides = array<i32>} : memref<24x768xf32, #tpu.memory_space<vmem>>, vector<1x16xf32>,
        %get3A_522 = vector.shape_cast %get3A_521 : vector<1x16xf32> to vector<16xf32>
        %swap3A_523 = arith.index_cast %scan3A_151 : i32 to index
        %swap3A_524 = arith.constant 656 : index
        %swap3A_525 = tpu.vector_load %arg7[%swap3A_523, %swap3A_524] {strides = array<i32>} : memref<24x768xf32, #tpu.memory_space<vmem>>, vector<1x16xf32>,
        %swap3A_526 = vector.shape_cast %swap3A_525 : vector<1x16xf32> to vector<16xf32>
        %swap3A_527 = vector.shape_cast %get3A_522 : vector<16xf32> to vector<1x16xf32>
        tpu.vector_store %arg7[%swap3A_523, %swap3A_524], %swap3A_527 {add = true, strides = array<i32>} : memref<24x768xf32, #tpu.memory_space<vmem>>, vector<1x16xf32>,
        %get3A_528 = arith.index_cast %scan3A_151 : i32 to index
        %get3A_529 = arith.constant 672 : index
        %get3A_530 = tpu.vector_load %arg10[%get3A_528, %get3A_529] {strides = array<i32>} : memref<24x768xf32, #tpu.memory_space<vmem>>, vector<1x16xf32>,
        %get3A_531 = vector.shape_cast %get3A_530 : vector<1x16xf32> to vector<16xf32>
        %swap3A_532 = arith.index_cast %scan3A_151 : i32 to index
        %swap3A_533 = arith.constant 672 : index
        %swap3A_534 = tpu.vector_load %arg7[%swap3A_532, %swap3A_533] {strides = array<i32>} : memref<24x768xf32, #tpu.memory_space<vmem>>, vector<1x16xf32>,
        %swap3A_535 = vector.shape_cast %swap3A_534 : vector<1x16xf32> to vector<16xf32>
        %swap3A_536 = vector.shape_cast %get3A_531 : vector<16xf32> to vector<1x16xf32>
        tpu.vector_store %arg7[%swap3A_532, %swap3A_533], %swap3A_536 {add = true, strides = array<i32>} : memref<24x768xf32, #tpu.memory_space<vmem>>, vector<1x16xf32>,
        %get3A_537 = arith.index_cast %scan3A_151 : i32 to index
        %get3A_538 = arith.constant 688 : index
        %get3A_539 = tpu.vector_load %arg10[%get3A_537, %get3A_538] {strides = array<i32>} : memref<24x768xf32, #tpu.memory_space<vmem>>, vector<1x16xf32>,
        %get3A_540 = vector.shape_cast %get3A_539 : vector<1x16xf32> to vector<16xf32>
        %swap3A_541 = arith.index_cast %scan3A_151 : i32 to index
        %swap3A_542 = arith.constant 688 : index
        %swap3A_543 = tpu.vector_load %arg7[%swap3A_541, %swap3A_542] {strides = array<i32>} : memref<24x768xf32, #tpu.memory_space<vmem>>, vector<1x16xf32>,
        %swap3A_544 = vector.shape_cast %swap3A_543 : vector<1x16xf32> to vector<16xf32>
        %swap3A_545 = vector.shape_cast %get3A_540 : vector<16xf32> to vector<1x16xf32>
        tpu.vector_store %arg7[%swap3A_541, %swap3A_542], %swap3A_545 {add = true, strides = array<i32>} : memref<24x768xf32, #tpu.memory_space<vmem>>, vector<1x16xf32>,
        %get3A_546 = arith.index_cast %scan3A_151 : i32 to index
        %get3A_547 = arith.constant 704 : index
        %get3A_548 = tpu.vector_load %arg10[%get3A_546, %get3A_547] {strides = array<i32>} : memref<24x768xf32, #tpu.memory_space<vmem>>, vector<1x16xf32>,
        %get3A_549 = vector.shape_cast %get3A_548 : vector<1x16xf32> to vector<16xf32>
        %swap3A_550 = arith.index_cast %scan3A_151 : i32 to index
        %swap3A_551 = arith.constant 704 : index
        %swap3A_552 = tpu.vector_load %arg7[%swap3A_550, %swap3A_551] {strides = array<i32>} : memref<24x768xf32, #tpu.memory_space<vmem>>, vector<1x16xf32>,
        %swap3A_553 = vector.shape_cast %swap3A_552 : vector<1x16xf32> to vector<16xf32>
        %swap3A_554 = vector.shape_cast %get3A_549 : vector<16xf32> to vector<1x16xf32>
        tpu.vector_store %arg7[%swap3A_550, %swap3A_551], %swap3A_554 {add = true, strides = array<i32>} : memref<24x768xf32, #tpu.memory_space<vmem>>, vector<1x16xf32>,
        %get3A_555 = arith.index_cast %scan3A_151 : i32 to index
        %get3A_556 = arith.constant 720 : index
        %get3A_557 = tpu.vector_load %arg10[%get3A_555, %get3A_556] {strides = array<i32>} : memref<24x768xf32, #tpu.memory_space<vmem>>, vector<1x16xf32>,
        %get3A_558 = vector.shape_cast %get3A_557 : vector<1x16xf32> to vector<16xf32>
        %swap3A_559 = arith.index_cast %scan3A_151 : i32 to index
        %swap3A_560 = arith.constant 720 : index
        %swap3A_561 = tpu.vector_load %arg7[%swap3A_559, %swap3A_560] {strides = array<i32>} : memref<24x768xf32, #tpu.memory_space<vmem>>, vector<1x16xf32>,
        %swap3A_562 = vector.shape_cast %swap3A_561 : vector<1x16xf32> to vector<16xf32>
        %swap3A_563 = vector.shape_cast %get3A_558 : vector<16xf32> to vector<1x16xf32>
        tpu.vector_store %arg7[%swap3A_559, %swap3A_560], %swap3A_563 {add = true, strides = array<i32>} : memref<24x768xf32, #tpu.memory_space<vmem>>, vector<1x16xf32>,
        %get3A_564 = arith.index_cast %scan3A_151 : i32 to index
        %get3A_565 = arith.constant 736 : index
        %get3A_566 = tpu.vector_load %arg10[%get3A_564, %get3A_565] {strides = array<i32>} : memref<24x768xf32, #tpu.memory_space<vmem>>, vector<1x16xf32>,
        %get3A_567 = vector.shape_cast %get3A_566 : vector<1x16xf32> to vector<16xf32>
        %swap3A_568 = arith.index_cast %scan3A_151 : i32 to index
        %swap3A_569 = arith.constant 736 : index
        %swap3A_570 = tpu.vector_load %arg7[%swap3A_568, %swap3A_569] {strides = array<i32>} : memref<24x768xf32, #tpu.memory_space<vmem>>, vector<1x16xf32>,
        %swap3A_571 = vector.shape_cast %swap3A_570 : vector<1x16xf32> to vector<16xf32>
        %swap3A_572 = vector.shape_cast %get3A_567 : vector<16xf32> to vector<1x16xf32>
        tpu.vector_store %arg7[%swap3A_568, %swap3A_569], %swap3A_572 {add = true, strides = array<i32>} : memref<24x768xf32, #tpu.memory_space<vmem>>, vector<1x16xf32>,
        %get3A_573 = arith.index_cast %scan3A_151 : i32 to index
        %get3A_574 = arith.constant 752 : index
        %get3A_575 = tpu.vector_load %arg10[%get3A_573, %get3A_574] {strides = array<i32>} : memref<24x768xf32, #tpu.memory_space<vmem>>, vector<1x16xf32>,
        %get3A_576 = vector.shape_cast %get3A_575 : vector<1x16xf32> to vector<16xf32>
        %swap3A_577 = arith.index_cast %scan3A_151 : i32 to index
        %swap3A_578 = arith.constant 752 : index
        %swap3A_579 = tpu.vector_load %arg7[%swap3A_577, %swap3A_578] {strides = array<i32>} : memref<24x768xf32, #tpu.memory_space<vmem>>, vector<1x16xf32>,
        %swap3A_580 = vector.shape_cast %swap3A_579 : vector<1x16xf32> to vector<16xf32>
        %swap3A_581 = vector.shape_cast %get3A_576 : vector<16xf32> to vector<1x16xf32>
        tpu.vector_store %arg7[%swap3A_577, %swap3A_578], %swap3A_581 {add = true, strides = array<i32>} : memref<24x768xf32, #tpu.memory_space<vmem>>, vector<1x16xf32>,
      }
      %scan3A_71 = arith.constant 24 : i32
      %mul3A_72 = arith.constant 24 : i32
      %mul3A_73 = arith.muli %add3A_55, %mul3A_72 : i32
      %add3A_74 = arith.addi %mul3A_2, %mul3A_73 : i32
      %dma_start3A_75 = arith.constant 0 : i32
      %dma_start3A_76 = tpu.memref_slice %arg5[%add3A_74, %dma_start3A_75] : memref<36864x768xf32, #tpu.memory_space<hbm>> -> memref<24x768xf32, #tpu.memory_space<hbm>>
      %dma_start3A_77 = arith.constant 0 : i32
      %dma_start3A_78 = tpu.memref_slice %arg5[%add3A_74, %dma_start3A_77] : memref<36864x768xf32, #tpu.memory_space<hbm>> -> memref<24x768xf32, #tpu.memory_space<hbm>>
      tpu.enqueue_dma source(%arg7 : memref<24x768xf32, #tpu.memory_space<vmem>>) target(%dma_start3A_78 : memref<24x768xf32, #tpu.memory_space<hbm>>) target_semaphore(%arg19 : memref<!tpu.dma_semaphore, #tpu.memory_space<semaphore_mem>>)
      %add3A_79 = arith.constant 3 : i32
      %add3A_80 = arith.addi %add3A_55, %add3A_79 : i32
      %lt3A = arith.constant 48 : i32
      %lt3A_81 = arith.cmpi slt, %add3A_80, %lt3A : i32
      %convert_element_type3A = arith.extui %lt3A_81 : i1 to i32
      %cond3A = arith.constant 0 : i32
      %cond3A_82 = arith.cmpi ne, %convert_element_type3A, %cond3A : i32
      scf.if %cond3A_82 {
        %add3A_151 = arith.constant 3 : i32
        %add3A_152 = arith.addi %add3A_55, %add3A_151 : i32
        %dma_wait3A_153 = arith.constant 0 : i32
        %dma_wait3A_154 = tpu.memref_slice %arg5[%mul3A_2, %dma_wait3A_153] : memref<36864x768xf32, #tpu.memory_space<hbm>> -> memref<24x768xf32, #tpu.memory_space<hbm>>
        %dma_wait3A_155 = arith.constant 0 : i32
        %dma_wait3A_156 = tpu.memref_slice %arg5[%mul3A_2, %dma_wait3A_155] : memref<36864x768xf32, #tpu.memory_space<hbm>> -> memref<24x768xf32, #tpu.memory_space<hbm>>
        tpu.wait_dma2 semaphore(%arg19 : memref<!tpu.dma_semaphore, #tpu.memory_space<semaphore_mem>>) src(%arg7 : memref<24x768xf32, #tpu.memory_space<vmem>>) dst(%dma_wait3A_156 : memref<24x768xf32, #tpu.memory_space<hbm>>)
        %mul3A_157 = arith.constant 24 : i32
        %mul3A_158 = arith.muli %add3A_152, %mul3A_157 : i32
        %add3A_159 = arith.addi %mul3A_2, %mul3A_158 : i32
        %dma_start3A_160 = arith.constant 0 : i32
        %dma_start3A_161 = tpu.memref_slice %arg2[%add3A_159, %dma_start3A_160] : memref<36864x768xf32, #tpu.memory_space<hbm>> -> memref<24x768xf32, #tpu.memory_space<hbm>>
        %dma_start3A_162 = arith.constant 0 : i32
        %dma_start3A_163 = tpu.memref_slice %arg2[%add3A_159, %dma_start3A_162] : memref<36864x768xf32, #tpu.memory_space<hbm>> -> memref<24x768xf32, #tpu.memory_space<hbm>>
        tpu.enqueue_dma source(%dma_start3A_163 : memref<24x768xf32, #tpu.memory_space<hbm>>) target(%arg7 : memref<24x768xf32, #tpu.memory_space<vmem>>) target_semaphore(%arg13 : memref<!tpu.dma_semaphore, #tpu.memory_space<semaphore_mem>>)
        %mul3A_164 = arith.constant 24 : i32
        %mul3A_165 = arith.muli %add3A_152, %mul3A_164 : i32
        %dma_start3A_166 = tpu.memref_slice %arg6[%mul3A_165] : memref<1152xi32, #tpu.memory_space<vmem>> -> memref<24xi32, #tpu.memory_space<vmem>>
        %dma_start3A_167 = arith.constant 0 : i32
        %dma_start3A_168 = arith.constant 0 : i32
        %dma_start3A_169 = tpu.memref_slice %arg4[%dma_start3A_167, %dma_start3A_168] : memref<576x768xf32, #tpu.memory_space<hbm>> -> memref<576x768xf32, #tpu.memory_space<hbm>>
        tpu.enqueue_indirect_dma source(%dma_start3A_169 : memref<576x768xf32, #tpu.memory_space<hbm>>) target(%arg10 : memref<24x768xf32, #tpu.memory_space<vmem>>) offsets(%dma_start3A_166 : memref<24xi32, #tpu.memory_space<vmem>>) semaphore(%arg16 : memref<!tpu.dma_semaphore, #tpu.memory_space<semaphore_mem>>)
      } else {
      }
      %mul3A_83 = arith.constant 3 : i32
      %mul3A_84 = arith.muli %scan3A_51, %mul3A_83 : i32
      %add3A_85 = arith.constant 1 : i32
      %add3A_86 = arith.addi %mul3A_84, %add3A_85 : i32
      %dma_wait3A_87 = arith.constant 0 : i32
      %dma_wait3A_88 = tpu.memref_slice %arg2[%mul3A_2, %dma_wait3A_87] : memref<36864x768xf32, #tpu.memory_space<hbm>> -> memref<24x768xf32, #tpu.memory_space<hbm>>
      %dma_wait3A_89 = arith.constant 0 : i32
      %dma_wait3A_90 = tpu.memref_slice %arg2[%mul3A_2, %dma_wait3A_89] : memref<36864x768xf32, #tpu.memory_space<hbm>> -> memref<24x768xf32, #tpu.memory_space<hbm>>
      tpu.wait_dma2 semaphore(%arg14 : memref<!tpu.dma_semaphore, #tpu.memory_space<semaphore_mem>>) src(%dma_wait3A_90 : memref<24x768xf32, #tpu.memory_space<hbm>>) dst(%arg8 : memref<24x768xf32, #tpu.memory_space<vmem>>)
      %mul3A_91 = arith.constant 24 : i32
      %mul3A_92 = arith.muli %add3A_86, %mul3A_91 : i32
      %dma_wait3A_93 = tpu.memref_slice %arg6[%mul3A_92] : memref<1152xi32, #tpu.memory_space<vmem>> -> memref<24xi32, #tpu.memory_space<vmem>>
      %dma_wait3A_94 = arith.constant 0 : i32
      %dma_wait3A_95 = arith.constant 0 : i32
      %dma_wait3A_96 = tpu.memref_slice %arg4[%dma_wait3A_94, %dma_wait3A_95] : memref<576x768xf32, #tpu.memory_space<hbm>> -> memref<576x768xf32, #tpu.memory_space<hbm>>
      tpu.wait_indirect_dma semaphore(%arg17 : memref<!tpu.dma_semaphore, #tpu.memory_space<semaphore_mem>>) src(%dma_wait3A_96 : memref<576x768xf32, #tpu.memory_space<hbm>>) dst(%arg11 : memref<24x768xf32, #tpu.memory_space<vmem>>)
      %scan3A_97 = arith.constant 0 : i32
      %scan3A_98 = arith.constant 0 : i32
      %scan3A_99 = arith.constant 24 : i32
      %scan3A_100 = arith.addi %scan3A_98, %scan3A_99 : i32
      %scan3A_101 = arith.constant 1 : i32
      scf.for %scan3A_151 = %scan3A_98 to %scan3A_100 step %scan3A_101  : i32 {
        %get3A = arith.index_cast %scan3A_151 : i32 to index
        %get3A_152 = arith.constant 0 : index
        %get3A_153 = tpu.vector_load %arg11[%get3A, %get3A_152] {strides = array<i32>} : memref<24x768xf32, #tpu.memory_space<vmem>>, vector<1x16xf32>,
        %get3A_154 = vector.shape_cast %get3A_153 : vector<1x16xf32> to vector<16xf32>
        %swap3A = arith.index_cast %scan3A_151 : i32 to index
        %swap3A_155 = arith.constant 0 : index
        %swap3A_156 = tpu.vector_load %arg8[%swap3A, %swap3A_155] {strides = array<i32>} : memref<24x768xf32, #tpu.memory_space<vmem>>, vector<1x16xf32>,
        %swap3A_157 = vector.shape_cast %swap3A_156 : vector<1x16xf32> to vector<16xf32>
        %swap3A_158 = vector.shape_cast %get3A_154 : vector<16xf32> to vector<1x16xf32>
        tpu.vector_store %arg8[%swap3A, %swap3A_155], %swap3A_158 {add = true, strides = array<i32>} : memref<24x768xf32, #tpu.memory_space<vmem>>, vector<1x16xf32>,
        %get3A_159 = arith.index_cast %scan3A_151 : i32 to index
        %get3A_160 = arith.constant 16 : index
        %get3A_161 = tpu.vector_load %arg11[%get3A_159, %get3A_160] {strides = array<i32>} : memref<24x768xf32, #tpu.memory_space<vmem>>, vector<1x16xf32>,
        %get3A_162 = vector.shape_cast %get3A_161 : vector<1x16xf32> to vector<16xf32>
        %swap3A_163 = arith.index_cast %scan3A_151 : i32 to index
        %swap3A_164 = arith.constant 16 : index
        %swap3A_165 = tpu.vector_load %arg8[%swap3A_163, %swap3A_164] {strides = array<i32>} : memref<24x768xf32, #tpu.memory_space<vmem>>, vector<1x16xf32>,
        %swap3A_166 = vector.shape_cast %swap3A_165 : vector<1x16xf32> to vector<16xf32>
        %swap3A_167 = vector.shape_cast %get3A_162 : vector<16xf32> to vector<1x16xf32>
        tpu.vector_store %arg8[%swap3A_163, %swap3A_164], %swap3A_167 {add = true, strides = array<i32>} : memref<24x768xf32, #tpu.memory_space<vmem>>, vector<1x16xf32>,
        %get3A_168 = arith.index_cast %scan3A_151 : i32 to index
        %get3A_169 = arith.constant 32 : index
        %get3A_170 = tpu.vector_load %arg11[%get3A_168, %get3A_169] {strides = array<i32>} : memref<24x768xf32, #tpu.memory_space<vmem>>, vector<1x16xf32>,
        %get3A_171 = vector.shape_cast %get3A_170 : vector<1x16xf32> to vector<16xf32>
        %swap3A_172 = arith.index_cast %scan3A_151 : i32 to index
        %swap3A_173 = arith.constant 32 : index
        %swap3A_174 = tpu.vector_load %arg8[%swap3A_172, %swap3A_173] {strides = array<i32>} : memref<24x768xf32, #tpu.memory_space<vmem>>, vector<1x16xf32>,
        %swap3A_175 = vector.shape_cast %swap3A_174 : vector<1x16xf32> to vector<16xf32>
        %swap3A_176 = vector.shape_cast %get3A_171 : vector<16xf32> to vector<1x16xf32>
        tpu.vector_store %arg8[%swap3A_172, %swap3A_173], %swap3A_176 {add = true, strides = array<i32>} : memref<24x768xf32, #tpu.memory_space<vmem>>, vector<1x16xf32>,
        %get3A_177 = arith.index_cast %scan3A_151 : i32 to index
        %get3A_178 = arith.constant 48 : index
        %get3A_179 = tpu.vector_load %arg11[%get3A_177, %get3A_178] {strides = array<i32>} : memref<24x768xf32, #tpu.memory_space<vmem>>, vector<1x16xf32>,
        %get3A_180 = vector.shape_cast %get3A_179 : vector<1x16xf32> to vector<16xf32>
        %swap3A_181 = arith.index_cast %scan3A_151 : i32 to index
        %swap3A_182 = arith.constant 48 : index
        %swap3A_183 = tpu.vector_load %arg8[%swap3A_181, %swap3A_182] {strides = array<i32>} : memref<24x768xf32, #tpu.memory_space<vmem>>, vector<1x16xf32>,
        %swap3A_184 = vector.shape_cast %swap3A_183 : vector<1x16xf32> to vector<16xf32>
        %swap3A_185 = vector.shape_cast %get3A_180 : vector<16xf32> to vector<1x16xf32>
        tpu.vector_store %arg8[%swap3A_181, %swap3A_182], %swap3A_185 {add = true, strides = array<i32>} : memref<24x768xf32, #tpu.memory_space<vmem>>, vector<1x16xf32>,
        %get3A_186 = arith.index_cast %scan3A_151 : i32 to index
        %get3A_187 = arith.constant 64 : index
        %get3A_188 = tpu.vector_load %arg11[%get3A_186, %get3A_187] {strides = array<i32>} : memref<24x768xf32, #tpu.memory_space<vmem>>, vector<1x16xf32>,
        %get3A_189 = vector.shape_cast %get3A_188 : vector<1x16xf32> to vector<16xf32>
        %swap3A_190 = arith.index_cast %scan3A_151 : i32 to index
        %swap3A_191 = arith.constant 64 : index
        %swap3A_192 = tpu.vector_load %arg8[%swap3A_190, %swap3A_191] {strides = array<i32>} : memref<24x768xf32, #tpu.memory_space<vmem>>, vector<1x16xf32>,
        %swap3A_193 = vector.shape_cast %swap3A_192 : vector<1x16xf32> to vector<16xf32>
        %swap3A_194 = vector.shape_cast %get3A_189 : vector<16xf32> to vector<1x16xf32>
        tpu.vector_store %arg8[%swap3A_190, %swap3A_191], %swap3A_194 {add = true, strides = array<i32>} : memref<24x768xf32, #tpu.memory_space<vmem>>, vector<1x16xf32>,
        %get3A_195 = arith.index_cast %scan3A_151 : i32 to index
        %get3A_196 = arith.constant 80 : index
        %get3A_197 = tpu.vector_load %arg11[%get3A_195, %get3A_196] {strides = array<i32>} : memref<24x768xf32, #tpu.memory_space<vmem>>, vector<1x16xf32>,
        %get3A_198 = vector.shape_cast %get3A_197 : vector<1x16xf32> to vector<16xf32>
        %swap3A_199 = arith.index_cast %scan3A_151 : i32 to index
        %swap3A_200 = arith.constant 80 : index
        %swap3A_201 = tpu.vector_load %arg8[%swap3A_199, %swap3A_200] {strides = array<i32>} : memref<24x768xf32, #tpu.memory_space<vmem>>, vector<1x16xf32>,
        %swap3A_202 = vector.shape_cast %swap3A_201 : vector<1x16xf32> to vector<16xf32>
        %swap3A_203 = vector.shape_cast %get3A_198 : vector<16xf32> to vector<1x16xf32>
        tpu.vector_store %arg8[%swap3A_199, %swap3A_200], %swap3A_203 {add = true, strides = array<i32>} : memref<24x768xf32, #tpu.memory_space<vmem>>, vector<1x16xf32>,
        %get3A_204 = arith.index_cast %scan3A_151 : i32 to index
        %get3A_205 = arith.constant 96 : index
        %get3A_206 = tpu.vector_load %arg11[%get3A_204, %get3A_205] {strides = array<i32>} : memref<24x768xf32, #tpu.memory_space<vmem>>, vector<1x16xf32>,
        %get3A_207 = vector.shape_cast %get3A_206 : vector<1x16xf32> to vector<16xf32>
        %swap3A_208 = arith.index_cast %scan3A_151 : i32 to index
        %swap3A_209 = arith.constant 96 : index
        %swap3A_210 = tpu.vector_load %arg8[%swap3A_208, %swap3A_209] {strides = array<i32>} : memref<24x768xf32, #tpu.memory_space<vmem>>, vector<1x16xf32>,
        %swap3A_211 = vector.shape_cast %swap3A_210 : vector<1x16xf32> to vector<16xf32>
        %swap3A_212 = vector.shape_cast %get3A_207 : vector<16xf32> to vector<1x16xf32>
        tpu.vector_store %arg8[%swap3A_208, %swap3A_209], %swap3A_212 {add = true, strides = array<i32>} : memref<24x768xf32, #tpu.memory_space<vmem>>, vector<1x16xf32>,
        %get3A_213 = arith.index_cast %scan3A_151 : i32 to index
        %get3A_214 = arith.constant 112 : index
        %get3A_215 = tpu.vector_load %arg11[%get3A_213, %get3A_214] {strides = array<i32>} : memref<24x768xf32, #tpu.memory_space<vmem>>, vector<1x16xf32>,
        %get3A_216 = vector.shape_cast %get3A_215 : vector<1x16xf32> to vector<16xf32>
        %swap3A_217 = arith.index_cast %scan3A_151 : i32 to index
        %swap3A_218 = arith.constant 112 : index
        %swap3A_219 = tpu.vector_load %arg8[%swap3A_217, %swap3A_218] {strides = array<i32>} : memref<24x768xf32, #tpu.memory_space<vmem>>, vector<1x16xf32>,
        %swap3A_220 = vector.shape_cast %swap3A_219 : vector<1x16xf32> to vector<16xf32>
        %swap3A_221 = vector.shape_cast %get3A_216 : vector<16xf32> to vector<1x16xf32>
        tpu.vector_store %arg8[%swap3A_217, %swap3A_218], %swap3A_221 {add = true, strides = array<i32>} : memref<24x768xf32, #tpu.memory_space<vmem>>, vector<1x16xf32>,
        %get3A_222 = arith.index_cast %scan3A_151 : i32 to index
        %get3A_223 = arith.constant 128 : index
        %get3A_224 = tpu.vector_load %arg11[%get3A_222, %get3A_223] {strides = array<i32>} : memref<24x768xf32, #tpu.memory_space<vmem>>, vector<1x16xf32>,
        %get3A_225 = vector.shape_cast %get3A_224 : vector<1x16xf32> to vector<16xf32>
        %swap3A_226 = arith.index_cast %scan3A_151 : i32 to index
        %swap3A_227 = arith.constant 128 : index
        %swap3A_228 = tpu.vector_load %arg8[%swap3A_226, %swap3A_227] {strides = array<i32>} : memref<24x768xf32, #tpu.memory_space<vmem>>, vector<1x16xf32>,
        %swap3A_229 = vector.shape_cast %swap3A_228 : vector<1x16xf32> to vector<16xf32>
        %swap3A_230 = vector.shape_cast %get3A_225 : vector<16xf32> to vector<1x16xf32>
        tpu.vector_store %arg8[%swap3A_226, %swap3A_227], %swap3A_230 {add = true, strides = array<i32>} : memref<24x768xf32, #tpu.memory_space<vmem>>, vector<1x16xf32>,
        %get3A_231 = arith.index_cast %scan3A_151 : i32 to index
        %get3A_232 = arith.constant 144 : index
        %get3A_233 = tpu.vector_load %arg11[%get3A_231, %get3A_232] {strides = array<i32>} : memref<24x768xf32, #tpu.memory_space<vmem>>, vector<1x16xf32>,
        %get3A_234 = vector.shape_cast %get3A_233 : vector<1x16xf32> to vector<16xf32>
        %swap3A_235 = arith.index_cast %scan3A_151 : i32 to index
        %swap3A_236 = arith.constant 144 : index
        %swap3A_237 = tpu.vector_load %arg8[%swap3A_235, %swap3A_236] {strides = array<i32>} : memref<24x768xf32, #tpu.memory_space<vmem>>, vector<1x16xf32>,
        %swap3A_238 = vector.shape_cast %swap3A_237 : vector<1x16xf32> to vector<16xf32>
        %swap3A_239 = vector.shape_cast %get3A_234 : vector<16xf32> to vector<1x16xf32>
        tpu.vector_store %arg8[%swap3A_235, %swap3A_236], %swap3A_239 {add = true, strides = array<i32>} : memref<24x768xf32, #tpu.memory_space<vmem>>, vector<1x16xf32>,
        %get3A_240 = arith.index_cast %scan3A_151 : i32 to index
        %get3A_241 = arith.constant 160 : index
        %get3A_242 = tpu.vector_load %arg11[%get3A_240, %get3A_241] {strides = array<i32>} : memref<24x768xf32, #tpu.memory_space<vmem>>, vector<1x16xf32>,
        %get3A_243 = vector.shape_cast %get3A_242 : vector<1x16xf32> to vector<16xf32>
        %swap3A_244 = arith.index_cast %scan3A_151 : i32 to index
        %swap3A_245 = arith.constant 160 : index
        %swap3A_246 = tpu.vector_load %arg8[%swap3A_244, %swap3A_245] {strides = array<i32>} : memref<24x768xf32, #tpu.memory_space<vmem>>, vector<1x16xf32>,
        %swap3A_247 = vector.shape_cast %swap3A_246 : vector<1x16xf32> to vector<16xf32>
        %swap3A_248 = vector.shape_cast %get3A_243 : vector<16xf32> to vector<1x16xf32>
        tpu.vector_store %arg8[%swap3A_244, %swap3A_245], %swap3A_248 {add = true, strides = array<i32>} : memref<24x768xf32, #tpu.memory_space<vmem>>, vector<1x16xf32>,
        %get3A_249 = arith.index_cast %scan3A_151 : i32 to index
        %get3A_250 = arith.constant 176 : index
        %get3A_251 = tpu.vector_load %arg11[%get3A_249, %get3A_250] {strides = array<i32>} : memref<24x768xf32, #tpu.memory_space<vmem>>, vector<1x16xf32>,
        %get3A_252 = vector.shape_cast %get3A_251 : vector<1x16xf32> to vector<16xf32>
        %swap3A_253 = arith.index_cast %scan3A_151 : i32 to index
        %swap3A_254 = arith.constant 176 : index
        %swap3A_255 = tpu.vector_load %arg8[%swap3A_253, %swap3A_254] {strides = array<i32>} : memref<24x768xf32, #tpu.memory_space<vmem>>, vector<1x16xf32>,
        %swap3A_256 = vector.shape_cast %swap3A_255 : vector<1x16xf32> to vector<16xf32>
        %swap3A_257 = vector.shape_cast %get3A_252 : vector<16xf32> to vector<1x16xf32>
        tpu.vector_store %arg8[%swap3A_253, %swap3A_254], %swap3A_257 {add = true, strides = array<i32>} : memref<24x768xf32, #tpu.memory_space<vmem>>, vector<1x16xf32>,
        %get3A_258 = arith.index_cast %scan3A_151 : i32 to index
        %get3A_259 = arith.constant 192 : index
        %get3A_260 = tpu.vector_load %arg11[%get3A_258, %get3A_259] {strides = array<i32>} : memref<24x768xf32, #tpu.memory_space<vmem>>, vector<1x16xf32>,
        %get3A_261 = vector.shape_cast %get3A_260 : vector<1x16xf32> to vector<16xf32>
        %swap3A_262 = arith.index_cast %scan3A_151 : i32 to index
        %swap3A_263 = arith.constant 192 : index
        %swap3A_264 = tpu.vector_load %arg8[%swap3A_262, %swap3A_263] {strides = array<i32>} : memref<24x768xf32, #tpu.memory_space<vmem>>, vector<1x16xf32>,
        %swap3A_265 = vector.shape_cast %swap3A_264 : vector<1x16xf32> to vector<16xf32>
        %swap3A_266 = vector.shape_cast %get3A_261 : vector<16xf32> to vector<1x16xf32>
        tpu.vector_store %arg8[%swap3A_262, %swap3A_263], %swap3A_266 {add = true, strides = array<i32>} : memref<24x768xf32, #tpu.memory_space<vmem>>, vector<1x16xf32>,
        %get3A_267 = arith.index_cast %scan3A_151 : i32 to index
        %get3A_268 = arith.constant 208 : index
        %get3A_269 = tpu.vector_load %arg11[%get3A_267, %get3A_268] {strides = array<i32>} : memref<24x768xf32, #tpu.memory_space<vmem>>, vector<1x16xf32>,
        %get3A_270 = vector.shape_cast %get3A_269 : vector<1x16xf32> to vector<16xf32>
        %swap3A_271 = arith.index_cast %scan3A_151 : i32 to index
        %swap3A_272 = arith.constant 208 : index
        %swap3A_273 = tpu.vector_load %arg8[%swap3A_271, %swap3A_272] {strides = array<i32>} : memref<24x768xf32, #tpu.memory_space<vmem>>, vector<1x16xf32>,
        %swap3A_274 = vector.shape_cast %swap3A_273 : vector<1x16xf32> to vector<16xf32>
        %swap3A_275 = vector.shape_cast %get3A_270 : vector<16xf32> to vector<1x16xf32>
        tpu.vector_store %arg8[%swap3A_271, %swap3A_272], %swap3A_275 {add = true, strides = array<i32>} : memref<24x768xf32, #tpu.memory_space<vmem>>, vector<1x16xf32>,
        %get3A_276 = arith.index_cast %scan3A_151 : i32 to index
        %get3A_277 = arith.constant 224 : index
        %get3A_278 = tpu.vector_load %arg11[%get3A_276, %get3A_277] {strides = array<i32>} : memref<24x768xf32, #tpu.memory_space<vmem>>, vector<1x16xf32>,
        %get3A_279 = vector.shape_cast %get3A_278 : vector<1x16xf32> to vector<16xf32>
        %swap3A_280 = arith.index_cast %scan3A_151 : i32 to index
        %swap3A_281 = arith.constant 224 : index
        %swap3A_282 = tpu.vector_load %arg8[%swap3A_280, %swap3A_281] {strides = array<i32>} : memref<24x768xf32, #tpu.memory_space<vmem>>, vector<1x16xf32>,
        %swap3A_283 = vector.shape_cast %swap3A_282 : vector<1x16xf32> to vector<16xf32>
        %swap3A_284 = vector.shape_cast %get3A_279 : vector<16xf32> to vector<1x16xf32>
        tpu.vector_store %arg8[%swap3A_280, %swap3A_281], %swap3A_284 {add = true, strides = array<i32>} : memref<24x768xf32, #tpu.memory_space<vmem>>, vector<1x16xf32>,
        %get3A_285 = arith.index_cast %scan3A_151 : i32 to index
        %get3A_286 = arith.constant 240 : index
        %get3A_287 = tpu.vector_load %arg11[%get3A_285, %get3A_286] {strides = array<i32>} : memref<24x768xf32, #tpu.memory_space<vmem>>, vector<1x16xf32>,
        %get3A_288 = vector.shape_cast %get3A_287 : vector<1x16xf32> to vector<16xf32>
        %swap3A_289 = arith.index_cast %scan3A_151 : i32 to index
        %swap3A_290 = arith.constant 240 : index
        %swap3A_291 = tpu.vector_load %arg8[%swap3A_289, %swap3A_290] {strides = array<i32>} : memref<24x768xf32, #tpu.memory_space<vmem>>, vector<1x16xf32>,
        %swap3A_292 = vector.shape_cast %swap3A_291 : vector<1x16xf32> to vector<16xf32>
        %swap3A_293 = vector.shape_cast %get3A_288 : vector<16xf32> to vector<1x16xf32>
        tpu.vector_store %arg8[%swap3A_289, %swap3A_290], %swap3A_293 {add = true, strides = array<i32>} : memref<24x768xf32, #tpu.memory_space<vmem>>, vector<1x16xf32>,
        %get3A_294 = arith.index_cast %scan3A_151 : i32 to index
        %get3A_295 = arith.constant 256 : index
        %get3A_296 = tpu.vector_load %arg11[%get3A_294, %get3A_295] {strides = array<i32>} : memref<24x768xf32, #tpu.memory_space<vmem>>, vector<1x16xf32>,
        %get3A_297 = vector.shape_cast %get3A_296 : vector<1x16xf32> to vector<16xf32>
        %swap3A_298 = arith.index_cast %scan3A_151 : i32 to index
        %swap3A_299 = arith.constant 256 : index
        %swap3A_300 = tpu.vector_load %arg8[%swap3A_298, %swap3A_299] {strides = array<i32>} : memref<24x768xf32, #tpu.memory_space<vmem>>, vector<1x16xf32>,
        %swap3A_301 = vector.shape_cast %swap3A_300 : vector<1x16xf32> to vector<16xf32>
        %swap3A_302 = vector.shape_cast %get3A_297 : vector<16xf32> to vector<1x16xf32>
        tpu.vector_store %arg8[%swap3A_298, %swap3A_299], %swap3A_302 {add = true, strides = array<i32>} : memref<24x768xf32, #tpu.memory_space<vmem>>, vector<1x16xf32>,
        %get3A_303 = arith.index_cast %scan3A_151 : i32 to index
        %get3A_304 = arith.constant 272 : index
        %get3A_305 = tpu.vector_load %arg11[%get3A_303, %get3A_304] {strides = array<i32>} : memref<24x768xf32, #tpu.memory_space<vmem>>, vector<1x16xf32>,
        %get3A_306 = vector.shape_cast %get3A_305 : vector<1x16xf32> to vector<16xf32>
        %swap3A_307 = arith.index_cast %scan3A_151 : i32 to index
        %swap3A_308 = arith.constant 272 : index
        %swap3A_309 = tpu.vector_load %arg8[%swap3A_307, %swap3A_308] {strides = array<i32>} : memref<24x768xf32, #tpu.memory_space<vmem>>, vector<1x16xf32>,
        %swap3A_310 = vector.shape_cast %swap3A_309 : vector<1x16xf32> to vector<16xf32>
        %swap3A_311 = vector.shape_cast %get3A_306 : vector<16xf32> to vector<1x16xf32>
        tpu.vector_store %arg8[%swap3A_307, %swap3A_308], %swap3A_311 {add = true, strides = array<i32>} : memref<24x768xf32, #tpu.memory_space<vmem>>, vector<1x16xf32>,
        %get3A_312 = arith.index_cast %scan3A_151 : i32 to index
        %get3A_313 = arith.constant 288 : index
        %get3A_314 = tpu.vector_load %arg11[%get3A_312, %get3A_313] {strides = array<i32>} : memref<24x768xf32, #tpu.memory_space<vmem>>, vector<1x16xf32>,
        %get3A_315 = vector.shape_cast %get3A_314 : vector<1x16xf32> to vector<16xf32>
        %swap3A_316 = arith.index_cast %scan3A_151 : i32 to index
        %swap3A_317 = arith.constant 288 : index
        %swap3A_318 = tpu.vector_load %arg8[%swap3A_316, %swap3A_317] {strides = array<i32>} : memref<24x768xf32, #tpu.memory_space<vmem>>, vector<1x16xf32>,
        %swap3A_319 = vector.shape_cast %swap3A_318 : vector<1x16xf32> to vector<16xf32>
        %swap3A_320 = vector.shape_cast %get3A_315 : vector<16xf32> to vector<1x16xf32>
        tpu.vector_store %arg8[%swap3A_316, %swap3A_317], %swap3A_320 {add = true, strides = array<i32>} : memref<24x768xf32, #tpu.memory_space<vmem>>, vector<1x16xf32>,
        %get3A_321 = arith.index_cast %scan3A_151 : i32 to index
        %get3A_322 = arith.constant 304 : index
        %get3A_323 = tpu.vector_load %arg11[%get3A_321, %get3A_322] {strides = array<i32>} : memref<24x768xf32, #tpu.memory_space<vmem>>, vector<1x16xf32>,
        %get3A_324 = vector.shape_cast %get3A_323 : vector<1x16xf32> to vector<16xf32>
        %swap3A_325 = arith.index_cast %scan3A_151 : i32 to index
        %swap3A_326 = arith.constant 304 : index
        %swap3A_327 = tpu.vector_load %arg8[%swap3A_325, %swap3A_326] {strides = array<i32>} : memref<24x768xf32, #tpu.memory_space<vmem>>, vector<1x16xf32>,
        %swap3A_328 = vector.shape_cast %swap3A_327 : vector<1x16xf32> to vector<16xf32>
        %swap3A_329 = vector.shape_cast %get3A_324 : vector<16xf32> to vector<1x16xf32>
        tpu.vector_store %arg8[%swap3A_325, %swap3A_326], %swap3A_329 {add = true, strides = array<i32>} : memref<24x768xf32, #tpu.memory_space<vmem>>, vector<1x16xf32>,
        %get3A_330 = arith.index_cast %scan3A_151 : i32 to index
        %get3A_331 = arith.constant 320 : index
        %get3A_332 = tpu.vector_load %arg11[%get3A_330, %get3A_331] {strides = array<i32>} : memref<24x768xf32, #tpu.memory_space<vmem>>, vector<1x16xf32>,
        %get3A_333 = vector.shape_cast %get3A_332 : vector<1x16xf32> to vector<16xf32>
        %swap3A_334 = arith.index_cast %scan3A_151 : i32 to index
        %swap3A_335 = arith.constant 320 : index
        %swap3A_336 = tpu.vector_load %arg8[%swap3A_334, %swap3A_335] {strides = array<i32>} : memref<24x768xf32, #tpu.memory_space<vmem>>, vector<1x16xf32>,
        %swap3A_337 = vector.shape_cast %swap3A_336 : vector<1x16xf32> to vector<16xf32>
        %swap3A_338 = vector.shape_cast %get3A_333 : vector<16xf32> to vector<1x16xf32>
        tpu.vector_store %arg8[%swap3A_334, %swap3A_335], %swap3A_338 {add = true, strides = array<i32>} : memref<24x768xf32, #tpu.memory_space<vmem>>, vector<1x16xf32>,
        %get3A_339 = arith.index_cast %scan3A_151 : i32 to index
        %get3A_340 = arith.constant 336 : index
        %get3A_341 = tpu.vector_load %arg11[%get3A_339, %get3A_340] {strides = array<i32>} : memref<24x768xf32, #tpu.memory_space<vmem>>, vector<1x16xf32>,
        %get3A_342 = vector.shape_cast %get3A_341 : vector<1x16xf32> to vector<16xf32>
        %swap3A_343 = arith.index_cast %scan3A_151 : i32 to index
        %swap3A_344 = arith.constant 336 : index
        %swap3A_345 = tpu.vector_load %arg8[%swap3A_343, %swap3A_344] {strides = array<i32>} : memref<24x768xf32, #tpu.memory_space<vmem>>, vector<1x16xf32>,
        %swap3A_346 = vector.shape_cast %swap3A_345 : vector<1x16xf32> to vector<16xf32>
        %swap3A_347 = vector.shape_cast %get3A_342 : vector<16xf32> to vector<1x16xf32>
        tpu.vector_store %arg8[%swap3A_343, %swap3A_344], %swap3A_347 {add = true, strides = array<i32>} : memref<24x768xf32, #tpu.memory_space<vmem>>, vector<1x16xf32>,
        %get3A_348 = arith.index_cast %scan3A_151 : i32 to index
        %get3A_349 = arith.constant 352 : index
        %get3A_350 = tpu.vector_load %arg11[%get3A_348, %get3A_349] {strides = array<i32>} : memref<24x768xf32, #tpu.memory_space<vmem>>, vector<1x16xf32>,
        %get3A_351 = vector.shape_cast %get3A_350 : vector<1x16xf32> to vector<16xf32>
        %swap3A_352 = arith.index_cast %scan3A_151 : i32 to index
        %swap3A_353 = arith.constant 352 : index
        %swap3A_354 = tpu.vector_load %arg8[%swap3A_352, %swap3A_353] {strides = array<i32>} : memref<24x768xf32, #tpu.memory_space<vmem>>, vector<1x16xf32>,
        %swap3A_355 = vector.shape_cast %swap3A_354 : vector<1x16xf32> to vector<16xf32>
        %swap3A_356 = vector.shape_cast %get3A_351 : vector<16xf32> to vector<1x16xf32>
        tpu.vector_store %arg8[%swap3A_352, %swap3A_353], %swap3A_356 {add = true, strides = array<i32>} : memref<24x768xf32, #tpu.memory_space<vmem>>, vector<1x16xf32>,
        %get3A_357 = arith.index_cast %scan3A_151 : i32 to index
        %get3A_358 = arith.constant 368 : index
        %get3A_359 = tpu.vector_load %arg11[%get3A_357, %get3A_358] {strides = array<i32>} : memref<24x768xf32, #tpu.memory_space<vmem>>, vector<1x16xf32>,
        %get3A_360 = vector.shape_cast %get3A_359 : vector<1x16xf32> to vector<16xf32>
        %swap3A_361 = arith.index_cast %scan3A_151 : i32 to index
        %swap3A_362 = arith.constant 368 : index
        %swap3A_363 = tpu.vector_load %arg8[%swap3A_361, %swap3A_362] {strides = array<i32>} : memref<24x768xf32, #tpu.memory_space<vmem>>, vector<1x16xf32>,
        %swap3A_364 = vector.shape_cast %swap3A_363 : vector<1x16xf32> to vector<16xf32>
        %swap3A_365 = vector.shape_cast %get3A_360 : vector<16xf32> to vector<1x16xf32>
        tpu.vector_store %arg8[%swap3A_361, %swap3A_362], %swap3A_365 {add = true, strides = array<i32>} : memref<24x768xf32, #tpu.memory_space<vmem>>, vector<1x16xf32>,
        %get3A_366 = arith.index_cast %scan3A_151 : i32 to index
        %get3A_367 = arith.constant 384 : index
        %get3A_368 = tpu.vector_load %arg11[%get3A_366, %get3A_367] {strides = array<i32>} : memref<24x768xf32, #tpu.memory_space<vmem>>, vector<1x16xf32>,
        %get3A_369 = vector.shape_cast %get3A_368 : vector<1x16xf32> to vector<16xf32>
        %swap3A_370 = arith.index_cast %scan3A_151 : i32 to index
        %swap3A_371 = arith.constant 384 : index
        %swap3A_372 = tpu.vector_load %arg8[%swap3A_370, %swap3A_371] {strides = array<i32>} : memref<24x768xf32, #tpu.memory_space<vmem>>, vector<1x16xf32>,
        %swap3A_373 = vector.shape_cast %swap3A_372 : vector<1x16xf32> to vector<16xf32>
        %swap3A_374 = vector.shape_cast %get3A_369 : vector<16xf32> to vector<1x16xf32>
        tpu.vector_store %arg8[%swap3A_370, %swap3A_371], %swap3A_374 {add = true, strides = array<i32>} : memref<24x768xf32, #tpu.memory_space<vmem>>, vector<1x16xf32>,
        %get3A_375 = arith.index_cast %scan3A_151 : i32 to index
        %get3A_376 = arith.constant 400 : index
        %get3A_377 = tpu.vector_load %arg11[%get3A_375, %get3A_376] {strides = array<i32>} : memref<24x768xf32, #tpu.memory_space<vmem>>, vector<1x16xf32>,
        %get3A_378 = vector.shape_cast %get3A_377 : vector<1x16xf32> to vector<16xf32>
        %swap3A_379 = arith.index_cast %scan3A_151 : i32 to index
        %swap3A_380 = arith.constant 400 : index
        %swap3A_381 = tpu.vector_load %arg8[%swap3A_379, %swap3A_380] {strides = array<i32>} : memref<24x768xf32, #tpu.memory_space<vmem>>, vector<1x16xf32>,
        %swap3A_382 = vector.shape_cast %swap3A_381 : vector<1x16xf32> to vector<16xf32>
        %swap3A_383 = vector.shape_cast %get3A_378 : vector<16xf32> to vector<1x16xf32>
        tpu.vector_store %arg8[%swap3A_379, %swap3A_380], %swap3A_383 {add = true, strides = array<i32>} : memref<24x768xf32, #tpu.memory_space<vmem>>, vector<1x16xf32>,
        %get3A_384 = arith.index_cast %scan3A_151 : i32 to index
        %get3A_385 = arith.constant 416 : index
        %get3A_386 = tpu.vector_load %arg11[%get3A_384, %get3A_385] {strides = array<i32>} : memref<24x768xf32, #tpu.memory_space<vmem>>, vector<1x16xf32>,
        %get3A_387 = vector.shape_cast %get3A_386 : vector<1x16xf32> to vector<16xf32>
        %swap3A_388 = arith.index_cast %scan3A_151 : i32 to index
        %swap3A_389 = arith.constant 416 : index
        %swap3A_390 = tpu.vector_load %arg8[%swap3A_388, %swap3A_389] {strides = array<i32>} : memref<24x768xf32, #tpu.memory_space<vmem>>, vector<1x16xf32>,
        %swap3A_391 = vector.shape_cast %swap3A_390 : vector<1x16xf32> to vector<16xf32>
        %swap3A_392 = vector.shape_cast %get3A_387 : vector<16xf32> to vector<1x16xf32>
        tpu.vector_store %arg8[%swap3A_388, %swap3A_389], %swap3A_392 {add = true, strides = array<i32>} : memref<24x768xf32, #tpu.memory_space<vmem>>, vector<1x16xf32>,
        %get3A_393 = arith.index_cast %scan3A_151 : i32 to index
        %get3A_394 = arith.constant 432 : index
        %get3A_395 = tpu.vector_load %arg11[%get3A_393, %get3A_394] {strides = array<i32>} : memref<24x768xf32, #tpu.memory_space<vmem>>, vector<1x16xf32>,
        %get3A_396 = vector.shape_cast %get3A_395 : vector<1x16xf32> to vector<16xf32>
        %swap3A_397 = arith.index_cast %scan3A_151 : i32 to index
        %swap3A_398 = arith.constant 432 : index
        %swap3A_399 = tpu.vector_load %arg8[%swap3A_397, %swap3A_398] {strides = array<i32>} : memref<24x768xf32, #tpu.memory_space<vmem>>, vector<1x16xf32>,
        %swap3A_400 = vector.shape_cast %swap3A_399 : vector<1x16xf32> to vector<16xf32>
        %swap3A_401 = vector.shape_cast %get3A_396 : vector<16xf32> to vector<1x16xf32>
        tpu.vector_store %arg8[%swap3A_397, %swap3A_398], %swap3A_401 {add = true, strides = array<i32>} : memref<24x768xf32, #tpu.memory_space<vmem>>, vector<1x16xf32>,
        %get3A_402 = arith.index_cast %scan3A_151 : i32 to index
        %get3A_403 = arith.constant 448 : index
        %get3A_404 = tpu.vector_load %arg11[%get3A_402, %get3A_403] {strides = array<i32>} : memref<24x768xf32, #tpu.memory_space<vmem>>, vector<1x16xf32>,
        %get3A_405 = vector.shape_cast %get3A_404 : vector<1x16xf32> to vector<16xf32>
        %swap3A_406 = arith.index_cast %scan3A_151 : i32 to index
        %swap3A_407 = arith.constant 448 : index
        %swap3A_408 = tpu.vector_load %arg8[%swap3A_406, %swap3A_407] {strides = array<i32>} : memref<24x768xf32, #tpu.memory_space<vmem>>, vector<1x16xf32>,
        %swap3A_409 = vector.shape_cast %swap3A_408 : vector<1x16xf32> to vector<16xf32>
        %swap3A_410 = vector.shape_cast %get3A_405 : vector<16xf32> to vector<1x16xf32>
        tpu.vector_store %arg8[%swap3A_406, %swap3A_407], %swap3A_410 {add = true, strides = array<i32>} : memref<24x768xf32, #tpu.memory_space<vmem>>, vector<1x16xf32>,
        %get3A_411 = arith.index_cast %scan3A_151 : i32 to index
        %get3A_412 = arith.constant 464 : index
        %get3A_413 = tpu.vector_load %arg11[%get3A_411, %get3A_412] {strides = array<i32>} : memref<24x768xf32, #tpu.memory_space<vmem>>, vector<1x16xf32>,
        %get3A_414 = vector.shape_cast %get3A_413 : vector<1x16xf32> to vector<16xf32>
        %swap3A_415 = arith.index_cast %scan3A_151 : i32 to index
        %swap3A_416 = arith.constant 464 : index
        %swap3A_417 = tpu.vector_load %arg8[%swap3A_415, %swap3A_416] {strides = array<i32>} : memref<24x768xf32, #tpu.memory_space<vmem>>, vector<1x16xf32>,
        %swap3A_418 = vector.shape_cast %swap3A_417 : vector<1x16xf32> to vector<16xf32>
        %swap3A_419 = vector.shape_cast %get3A_414 : vector<16xf32> to vector<1x16xf32>
        tpu.vector_store %arg8[%swap3A_415, %swap3A_416], %swap3A_419 {add = true, strides = array<i32>} : memref<24x768xf32, #tpu.memory_space<vmem>>, vector<1x16xf32>,
        %get3A_420 = arith.index_cast %scan3A_151 : i32 to index
        %get3A_421 = arith.constant 480 : index
        %get3A_422 = tpu.vector_load %arg11[%get3A_420, %get3A_421] {strides = array<i32>} : memref<24x768xf32, #tpu.memory_space<vmem>>, vector<1x16xf32>,
        %get3A_423 = vector.shape_cast %get3A_422 : vector<1x16xf32> to vector<16xf32>
        %swap3A_424 = arith.index_cast %scan3A_151 : i32 to index
        %swap3A_425 = arith.constant 480 : index
        %swap3A_426 = tpu.vector_load %arg8[%swap3A_424, %swap3A_425] {strides = array<i32>} : memref<24x768xf32, #tpu.memory_space<vmem>>, vector<1x16xf32>,
        %swap3A_427 = vector.shape_cast %swap3A_426 : vector<1x16xf32> to vector<16xf32>
        %swap3A_428 = vector.shape_cast %get3A_423 : vector<16xf32> to vector<1x16xf32>
        tpu.vector_store %arg8[%swap3A_424, %swap3A_425], %swap3A_428 {add = true, strides = array<i32>} : memref<24x768xf32, #tpu.memory_space<vmem>>, vector<1x16xf32>,
        %get3A_429 = arith.index_cast %scan3A_151 : i32 to index
        %get3A_430 = arith.constant 496 : index
        %get3A_431 = tpu.vector_load %arg11[%get3A_429, %get3A_430] {strides = array<i32>} : memref<24x768xf32, #tpu.memory_space<vmem>>, vector<1x16xf32>,
        %get3A_432 = vector.shape_cast %get3A_431 : vector<1x16xf32> to vector<16xf32>
        %swap3A_433 = arith.index_cast %scan3A_151 : i32 to index
        %swap3A_434 = arith.constant 496 : index
        %swap3A_435 = tpu.vector_load %arg8[%swap3A_433, %swap3A_434] {strides = array<i32>} : memref<24x768xf32, #tpu.memory_space<vmem>>, vector<1x16xf32>,
        %swap3A_436 = vector.shape_cast %swap3A_435 : vector<1x16xf32> to vector<16xf32>
        %swap3A_437 = vector.shape_cast %get3A_432 : vector<16xf32> to vector<1x16xf32>
        tpu.vector_store %arg8[%swap3A_433, %swap3A_434], %swap3A_437 {add = true, strides = array<i32>} : memref<24x768xf32, #tpu.memory_space<vmem>>, vector<1x16xf32>,
        %get3A_438 = arith.index_cast %scan3A_151 : i32 to index
        %get3A_439 = arith.constant 512 : index
        %get3A_440 = tpu.vector_load %arg11[%get3A_438, %get3A_439] {strides = array<i32>} : memref<24x768xf32, #tpu.memory_space<vmem>>, vector<1x16xf32>,
        %get3A_441 = vector.shape_cast %get3A_440 : vector<1x16xf32> to vector<16xf32>
        %swap3A_442 = arith.index_cast %scan3A_151 : i32 to index
        %swap3A_443 = arith.constant 512 : index
        %swap3A_444 = tpu.vector_load %arg8[%swap3A_442, %swap3A_443] {strides = array<i32>} : memref<24x768xf32, #tpu.memory_space<vmem>>, vector<1x16xf32>,
        %swap3A_445 = vector.shape_cast %swap3A_444 : vector<1x16xf32> to vector<16xf32>
        %swap3A_446 = vector.shape_cast %get3A_441 : vector<16xf32> to vector<1x16xf32>
        tpu.vector_store %arg8[%swap3A_442, %swap3A_443], %swap3A_446 {add = true, strides = array<i32>} : memref<24x768xf32, #tpu.memory_space<vmem>>, vector<1x16xf32>,
        %get3A_447 = arith.index_cast %scan3A_151 : i32 to index
        %get3A_448 = arith.constant 528 : index
        %get3A_449 = tpu.vector_load %arg11[%get3A_447, %get3A_448] {strides = array<i32>} : memref<24x768xf32, #tpu.memory_space<vmem>>, vector<1x16xf32>,
        %get3A_450 = vector.shape_cast %get3A_449 : vector<1x16xf32> to vector<16xf32>
        %swap3A_451 = arith.index_cast %scan3A_151 : i32 to index
        %swap3A_452 = arith.constant 528 : index
        %swap3A_453 = tpu.vector_load %arg8[%swap3A_451, %swap3A_452] {strides = array<i32>} : memref<24x768xf32, #tpu.memory_space<vmem>>, vector<1x16xf32>,
        %swap3A_454 = vector.shape_cast %swap3A_453 : vector<1x16xf32> to vector<16xf32>
        %swap3A_455 = vector.shape_cast %get3A_450 : vector<16xf32> to vector<1x16xf32>
        tpu.vector_store %arg8[%swap3A_451, %swap3A_452], %swap3A_455 {add = true, strides = array<i32>} : memref<24x768xf32, #tpu.memory_space<vmem>>, vector<1x16xf32>,
        %get3A_456 = arith.index_cast %scan3A_151 : i32 to index
        %get3A_457 = arith.constant 544 : index
        %get3A_458 = tpu.vector_load %arg11[%get3A_456, %get3A_457] {strides = array<i32>} : memref<24x768xf32, #tpu.memory_space<vmem>>, vector<1x16xf32>,
        %get3A_459 = vector.shape_cast %get3A_458 : vector<1x16xf32> to vector<16xf32>
        %swap3A_460 = arith.index_cast %scan3A_151 : i32 to index
        %swap3A_461 = arith.constant 544 : index
        %swap3A_462 = tpu.vector_load %arg8[%swap3A_460, %swap3A_461] {strides = array<i32>} : memref<24x768xf32, #tpu.memory_space<vmem>>, vector<1x16xf32>,
        %swap3A_463 = vector.shape_cast %swap3A_462 : vector<1x16xf32> to vector<16xf32>
        %swap3A_464 = vector.shape_cast %get3A_459 : vector<16xf32> to vector<1x16xf32>
        tpu.vector_store %arg8[%swap3A_460, %swap3A_461], %swap3A_464 {add = true, strides = array<i32>} : memref<24x768xf32, #tpu.memory_space<vmem>>, vector<1x16xf32>,
        %get3A_465 = arith.index_cast %scan3A_151 : i32 to index
        %get3A_466 = arith.constant 560 : index
        %get3A_467 = tpu.vector_load %arg11[%get3A_465, %get3A_466] {strides = array<i32>} : memref<24x768xf32, #tpu.memory_space<vmem>>, vector<1x16xf32>,
        %get3A_468 = vector.shape_cast %get3A_467 : vector<1x16xf32> to vector<16xf32>
        %swap3A_469 = arith.index_cast %scan3A_151 : i32 to index
        %swap3A_470 = arith.constant 560 : index
        %swap3A_471 = tpu.vector_load %arg8[%swap3A_469, %swap3A_470] {strides = array<i32>} : memref<24x768xf32, #tpu.memory_space<vmem>>, vector<1x16xf32>,
        %swap3A_472 = vector.shape_cast %swap3A_471 : vector<1x16xf32> to vector<16xf32>
        %swap3A_473 = vector.shape_cast %get3A_468 : vector<16xf32> to vector<1x16xf32>
        tpu.vector_store %arg8[%swap3A_469, %swap3A_470], %swap3A_473 {add = true, strides = array<i32>} : memref<24x768xf32, #tpu.memory_space<vmem>>, vector<1x16xf32>,
        %get3A_474 = arith.index_cast %scan3A_151 : i32 to index
        %get3A_475 = arith.constant 576 : index
        %get3A_476 = tpu.vector_load %arg11[%get3A_474, %get3A_475] {strides = array<i32>} : memref<24x768xf32, #tpu.memory_space<vmem>>, vector<1x16xf32>,
        %get3A_477 = vector.shape_cast %get3A_476 : vector<1x16xf32> to vector<16xf32>
        %swap3A_478 = arith.index_cast %scan3A_151 : i32 to index
        %swap3A_479 = arith.constant 576 : index
        %swap3A_480 = tpu.vector_load %arg8[%swap3A_478, %swap3A_479] {strides = array<i32>} : memref<24x768xf32, #tpu.memory_space<vmem>>, vector<1x16xf32>,
        %swap3A_481 = vector.shape_cast %swap3A_480 : vector<1x16xf32> to vector<16xf32>
        %swap3A_482 = vector.shape_cast %get3A_477 : vector<16xf32> to vector<1x16xf32>
        tpu.vector_store %arg8[%swap3A_478, %swap3A_479], %swap3A_482 {add = true, strides = array<i32>} : memref<24x768xf32, #tpu.memory_space<vmem>>, vector<1x16xf32>,
        %get3A_483 = arith.index_cast %scan3A_151 : i32 to index
        %get3A_484 = arith.constant 592 : index
        %get3A_485 = tpu.vector_load %arg11[%get3A_483, %get3A_484] {strides = array<i32>} : memref<24x768xf32, #tpu.memory_space<vmem>>, vector<1x16xf32>,
        %get3A_486 = vector.shape_cast %get3A_485 : vector<1x16xf32> to vector<16xf32>
        %swap3A_487 = arith.index_cast %scan3A_151 : i32 to index
        %swap3A_488 = arith.constant 592 : index
        %swap3A_489 = tpu.vector_load %arg8[%swap3A_487, %swap3A_488] {strides = array<i32>} : memref<24x768xf32, #tpu.memory_space<vmem>>, vector<1x16xf32>,
        %swap3A_490 = vector.shape_cast %swap3A_489 : vector<1x16xf32> to vector<16xf32>
        %swap3A_491 = vector.shape_cast %get3A_486 : vector<16xf32> to vector<1x16xf32>
        tpu.vector_store %arg8[%swap3A_487, %swap3A_488], %swap3A_491 {add = true, strides = array<i32>} : memref<24x768xf32, #tpu.memory_space<vmem>>, vector<1x16xf32>,
        %get3A_492 = arith.index_cast %scan3A_151 : i32 to index
        %get3A_493 = arith.constant 608 : index
        %get3A_494 = tpu.vector_load %arg11[%get3A_492, %get3A_493] {strides = array<i32>} : memref<24x768xf32, #tpu.memory_space<vmem>>, vector<1x16xf32>,
        %get3A_495 = vector.shape_cast %get3A_494 : vector<1x16xf32> to vector<16xf32>
        %swap3A_496 = arith.index_cast %scan3A_151 : i32 to index
        %swap3A_497 = arith.constant 608 : index
        %swap3A_498 = tpu.vector_load %arg8[%swap3A_496, %swap3A_497] {strides = array<i32>} : memref<24x768xf32, #tpu.memory_space<vmem>>, vector<1x16xf32>,
        %swap3A_499 = vector.shape_cast %swap3A_498 : vector<1x16xf32> to vector<16xf32>
        %swap3A_500 = vector.shape_cast %get3A_495 : vector<16xf32> to vector<1x16xf32>
        tpu.vector_store %arg8[%swap3A_496, %swap3A_497], %swap3A_500 {add = true, strides = array<i32>} : memref<24x768xf32, #tpu.memory_space<vmem>>, vector<1x16xf32>,
        %get3A_501 = arith.index_cast %scan3A_151 : i32 to index
        %get3A_502 = arith.constant 624 : index
        %get3A_503 = tpu.vector_load %arg11[%get3A_501, %get3A_502] {strides = array<i32>} : memref<24x768xf32, #tpu.memory_space<vmem>>, vector<1x16xf32>,
        %get3A_504 = vector.shape_cast %get3A_503 : vector<1x16xf32> to vector<16xf32>
        %swap3A_505 = arith.index_cast %scan3A_151 : i32 to index
        %swap3A_506 = arith.constant 624 : index
        %swap3A_507 = tpu.vector_load %arg8[%swap3A_505, %swap3A_506] {strides = array<i32>} : memref<24x768xf32, #tpu.memory_space<vmem>>, vector<1x16xf32>,
        %swap3A_508 = vector.shape_cast %swap3A_507 : vector<1x16xf32> to vector<16xf32>
        %swap3A_509 = vector.shape_cast %get3A_504 : vector<16xf32> to vector<1x16xf32>
        tpu.vector_store %arg8[%swap3A_505, %swap3A_506], %swap3A_509 {add = true, strides = array<i32>} : memref<24x768xf32, #tpu.memory_space<vmem>>, vector<1x16xf32>,
        %get3A_510 = arith.index_cast %scan3A_151 : i32 to index
        %get3A_511 = arith.constant 640 : index
        %get3A_512 = tpu.vector_load %arg11[%get3A_510, %get3A_511] {strides = array<i32>} : memref<24x768xf32, #tpu.memory_space<vmem>>, vector<1x16xf32>,
        %get3A_513 = vector.shape_cast %get3A_512 : vector<1x16xf32> to vector<16xf32>
        %swap3A_514 = arith.index_cast %scan3A_151 : i32 to index
        %swap3A_515 = arith.constant 640 : index
        %swap3A_516 = tpu.vector_load %arg8[%swap3A_514, %swap3A_515] {strides = array<i32>} : memref<24x768xf32, #tpu.memory_space<vmem>>, vector<1x16xf32>,
        %swap3A_517 = vector.shape_cast %swap3A_516 : vector<1x16xf32> to vector<16xf32>
        %swap3A_518 = vector.shape_cast %get3A_513 : vector<16xf32> to vector<1x16xf32>
        tpu.vector_store %arg8[%swap3A_514, %swap3A_515], %swap3A_518 {add = true, strides = array<i32>} : memref<24x768xf32, #tpu.memory_space<vmem>>, vector<1x16xf32>,
        %get3A_519 = arith.index_cast %scan3A_151 : i32 to index
        %get3A_520 = arith.constant 656 : index
        %get3A_521 = tpu.vector_load %arg11[%get3A_519, %get3A_520] {strides = array<i32>} : memref<24x768xf32, #tpu.memory_space<vmem>>, vector<1x16xf32>,
        %get3A_522 = vector.shape_cast %get3A_521 : vector<1x16xf32> to vector<16xf32>
        %swap3A_523 = arith.index_cast %scan3A_151 : i32 to index
        %swap3A_524 = arith.constant 656 : index
        %swap3A_525 = tpu.vector_load %arg8[%swap3A_523, %swap3A_524] {strides = array<i32>} : memref<24x768xf32, #tpu.memory_space<vmem>>, vector<1x16xf32>,
        %swap3A_526 = vector.shape_cast %swap3A_525 : vector<1x16xf32> to vector<16xf32>
        %swap3A_527 = vector.shape_cast %get3A_522 : vector<16xf32> to vector<1x16xf32>
        tpu.vector_store %arg8[%swap3A_523, %swap3A_524], %swap3A_527 {add = true, strides = array<i32>} : memref<24x768xf32, #tpu.memory_space<vmem>>, vector<1x16xf32>,
        %get3A_528 = arith.index_cast %scan3A_151 : i32 to index
        %get3A_529 = arith.constant 672 : index
        %get3A_530 = tpu.vector_load %arg11[%get3A_528, %get3A_529] {strides = array<i32>} : memref<24x768xf32, #tpu.memory_space<vmem>>, vector<1x16xf32>,
        %get3A_531 = vector.shape_cast %get3A_530 : vector<1x16xf32> to vector<16xf32>
        %swap3A_532 = arith.index_cast %scan3A_151 : i32 to index
        %swap3A_533 = arith.constant 672 : index
        %swap3A_534 = tpu.vector_load %arg8[%swap3A_532, %swap3A_533] {strides = array<i32>} : memref<24x768xf32, #tpu.memory_space<vmem>>, vector<1x16xf32>,
        %swap3A_535 = vector.shape_cast %swap3A_534 : vector<1x16xf32> to vector<16xf32>
        %swap3A_536 = vector.shape_cast %get3A_531 : vector<16xf32> to vector<1x16xf32>
        tpu.vector_store %arg8[%swap3A_532, %swap3A_533], %swap3A_536 {add = true, strides = array<i32>} : memref<24x768xf32, #tpu.memory_space<vmem>>, vector<1x16xf32>,
        %get3A_537 = arith.index_cast %scan3A_151 : i32 to index
        %get3A_538 = arith.constant 688 : index
        %get3A_539 = tpu.vector_load %arg11[%get3A_537, %get3A_538] {strides = array<i32>} : memref<24x768xf32, #tpu.memory_space<vmem>>, vector<1x16xf32>,
        %get3A_540 = vector.shape_cast %get3A_539 : vector<1x16xf32> to vector<16xf32>
        %swap3A_541 = arith.index_cast %scan3A_151 : i32 to index
        %swap3A_542 = arith.constant 688 : index
        %swap3A_543 = tpu.vector_load %arg8[%swap3A_541, %swap3A_542] {strides = array<i32>} : memref<24x768xf32, #tpu.memory_space<vmem>>, vector<1x16xf32>,
        %swap3A_544 = vector.shape_cast %swap3A_543 : vector<1x16xf32> to vector<16xf32>
        %swap3A_545 = vector.shape_cast %get3A_540 : vector<16xf32> to vector<1x16xf32>
        tpu.vector_store %arg8[%swap3A_541, %swap3A_542], %swap3A_545 {add = true, strides = array<i32>} : memref<24x768xf32, #tpu.memory_space<vmem>>, vector<1x16xf32>,
        %get3A_546 = arith.index_cast %scan3A_151 : i32 to index
        %get3A_547 = arith.constant 704 : index
        %get3A_548 = tpu.vector_load %arg11[%get3A_546, %get3A_547] {strides = array<i32>} : memref<24x768xf32, #tpu.memory_space<vmem>>, vector<1x16xf32>,
        %get3A_549 = vector.shape_cast %get3A_548 : vector<1x16xf32> to vector<16xf32>
        %swap3A_550 = arith.index_cast %scan3A_151 : i32 to index
        %swap3A_551 = arith.constant 704 : index
        %swap3A_552 = tpu.vector_load %arg8[%swap3A_550, %swap3A_551] {strides = array<i32>} : memref<24x768xf32, #tpu.memory_space<vmem>>, vector<1x16xf32>,
        %swap3A_553 = vector.shape_cast %swap3A_552 : vector<1x16xf32> to vector<16xf32>
        %swap3A_554 = vector.shape_cast %get3A_549 : vector<16xf32> to vector<1x16xf32>
        tpu.vector_store %arg8[%swap3A_550, %swap3A_551], %swap3A_554 {add = true, strides = array<i32>} : memref<24x768xf32, #tpu.memory_space<vmem>>, vector<1x16xf32>,
        %get3A_555 = arith.index_cast %scan3A_151 : i32 to index
        %get3A_556 = arith.constant 720 : index
        %get3A_557 = tpu.vector_load %arg11[%get3A_555, %get3A_556] {strides = array<i32>} : memref<24x768xf32, #tpu.memory_space<vmem>>, vector<1x16xf32>,
        %get3A_558 = vector.shape_cast %get3A_557 : vector<1x16xf32> to vector<16xf32>
        %swap3A_559 = arith.index_cast %scan3A_151 : i32 to index
        %swap3A_560 = arith.constant 720 : index
        %swap3A_561 = tpu.vector_load %arg8[%swap3A_559, %swap3A_560] {strides = array<i32>} : memref<24x768xf32, #tpu.memory_space<vmem>>, vector<1x16xf32>,
        %swap3A_562 = vector.shape_cast %swap3A_561 : vector<1x16xf32> to vector<16xf32>
        %swap3A_563 = vector.shape_cast %get3A_558 : vector<16xf32> to vector<1x16xf32>
        tpu.vector_store %arg8[%swap3A_559, %swap3A_560], %swap3A_563 {add = true, strides = array<i32>} : memref<24x768xf32, #tpu.memory_space<vmem>>, vector<1x16xf32>,
        %get3A_564 = arith.index_cast %scan3A_151 : i32 to index
        %get3A_565 = arith.constant 736 : index
        %get3A_566 = tpu.vector_load %arg11[%get3A_564, %get3A_565] {strides = array<i32>} : memref<24x768xf32, #tpu.memory_space<vmem>>, vector<1x16xf32>,
        %get3A_567 = vector.shape_cast %get3A_566 : vector<1x16xf32> to vector<16xf32>
        %swap3A_568 = arith.index_cast %scan3A_151 : i32 to index
        %swap3A_569 = arith.constant 736 : index
        %swap3A_570 = tpu.vector_load %arg8[%swap3A_568, %swap3A_569] {strides = array<i32>} : memref<24x768xf32, #tpu.memory_space<vmem>>, vector<1x16xf32>,
        %swap3A_571 = vector.shape_cast %swap3A_570 : vector<1x16xf32> to vector<16xf32>
        %swap3A_572 = vector.shape_cast %get3A_567 : vector<16xf32> to vector<1x16xf32>
        tpu.vector_store %arg8[%swap3A_568, %swap3A_569], %swap3A_572 {add = true, strides = array<i32>} : memref<24x768xf32, #tpu.memory_space<vmem>>, vector<1x16xf32>,
        %get3A_573 = arith.index_cast %scan3A_151 : i32 to index
        %get3A_574 = arith.constant 752 : index
        %get3A_575 = tpu.vector_load %arg11[%get3A_573, %get3A_574] {strides = array<i32>} : memref<24x768xf32, #tpu.memory_space<vmem>>, vector<1x16xf32>,
        %get3A_576 = vector.shape_cast %get3A_575 : vector<1x16xf32> to vector<16xf32>
        %swap3A_577 = arith.index_cast %scan3A_151 : i32 to index
        %swap3A_578 = arith.constant 752 : index
        %swap3A_579 = tpu.vector_load %arg8[%swap3A_577, %swap3A_578] {strides = array<i32>} : memref<24x768xf32, #tpu.memory_space<vmem>>, vector<1x16xf32>,
        %swap3A_580 = vector.shape_cast %swap3A_579 : vector<1x16xf32> to vector<16xf32>
        %swap3A_581 = vector.shape_cast %get3A_576 : vector<16xf32> to vector<1x16xf32>
        tpu.vector_store %arg8[%swap3A_577, %swap3A_578], %swap3A_581 {add = true, strides = array<i32>} : memref<24x768xf32, #tpu.memory_space<vmem>>, vector<1x16xf32>,
      }
      %scan3A_102 = arith.constant 24 : i32
      %mul3A_103 = arith.constant 24 : i32
      %mul3A_104 = arith.muli %add3A_86, %mul3A_103 : i32
      %add3A_105 = arith.addi %mul3A_2, %mul3A_104 : i32
      %dma_start3A_106 = arith.constant 0 : i32
      %dma_start3A_107 = tpu.memref_slice %arg5[%add3A_105, %dma_start3A_106] : memref<36864x768xf32, #tpu.memory_space<hbm>> -> memref<24x768xf32, #tpu.memory_space<hbm>>
      %dma_start3A_108 = arith.constant 0 : i32
      %dma_start3A_109 = tpu.memref_slice %arg5[%add3A_105, %dma_start3A_108] : memref<36864x768xf32, #tpu.memory_space<hbm>> -> memref<24x768xf32, #tpu.memory_space<hbm>>
      tpu.enqueue_dma source(%arg8 : memref<24x768xf32, #tpu.memory_space<vmem>>) target(%dma_start3A_109 : memref<24x768xf32, #tpu.memory_space<hbm>>) target_semaphore(%arg20 : memref<!tpu.dma_semaphore, #tpu.memory_space<semaphore_mem>>)
      %add3A_110 = arith.constant 3 : i32
      %add3A_111 = arith.addi %add3A_86, %add3A_110 : i32
      %lt3A_112 = arith.constant 48 : i32
      %lt3A_113 = arith.cmpi slt, %add3A_111, %lt3A_112 : i32
      %convert_element_type3A_114 = arith.extui %lt3A_113 : i1 to i32
      %cond3A_115 = arith.constant 0 : i32
      %cond3A_116 = arith.cmpi ne, %convert_element_type3A_114, %cond3A_115 : i32
      scf.if %cond3A_116 {
        %add3A_151 = arith.constant 3 : i32
        %add3A_152 = arith.addi %add3A_86, %add3A_151 : i32
        %dma_wait3A_153 = arith.constant 0 : i32
        %dma_wait3A_154 = tpu.memref_slice %arg5[%mul3A_2, %dma_wait3A_153] : memref<36864x768xf32, #tpu.memory_space<hbm>> -> memref<24x768xf32, #tpu.memory_space<hbm>>
        %dma_wait3A_155 = arith.constant 0 : i32
        %dma_wait3A_156 = tpu.memref_slice %arg5[%mul3A_2, %dma_wait3A_155] : memref<36864x768xf32, #tpu.memory_space<hbm>> -> memref<24x768xf32, #tpu.memory_space<hbm>>
        tpu.wait_dma2 semaphore(%arg20 : memref<!tpu.dma_semaphore, #tpu.memory_space<semaphore_mem>>) src(%arg8 : memref<24x768xf32, #tpu.memory_space<vmem>>) dst(%dma_wait3A_156 : memref<24x768xf32, #tpu.memory_space<hbm>>)
        %mul3A_157 = arith.constant 24 : i32
        %mul3A_158 = arith.muli %add3A_152, %mul3A_157 : i32
        %add3A_159 = arith.addi %mul3A_2, %mul3A_158 : i32
        %dma_start3A_160 = arith.constant 0 : i32
        %dma_start3A_161 = tpu.memref_slice %arg2[%add3A_159, %dma_start3A_160] : memref<36864x768xf32, #tpu.memory_space<hbm>> -> memref<24x768xf32, #tpu.memory_space<hbm>>
        %dma_start3A_162 = arith.constant 0 : i32
        %dma_start3A_163 = tpu.memref_slice %arg2[%add3A_159, %dma_start3A_162] : memref<36864x768xf32, #tpu.memory_space<hbm>> -> memref<24x768xf32, #tpu.memory_space<hbm>>
        tpu.enqueue_dma source(%dma_start3A_163 : memref<24x768xf32, #tpu.memory_space<hbm>>) target(%arg8 : memref<24x768xf32, #tpu.memory_space<vmem>>) target_semaphore(%arg14 : memref<!tpu.dma_semaphore, #tpu.memory_space<semaphore_mem>>)
        %mul3A_164 = arith.constant 24 : i32
        %mul3A_165 = arith.muli %add3A_152, %mul3A_164 : i32
        %dma_start3A_166 = tpu.memref_slice %arg6[%mul3A_165] : memref<1152xi32, #tpu.memory_space<vmem>> -> memref<24xi32, #tpu.memory_space<vmem>>
        %dma_start3A_167 = arith.constant 0 : i32
        %dma_start3A_168 = arith.constant 0 : i32
        %dma_start3A_169 = tpu.memref_slice %arg4[%dma_start3A_167, %dma_start3A_168] : memref<576x768xf32, #tpu.memory_space<hbm>> -> memref<576x768xf32, #tpu.memory_space<hbm>>
        tpu.enqueue_indirect_dma source(%dma_start3A_169 : memref<576x768xf32, #tpu.memory_space<hbm>>) target(%arg11 : memref<24x768xf32, #tpu.memory_space<vmem>>) offsets(%dma_start3A_166 : memref<24xi32, #tpu.memory_space<vmem>>) semaphore(%arg17 : memref<!tpu.dma_semaphore, #tpu.memory_space<semaphore_mem>>)
      } else {
      }
      %mul3A_117 = arith.constant 3 : i32
      %mul3A_118 = arith.muli %scan3A_51, %mul3A_117 : i32
      %add3A_119 = arith.constant 2 : i32
      %add3A_120 = arith.addi %mul3A_118, %add3A_119 : i32
      %dma_wait3A_121 = arith.constant 0 : i32
      %dma_wait3A_122 = tpu.memref_slice %arg2[%mul3A_2, %dma_wait3A_121] : memref<36864x768xf32, #tpu.memory_space<hbm>> -> memref<24x768xf32, #tpu.memory_space<hbm>>
      %dma_wait3A_123 = arith.constant 0 : i32
      %dma_wait3A_124 = tpu.memref_slice %arg2[%mul3A_2, %dma_wait3A_123] : memref<36864x768xf32, #tpu.memory_space<hbm>> -> memref<24x768xf32, #tpu.memory_space<hbm>>
      tpu.wait_dma2 semaphore(%arg15 : memref<!tpu.dma_semaphore, #tpu.memory_space<semaphore_mem>>) src(%dma_wait3A_124 : memref<24x768xf32, #tpu.memory_space<hbm>>) dst(%arg9 : memref<24x768xf32, #tpu.memory_space<vmem>>)
      %mul3A_125 = arith.constant 24 : i32
      %mul3A_126 = arith.muli %add3A_120, %mul3A_125 : i32
      %dma_wait3A_127 = tpu.memref_slice %arg6[%mul3A_126] : memref<1152xi32, #tpu.memory_space<vmem>> -> memref<24xi32, #tpu.memory_space<vmem>>
      %dma_wait3A_128 = arith.constant 0 : i32
      %dma_wait3A_129 = arith.constant 0 : i32
      %dma_wait3A_130 = tpu.memref_slice %arg4[%dma_wait3A_128, %dma_wait3A_129] : memref<576x768xf32, #tpu.memory_space<hbm>> -> memref<576x768xf32, #tpu.memory_space<hbm>>
      tpu.wait_indirect_dma semaphore(%arg18 : memref<!tpu.dma_semaphore, #tpu.memory_space<semaphore_mem>>) src(%dma_wait3A_130 : memref<576x768xf32, #tpu.memory_space<hbm>>) dst(%arg12 : memref<24x768xf32, #tpu.memory_space<vmem>>)
      %scan3A_131 = arith.constant 0 : i32
      %scan3A_132 = arith.constant 0 : i32
      %scan3A_133 = arith.constant 24 : i32
      %scan3A_134 = arith.addi %scan3A_132, %scan3A_133 : i32
      %scan3A_135 = arith.constant 1 : i32
      scf.for %scan3A_151 = %scan3A_132 to %scan3A_134 step %scan3A_135  : i32 {
        %get3A = arith.index_cast %scan3A_151 : i32 to index
        %get3A_152 = arith.constant 0 : index
        %get3A_153 = tpu.vector_load %arg12[%get3A, %get3A_152] {strides = array<i32>} : memref<24x768xf32, #tpu.memory_space<vmem>>, vector<1x16xf32>,
        %get3A_154 = vector.shape_cast %get3A_153 : vector<1x16xf32> to vector<16xf32>
        %swap3A = arith.index_cast %scan3A_151 : i32 to index
        %swap3A_155 = arith.constant 0 : index
        %swap3A_156 = tpu.vector_load %arg9[%swap3A, %swap3A_155] {strides = array<i32>} : memref<24x768xf32, #tpu.memory_space<vmem>>, vector<1x16xf32>,
        %swap3A_157 = vector.shape_cast %swap3A_156 : vector<1x16xf32> to vector<16xf32>
        %swap3A_158 = vector.shape_cast %get3A_154 : vector<16xf32> to vector<1x16xf32>
        tpu.vector_store %arg9[%swap3A, %swap3A_155], %swap3A_158 {add = true, strides = array<i32>} : memref<24x768xf32, #tpu.memory_space<vmem>>, vector<1x16xf32>,
        %get3A_159 = arith.index_cast %scan3A_151 : i32 to index
        %get3A_160 = arith.constant 16 : index
        %get3A_161 = tpu.vector_load %arg12[%get3A_159, %get3A_160] {strides = array<i32>} : memref<24x768xf32, #tpu.memory_space<vmem>>, vector<1x16xf32>,
        %get3A_162 = vector.shape_cast %get3A_161 : vector<1x16xf32> to vector<16xf32>
        %swap3A_163 = arith.index_cast %scan3A_151 : i32 to index
        %swap3A_164 = arith.constant 16 : index
        %swap3A_165 = tpu.vector_load %arg9[%swap3A_163, %swap3A_164] {strides = array<i32>} : memref<24x768xf32, #tpu.memory_space<vmem>>, vector<1x16xf32>,
        %swap3A_166 = vector.shape_cast %swap3A_165 : vector<1x16xf32> to vector<16xf32>
        %swap3A_167 = vector.shape_cast %get3A_162 : vector<16xf32> to vector<1x16xf32>
        tpu.vector_store %arg9[%swap3A_163, %swap3A_164], %swap3A_167 {add = true, strides = array<i32>} : memref<24x768xf32, #tpu.memory_space<vmem>>, vector<1x16xf32>,
        %get3A_168 = arith.index_cast %scan3A_151 : i32 to index
        %get3A_169 = arith.constant 32 : index
        %get3A_170 = tpu.vector_load %arg12[%get3A_168, %get3A_169] {strides = array<i32>} : memref<24x768xf32, #tpu.memory_space<vmem>>, vector<1x16xf32>,
        %get3A_171 = vector.shape_cast %get3A_170 : vector<1x16xf32> to vector<16xf32>
        %swap3A_172 = arith.index_cast %scan3A_151 : i32 to index
        %swap3A_173 = arith.constant 32 : index
        %swap3A_174 = tpu.vector_load %arg9[%swap3A_172, %swap3A_173] {strides = array<i32>} : memref<24x768xf32, #tpu.memory_space<vmem>>, vector<1x16xf32>,
        %swap3A_175 = vector.shape_cast %swap3A_174 : vector<1x16xf32> to vector<16xf32>
        %swap3A_176 = vector.shape_cast %get3A_171 : vector<16xf32> to vector<1x16xf32>
        tpu.vector_store %arg9[%swap3A_172, %swap3A_173], %swap3A_176 {add = true, strides = array<i32>} : memref<24x768xf32, #tpu.memory_space<vmem>>, vector<1x16xf32>,
        %get3A_177 = arith.index_cast %scan3A_151 : i32 to index
        %get3A_178 = arith.constant 48 : index
        %get3A_179 = tpu.vector_load %arg12[%get3A_177, %get3A_178] {strides = array<i32>} : memref<24x768xf32, #tpu.memory_space<vmem>>, vector<1x16xf32>,
        %get3A_180 = vector.shape_cast %get3A_179 : vector<1x16xf32> to vector<16xf32>
        %swap3A_181 = arith.index_cast %scan3A_151 : i32 to index
        %swap3A_182 = arith.constant 48 : index
        %swap3A_183 = tpu.vector_load %arg9[%swap3A_181, %swap3A_182] {strides = array<i32>} : memref<24x768xf32, #tpu.memory_space<vmem>>, vector<1x16xf32>,
        %swap3A_184 = vector.shape_cast %swap3A_183 : vector<1x16xf32> to vector<16xf32>
        %swap3A_185 = vector.shape_cast %get3A_180 : vector<16xf32> to vector<1x16xf32>
        tpu.vector_store %arg9[%swap3A_181, %swap3A_182], %swap3A_185 {add = true, strides = array<i32>} : memref<24x768xf32, #tpu.memory_space<vmem>>, vector<1x16xf32>,
        %get3A_186 = arith.index_cast %scan3A_151 : i32 to index
        %get3A_187 = arith.constant 64 : index
        %get3A_188 = tpu.vector_load %arg12[%get3A_186, %get3A_187] {strides = array<i32>} : memref<24x768xf32, #tpu.memory_space<vmem>>, vector<1x16xf32>,
        %get3A_189 = vector.shape_cast %get3A_188 : vector<1x16xf32> to vector<16xf32>
        %swap3A_190 = arith.index_cast %scan3A_151 : i32 to index
        %swap3A_191 = arith.constant 64 : index
        %swap3A_192 = tpu.vector_load %arg9[%swap3A_190, %swap3A_191] {strides = array<i32>} : memref<24x768xf32, #tpu.memory_space<vmem>>, vector<1x16xf32>,
        %swap3A_193 = vector.shape_cast %swap3A_192 : vector<1x16xf32> to vector<16xf32>
        %swap3A_194 = vector.shape_cast %get3A_189 : vector<16xf32> to vector<1x16xf32>
        tpu.vector_store %arg9[%swap3A_190, %swap3A_191], %swap3A_194 {add = true, strides = array<i32>} : memref<24x768xf32, #tpu.memory_space<vmem>>, vector<1x16xf32>,
        %get3A_195 = arith.index_cast %scan3A_151 : i32 to index
        %get3A_196 = arith.constant 80 : index
        %get3A_197 = tpu.vector_load %arg12[%get3A_195, %get3A_196] {strides = array<i32>} : memref<24x768xf32, #tpu.memory_space<vmem>>, vector<1x16xf32>,
        %get3A_198 = vector.shape_cast %get3A_197 : vector<1x16xf32> to vector<16xf32>
        %swap3A_199 = arith.index_cast %scan3A_151 : i32 to index
        %swap3A_200 = arith.constant 80 : index
        %swap3A_201 = tpu.vector_load %arg9[%swap3A_199, %swap3A_200] {strides = array<i32>} : memref<24x768xf32, #tpu.memory_space<vmem>>, vector<1x16xf32>,
        %swap3A_202 = vector.shape_cast %swap3A_201 : vector<1x16xf32> to vector<16xf32>
        %swap3A_203 = vector.shape_cast %get3A_198 : vector<16xf32> to vector<1x16xf32>
        tpu.vector_store %arg9[%swap3A_199, %swap3A_200], %swap3A_203 {add = true, strides = array<i32>} : memref<24x768xf32, #tpu.memory_space<vmem>>, vector<1x16xf32>,
        %get3A_204 = arith.index_cast %scan3A_151 : i32 to index
        %get3A_205 = arith.constant 96 : index
        %get3A_206 = tpu.vector_load %arg12[%get3A_204, %get3A_205] {strides = array<i32>} : memref<24x768xf32, #tpu.memory_space<vmem>>, vector<1x16xf32>,
        %get3A_207 = vector.shape_cast %get3A_206 : vector<1x16xf32> to vector<16xf32>
        %swap3A_208 = arith.index_cast %scan3A_151 : i32 to index
        %swap3A_209 = arith.constant 96 : index
        %swap3A_210 = tpu.vector_load %arg9[%swap3A_208, %swap3A_209] {strides = array<i32>} : memref<24x768xf32, #tpu.memory_space<vmem>>, vector<1x16xf32>,
        %swap3A_211 = vector.shape_cast %swap3A_210 : vector<1x16xf32> to vector<16xf32>
        %swap3A_212 = vector.shape_cast %get3A_207 : vector<16xf32> to vector<1x16xf32>
        tpu.vector_store %arg9[%swap3A_208, %swap3A_209], %swap3A_212 {add = true, strides = array<i32>} : memref<24x768xf32, #tpu.memory_space<vmem>>, vector<1x16xf32>,
        %get3A_213 = arith.index_cast %scan3A_151 : i32 to index
        %get3A_214 = arith.constant 112 : index
        %get3A_215 = tpu.vector_load %arg12[%get3A_213, %get3A_214] {strides = array<i32>} : memref<24x768xf32, #tpu.memory_space<vmem>>, vector<1x16xf32>,
        %get3A_216 = vector.shape_cast %get3A_215 : vector<1x16xf32> to vector<16xf32>
        %swap3A_217 = arith.index_cast %scan3A_151 : i32 to index
        %swap3A_218 = arith.constant 112 : index
        %swap3A_219 = tpu.vector_load %arg9[%swap3A_217, %swap3A_218] {strides = array<i32>} : memref<24x768xf32, #tpu.memory_space<vmem>>, vector<1x16xf32>,
        %swap3A_220 = vector.shape_cast %swap3A_219 : vector<1x16xf32> to vector<16xf32>
        %swap3A_221 = vector.shape_cast %get3A_216 : vector<16xf32> to vector<1x16xf32>
        tpu.vector_store %arg9[%swap3A_217, %swap3A_218], %swap3A_221 {add = true, strides = array<i32>} : memref<24x768xf32, #tpu.memory_space<vmem>>, vector<1x16xf32>,
        %get3A_222 = arith.index_cast %scan3A_151 : i32 to index
        %get3A_223 = arith.constant 128 : index
        %get3A_224 = tpu.vector_load %arg12[%get3A_222, %get3A_223] {strides = array<i32>} : memref<24x768xf32, #tpu.memory_space<vmem>>, vector<1x16xf32>,
        %get3A_225 = vector.shape_cast %get3A_224 : vector<1x16xf32> to vector<16xf32>
        %swap3A_226 = arith.index_cast %scan3A_151 : i32 to index
        %swap3A_227 = arith.constant 128 : index
        %swap3A_228 = tpu.vector_load %arg9[%swap3A_226, %swap3A_227] {strides = array<i32>} : memref<24x768xf32, #tpu.memory_space<vmem>>, vector<1x16xf32>,
        %swap3A_229 = vector.shape_cast %swap3A_228 : vector<1x16xf32> to vector<16xf32>
        %swap3A_230 = vector.shape_cast %get3A_225 : vector<16xf32> to vector<1x16xf32>
        tpu.vector_store %arg9[%swap3A_226, %swap3A_227], %swap3A_230 {add = true, strides = array<i32>} : memref<24x768xf32, #tpu.memory_space<vmem>>, vector<1x16xf32>,
        %get3A_231 = arith.index_cast %scan3A_151 : i32 to index
        %get3A_232 = arith.constant 144 : index
        %get3A_233 = tpu.vector_load %arg12[%get3A_231, %get3A_232] {strides = array<i32>} : memref<24x768xf32, #tpu.memory_space<vmem>>, vector<1x16xf32>,
        %get3A_234 = vector.shape_cast %get3A_233 : vector<1x16xf32> to vector<16xf32>
        %swap3A_235 = arith.index_cast %scan3A_151 : i32 to index
        %swap3A_236 = arith.constant 144 : index
        %swap3A_237 = tpu.vector_load %arg9[%swap3A_235, %swap3A_236] {strides = array<i32>} : memref<24x768xf32, #tpu.memory_space<vmem>>, vector<1x16xf32>,
        %swap3A_238 = vector.shape_cast %swap3A_237 : vector<1x16xf32> to vector<16xf32>
        %swap3A_239 = vector.shape_cast %get3A_234 : vector<16xf32> to vector<1x16xf32>
        tpu.vector_store %arg9[%swap3A_235, %swap3A_236], %swap3A_239 {add = true, strides = array<i32>} : memref<24x768xf32, #tpu.memory_space<vmem>>, vector<1x16xf32>,
        %get3A_240 = arith.index_cast %scan3A_151 : i32 to index
        %get3A_241 = arith.constant 160 : index
        %get3A_242 = tpu.vector_load %arg12[%get3A_240, %get3A_241] {strides = array<i32>} : memref<24x768xf32, #tpu.memory_space<vmem>>, vector<1x16xf32>,
        %get3A_243 = vector.shape_cast %get3A_242 : vector<1x16xf32> to vector<16xf32>
        %swap3A_244 = arith.index_cast %scan3A_151 : i32 to index
        %swap3A_245 = arith.constant 160 : index
        %swap3A_246 = tpu.vector_load %arg9[%swap3A_244, %swap3A_245] {strides = array<i32>} : memref<24x768xf32, #tpu.memory_space<vmem>>, vector<1x16xf32>,
        %swap3A_247 = vector.shape_cast %swap3A_246 : vector<1x16xf32> to vector<16xf32>
        %swap3A_248 = vector.shape_cast %get3A_243 : vector<16xf32> to vector<1x16xf32>
        tpu.vector_store %arg9[%swap3A_244, %swap3A_245], %swap3A_248 {add = true, strides = array<i32>} : memref<24x768xf32, #tpu.memory_space<vmem>>, vector<1x16xf32>,
        %get3A_249 = arith.index_cast %scan3A_151 : i32 to index
        %get3A_250 = arith.constant 176 : index
        %get3A_251 = tpu.vector_load %arg12[%get3A_249, %get3A_250] {strides = array<i32>} : memref<24x768xf32, #tpu.memory_space<vmem>>, vector<1x16xf32>,
        %get3A_252 = vector.shape_cast %get3A_251 : vector<1x16xf32> to vector<16xf32>
        %swap3A_253 = arith.index_cast %scan3A_151 : i32 to index
        %swap3A_254 = arith.constant 176 : index
        %swap3A_255 = tpu.vector_load %arg9[%swap3A_253, %swap3A_254] {strides = array<i32>} : memref<24x768xf32, #tpu.memory_space<vmem>>, vector<1x16xf32>,
        %swap3A_256 = vector.shape_cast %swap3A_255 : vector<1x16xf32> to vector<16xf32>
        %swap3A_257 = vector.shape_cast %get3A_252 : vector<16xf32> to vector<1x16xf32>
        tpu.vector_store %arg9[%swap3A_253, %swap3A_254], %swap3A_257 {add = true, strides = array<i32>} : memref<24x768xf32, #tpu.memory_space<vmem>>, vector<1x16xf32>,
        %get3A_258 = arith.index_cast %scan3A_151 : i32 to index
        %get3A_259 = arith.constant 192 : index
        %get3A_260 = tpu.vector_load %arg12[%get3A_258, %get3A_259] {strides = array<i32>} : memref<24x768xf32, #tpu.memory_space<vmem>>, vector<1x16xf32>,
        %get3A_261 = vector.shape_cast %get3A_260 : vector<1x16xf32> to vector<16xf32>
        %swap3A_262 = arith.index_cast %scan3A_151 : i32 to index
        %swap3A_263 = arith.constant 192 : index
        %swap3A_264 = tpu.vector_load %arg9[%swap3A_262, %swap3A_263] {strides = array<i32>} : memref<24x768xf32, #tpu.memory_space<vmem>>, vector<1x16xf32>,
        %swap3A_265 = vector.shape_cast %swap3A_264 : vector<1x16xf32> to vector<16xf32>
        %swap3A_266 = vector.shape_cast %get3A_261 : vector<16xf32> to vector<1x16xf32>
        tpu.vector_store %arg9[%swap3A_262, %swap3A_263], %swap3A_266 {add = true, strides = array<i32>} : memref<24x768xf32, #tpu.memory_space<vmem>>, vector<1x16xf32>,
        %get3A_267 = arith.index_cast %scan3A_151 : i32 to index
        %get3A_268 = arith.constant 208 : index
        %get3A_269 = tpu.vector_load %arg12[%get3A_267, %get3A_268] {strides = array<i32>} : memref<24x768xf32, #tpu.memory_space<vmem>>, vector<1x16xf32>,
        %get3A_270 = vector.shape_cast %get3A_269 : vector<1x16xf32> to vector<16xf32>
        %swap3A_271 = arith.index_cast %scan3A_151 : i32 to index
        %swap3A_272 = arith.constant 208 : index
        %swap3A_273 = tpu.vector_load %arg9[%swap3A_271, %swap3A_272] {strides = array<i32>} : memref<24x768xf32, #tpu.memory_space<vmem>>, vector<1x16xf32>,
        %swap3A_274 = vector.shape_cast %swap3A_273 : vector<1x16xf32> to vector<16xf32>
        %swap3A_275 = vector.shape_cast %get3A_270 : vector<16xf32> to vector<1x16xf32>
        tpu.vector_store %arg9[%swap3A_271, %swap3A_272], %swap3A_275 {add = true, strides = array<i32>} : memref<24x768xf32, #tpu.memory_space<vmem>>, vector<1x16xf32>,
        %get3A_276 = arith.index_cast %scan3A_151 : i32 to index
        %get3A_277 = arith.constant 224 : index
        %get3A_278 = tpu.vector_load %arg12[%get3A_276, %get3A_277] {strides = array<i32>} : memref<24x768xf32, #tpu.memory_space<vmem>>, vector<1x16xf32>,
        %get3A_279 = vector.shape_cast %get3A_278 : vector<1x16xf32> to vector<16xf32>
        %swap3A_280 = arith.index_cast %scan3A_151 : i32 to index
        %swap3A_281 = arith.constant 224 : index
        %swap3A_282 = tpu.vector_load %arg9[%swap3A_280, %swap3A_281] {strides = array<i32>} : memref<24x768xf32, #tpu.memory_space<vmem>>, vector<1x16xf32>,
        %swap3A_283 = vector.shape_cast %swap3A_282 : vector<1x16xf32> to vector<16xf32>
        %swap3A_284 = vector.shape_cast %get3A_279 : vector<16xf32> to vector<1x16xf32>
        tpu.vector_store %arg9[%swap3A_280, %swap3A_281], %swap3A_284 {add = true, strides = array<i32>} : memref<24x768xf32, #tpu.memory_space<vmem>>, vector<1x16xf32>,
        %get3A_285 = arith.index_cast %scan3A_151 : i32 to index
        %get3A_286 = arith.constant 240 : index
        %get3A_287 = tpu.vector_load %arg12[%get3A_285, %get3A_286] {strides = array<i32>} : memref<24x768xf32, #tpu.memory_space<vmem>>, vector<1x16xf32>,
        %get3A_288 = vector.shape_cast %get3A_287 : vector<1x16xf32> to vector<16xf32>
        %swap3A_289 = arith.index_cast %scan3A_151 : i32 to index
        %swap3A_290 = arith.constant 240 : index
        %swap3A_291 = tpu.vector_load %arg9[%swap3A_289, %swap3A_290] {strides = array<i32>} : memref<24x768xf32, #tpu.memory_space<vmem>>, vector<1x16xf32>,
        %swap3A_292 = vector.shape_cast %swap3A_291 : vector<1x16xf32> to vector<16xf32>
        %swap3A_293 = vector.shape_cast %get3A_288 : vector<16xf32> to vector<1x16xf32>
        tpu.vector_store %arg9[%swap3A_289, %swap3A_290], %swap3A_293 {add = true, strides = array<i32>} : memref<24x768xf32, #tpu.memory_space<vmem>>, vector<1x16xf32>,
        %get3A_294 = arith.index_cast %scan3A_151 : i32 to index
        %get3A_295 = arith.constant 256 : index
        %get3A_296 = tpu.vector_load %arg12[%get3A_294, %get3A_295] {strides = array<i32>} : memref<24x768xf32, #tpu.memory_space<vmem>>, vector<1x16xf32>,
        %get3A_297 = vector.shape_cast %get3A_296 : vector<1x16xf32> to vector<16xf32>
        %swap3A_298 = arith.index_cast %scan3A_151 : i32 to index
        %swap3A_299 = arith.constant 256 : index
        %swap3A_300 = tpu.vector_load %arg9[%swap3A_298, %swap3A_299] {strides = array<i32>} : memref<24x768xf32, #tpu.memory_space<vmem>>, vector<1x16xf32>,
        %swap3A_301 = vector.shape_cast %swap3A_300 : vector<1x16xf32> to vector<16xf32>
        %swap3A_302 = vector.shape_cast %get3A_297 : vector<16xf32> to vector<1x16xf32>
        tpu.vector_store %arg9[%swap3A_298, %swap3A_299], %swap3A_302 {add = true, strides = array<i32>} : memref<24x768xf32, #tpu.memory_space<vmem>>, vector<1x16xf32>,
        %get3A_303 = arith.index_cast %scan3A_151 : i32 to index
        %get3A_304 = arith.constant 272 : index
        %get3A_305 = tpu.vector_load %arg12[%get3A_303, %get3A_304] {strides = array<i32>} : memref<24x768xf32, #tpu.memory_space<vmem>>, vector<1x16xf32>,
        %get3A_306 = vector.shape_cast %get3A_305 : vector<1x16xf32> to vector<16xf32>
        %swap3A_307 = arith.index_cast %scan3A_151 : i32 to index
        %swap3A_308 = arith.constant 272 : index
        %swap3A_309 = tpu.vector_load %arg9[%swap3A_307, %swap3A_308] {strides = array<i32>} : memref<24x768xf32, #tpu.memory_space<vmem>>, vector<1x16xf32>,
        %swap3A_310 = vector.shape_cast %swap3A_309 : vector<1x16xf32> to vector<16xf32>
        %swap3A_311 = vector.shape_cast %get3A_306 : vector<16xf32> to vector<1x16xf32>
        tpu.vector_store %arg9[%swap3A_307, %swap3A_308], %swap3A_311 {add = true, strides = array<i32>} : memref<24x768xf32, #tpu.memory_space<vmem>>, vector<1x16xf32>,
        %get3A_312 = arith.index_cast %scan3A_151 : i32 to index
        %get3A_313 = arith.constant 288 : index
        %get3A_314 = tpu.vector_load %arg12[%get3A_312, %get3A_313] {strides = array<i32>} : memref<24x768xf32, #tpu.memory_space<vmem>>, vector<1x16xf32>,
        %get3A_315 = vector.shape_cast %get3A_314 : vector<1x16xf32> to vector<16xf32>
        %swap3A_316 = arith.index_cast %scan3A_151 : i32 to index
        %swap3A_317 = arith.constant 288 : index
        %swap3A_318 = tpu.vector_load %arg9[%swap3A_316, %swap3A_317] {strides = array<i32>} : memref<24x768xf32, #tpu.memory_space<vmem>>, vector<1x16xf32>,
        %swap3A_319 = vector.shape_cast %swap3A_318 : vector<1x16xf32> to vector<16xf32>
        %swap3A_320 = vector.shape_cast %get3A_315 : vector<16xf32> to vector<1x16xf32>
        tpu.vector_store %arg9[%swap3A_316, %swap3A_317], %swap3A_320 {add = true, strides = array<i32>} : memref<24x768xf32, #tpu.memory_space<vmem>>, vector<1x16xf32>,
        %get3A_321 = arith.index_cast %scan3A_151 : i32 to index
        %get3A_322 = arith.constant 304 : index
        %get3A_323 = tpu.vector_load %arg12[%get3A_321, %get3A_322] {strides = array<i32>} : memref<24x768xf32, #tpu.memory_space<vmem>>, vector<1x16xf32>,
        %get3A_324 = vector.shape_cast %get3A_323 : vector<1x16xf32> to vector<16xf32>
        %swap3A_325 = arith.index_cast %scan3A_151 : i32 to index
        %swap3A_326 = arith.constant 304 : index
        %swap3A_327 = tpu.vector_load %arg9[%swap3A_325, %swap3A_326] {strides = array<i32>} : memref<24x768xf32, #tpu.memory_space<vmem>>, vector<1x16xf32>,
        %swap3A_328 = vector.shape_cast %swap3A_327 : vector<1x16xf32> to vector<16xf32>
        %swap3A_329 = vector.shape_cast %get3A_324 : vector<16xf32> to vector<1x16xf32>
        tpu.vector_store %arg9[%swap3A_325, %swap3A_326], %swap3A_329 {add = true, strides = array<i32>} : memref<24x768xf32, #tpu.memory_space<vmem>>, vector<1x16xf32>,
        %get3A_330 = arith.index_cast %scan3A_151 : i32 to index
        %get3A_331 = arith.constant 320 : index
        %get3A_332 = tpu.vector_load %arg12[%get3A_330, %get3A_331] {strides = array<i32>} : memref<24x768xf32, #tpu.memory_space<vmem>>, vector<1x16xf32>,
        %get3A_333 = vector.shape_cast %get3A_332 : vector<1x16xf32> to vector<16xf32>
        %swap3A_334 = arith.index_cast %scan3A_151 : i32 to index
        %swap3A_335 = arith.constant 320 : index
        %swap3A_336 = tpu.vector_load %arg9[%swap3A_334, %swap3A_335] {strides = array<i32>} : memref<24x768xf32, #tpu.memory_space<vmem>>, vector<1x16xf32>,
        %swap3A_337 = vector.shape_cast %swap3A_336 : vector<1x16xf32> to vector<16xf32>
        %swap3A_338 = vector.shape_cast %get3A_333 : vector<16xf32> to vector<1x16xf32>
        tpu.vector_store %arg9[%swap3A_334, %swap3A_335], %swap3A_338 {add = true, strides = array<i32>} : memref<24x768xf32, #tpu.memory_space<vmem>>, vector<1x16xf32>,
        %get3A_339 = arith.index_cast %scan3A_151 : i32 to index
        %get3A_340 = arith.constant 336 : index
        %get3A_341 = tpu.vector_load %arg12[%get3A_339, %get3A_340] {strides = array<i32>} : memref<24x768xf32, #tpu.memory_space<vmem>>, vector<1x16xf32>,
        %get3A_342 = vector.shape_cast %get3A_341 : vector<1x16xf32> to vector<16xf32>
        %swap3A_343 = arith.index_cast %scan3A_151 : i32 to index
        %swap3A_344 = arith.constant 336 : index
        %swap3A_345 = tpu.vector_load %arg9[%swap3A_343, %swap3A_344] {strides = array<i32>} : memref<24x768xf32, #tpu.memory_space<vmem>>, vector<1x16xf32>,
        %swap3A_346 = vector.shape_cast %swap3A_345 : vector<1x16xf32> to vector<16xf32>
        %swap3A_347 = vector.shape_cast %get3A_342 : vector<16xf32> to vector<1x16xf32>
        tpu.vector_store %arg9[%swap3A_343, %swap3A_344], %swap3A_347 {add = true, strides = array<i32>} : memref<24x768xf32, #tpu.memory_space<vmem>>, vector<1x16xf32>,
        %get3A_348 = arith.index_cast %scan3A_151 : i32 to index
        %get3A_349 = arith.constant 352 : index
        %get3A_350 = tpu.vector_load %arg12[%get3A_348, %get3A_349] {strides = array<i32>} : memref<24x768xf32, #tpu.memory_space<vmem>>, vector<1x16xf32>,
        %get3A_351 = vector.shape_cast %get3A_350 : vector<1x16xf32> to vector<16xf32>
        %swap3A_352 = arith.index_cast %scan3A_151 : i32 to index
        %swap3A_353 = arith.constant 352 : index
        %swap3A_354 = tpu.vector_load %arg9[%swap3A_352, %swap3A_353] {strides = array<i32>} : memref<24x768xf32, #tpu.memory_space<vmem>>, vector<1x16xf32>,
        %swap3A_355 = vector.shape_cast %swap3A_354 : vector<1x16xf32> to vector<16xf32>
        %swap3A_356 = vector.shape_cast %get3A_351 : vector<16xf32> to vector<1x16xf32>
        tpu.vector_store %arg9[%swap3A_352, %swap3A_353], %swap3A_356 {add = true, strides = array<i32>} : memref<24x768xf32, #tpu.memory_space<vmem>>, vector<1x16xf32>,
        %get3A_357 = arith.index_cast %scan3A_151 : i32 to index
        %get3A_358 = arith.constant 368 : index
        %get3A_359 = tpu.vector_load %arg12[%get3A_357, %get3A_358] {strides = array<i32>} : memref<24x768xf32, #tpu.memory_space<vmem>>, vector<1x16xf32>,
        %get3A_360 = vector.shape_cast %get3A_359 : vector<1x16xf32> to vector<16xf32>
        %swap3A_361 = arith.index_cast %scan3A_151 : i32 to index
        %swap3A_362 = arith.constant 368 : index
        %swap3A_363 = tpu.vector_load %arg9[%swap3A_361, %swap3A_362] {strides = array<i32>} : memref<24x768xf32, #tpu.memory_space<vmem>>, vector<1x16xf32>,
        %swap3A_364 = vector.shape_cast %swap3A_363 : vector<1x16xf32> to vector<16xf32>
        %swap3A_365 = vector.shape_cast %get3A_360 : vector<16xf32> to vector<1x16xf32>
        tpu.vector_store %arg9[%swap3A_361, %swap3A_362], %swap3A_365 {add = true, strides = array<i32>} : memref<24x768xf32, #tpu.memory_space<vmem>>, vector<1x16xf32>,
        %get3A_366 = arith.index_cast %scan3A_151 : i32 to index
        %get3A_367 = arith.constant 384 : index
        %get3A_368 = tpu.vector_load %arg12[%get3A_366, %get3A_367] {strides = array<i32>} : memref<24x768xf32, #tpu.memory_space<vmem>>, vector<1x16xf32>,
        %get3A_369 = vector.shape_cast %get3A_368 : vector<1x16xf32> to vector<16xf32>
        %swap3A_370 = arith.index_cast %scan3A_151 : i32 to index
        %swap3A_371 = arith.constant 384 : index
        %swap3A_372 = tpu.vector_load %arg9[%swap3A_370, %swap3A_371] {strides = array<i32>} : memref<24x768xf32, #tpu.memory_space<vmem>>, vector<1x16xf32>,
        %swap3A_373 = vector.shape_cast %swap3A_372 : vector<1x16xf32> to vector<16xf32>
        %swap3A_374 = vector.shape_cast %get3A_369 : vector<16xf32> to vector<1x16xf32>
        tpu.vector_store %arg9[%swap3A_370, %swap3A_371], %swap3A_374 {add = true, strides = array<i32>} : memref<24x768xf32, #tpu.memory_space<vmem>>, vector<1x16xf32>,
        %get3A_375 = arith.index_cast %scan3A_151 : i32 to index
        %get3A_376 = arith.constant 400 : index
        %get3A_377 = tpu.vector_load %arg12[%get3A_375, %get3A_376] {strides = array<i32>} : memref<24x768xf32, #tpu.memory_space<vmem>>, vector<1x16xf32>,
        %get3A_378 = vector.shape_cast %get3A_377 : vector<1x16xf32> to vector<16xf32>
        %swap3A_379 = arith.index_cast %scan3A_151 : i32 to index
        %swap3A_380 = arith.constant 400 : index
        %swap3A_381 = tpu.vector_load %arg9[%swap3A_379, %swap3A_380] {strides = array<i32>} : memref<24x768xf32, #tpu.memory_space<vmem>>, vector<1x16xf32>,
        %swap3A_382 = vector.shape_cast %swap3A_381 : vector<1x16xf32> to vector<16xf32>
        %swap3A_383 = vector.shape_cast %get3A_378 : vector<16xf32> to vector<1x16xf32>
        tpu.vector_store %arg9[%swap3A_379, %swap3A_380], %swap3A_383 {add = true, strides = array<i32>} : memref<24x768xf32, #tpu.memory_space<vmem>>, vector<1x16xf32>,
        %get3A_384 = arith.index_cast %scan3A_151 : i32 to index
        %get3A_385 = arith.constant 416 : index
        %get3A_386 = tpu.vector_load %arg12[%get3A_384, %get3A_385] {strides = array<i32>} : memref<24x768xf32, #tpu.memory_space<vmem>>, vector<1x16xf32>,
        %get3A_387 = vector.shape_cast %get3A_386 : vector<1x16xf32> to vector<16xf32>
        %swap3A_388 = arith.index_cast %scan3A_151 : i32 to index
        %swap3A_389 = arith.constant 416 : index
        %swap3A_390 = tpu.vector_load %arg9[%swap3A_388, %swap3A_389] {strides = array<i32>} : memref<24x768xf32, #tpu.memory_space<vmem>>, vector<1x16xf32>,
        %swap3A_391 = vector.shape_cast %swap3A_390 : vector<1x16xf32> to vector<16xf32>
        %swap3A_392 = vector.shape_cast %get3A_387 : vector<16xf32> to vector<1x16xf32>
        tpu.vector_store %arg9[%swap3A_388, %swap3A_389], %swap3A_392 {add = true, strides = array<i32>} : memref<24x768xf32, #tpu.memory_space<vmem>>, vector<1x16xf32>,
        %get3A_393 = arith.index_cast %scan3A_151 : i32 to index
        %get3A_394 = arith.constant 432 : index
        %get3A_395 = tpu.vector_load %arg12[%get3A_393, %get3A_394] {strides = array<i32>} : memref<24x768xf32, #tpu.memory_space<vmem>>, vector<1x16xf32>,
        %get3A_396 = vector.shape_cast %get3A_395 : vector<1x16xf32> to vector<16xf32>
        %swap3A_397 = arith.index_cast %scan3A_151 : i32 to index
        %swap3A_398 = arith.constant 432 : index
        %swap3A_399 = tpu.vector_load %arg9[%swap3A_397, %swap3A_398] {strides = array<i32>} : memref<24x768xf32, #tpu.memory_space<vmem>>, vector<1x16xf32>,
        %swap3A_400 = vector.shape_cast %swap3A_399 : vector<1x16xf32> to vector<16xf32>
        %swap3A_401 = vector.shape_cast %get3A_396 : vector<16xf32> to vector<1x16xf32>
        tpu.vector_store %arg9[%swap3A_397, %swap3A_398], %swap3A_401 {add = true, strides = array<i32>} : memref<24x768xf32, #tpu.memory_space<vmem>>, vector<1x16xf32>,
        %get3A_402 = arith.index_cast %scan3A_151 : i32 to index
        %get3A_403 = arith.constant 448 : index
        %get3A_404 = tpu.vector_load %arg12[%get3A_402, %get3A_403] {strides = array<i32>} : memref<24x768xf32, #tpu.memory_space<vmem>>, vector<1x16xf32>,
        %get3A_405 = vector.shape_cast %get3A_404 : vector<1x16xf32> to vector<16xf32>
        %swap3A_406 = arith.index_cast %scan3A_151 : i32 to index
        %swap3A_407 = arith.constant 448 : index
        %swap3A_408 = tpu.vector_load %arg9[%swap3A_406, %swap3A_407] {strides = array<i32>} : memref<24x768xf32, #tpu.memory_space<vmem>>, vector<1x16xf32>,
        %swap3A_409 = vector.shape_cast %swap3A_408 : vector<1x16xf32> to vector<16xf32>
        %swap3A_410 = vector.shape_cast %get3A_405 : vector<16xf32> to vector<1x16xf32>
        tpu.vector_store %arg9[%swap3A_406, %swap3A_407], %swap3A_410 {add = true, strides = array<i32>} : memref<24x768xf32, #tpu.memory_space<vmem>>, vector<1x16xf32>,
        %get3A_411 = arith.index_cast %scan3A_151 : i32 to index
        %get3A_412 = arith.constant 464 : index
        %get3A_413 = tpu.vector_load %arg12[%get3A_411, %get3A_412] {strides = array<i32>} : memref<24x768xf32, #tpu.memory_space<vmem>>, vector<1x16xf32>,
        %get3A_414 = vector.shape_cast %get3A_413 : vector<1x16xf32> to vector<16xf32>
        %swap3A_415 = arith.index_cast %scan3A_151 : i32 to index
        %swap3A_416 = arith.constant 464 : index
        %swap3A_417 = tpu.vector_load %arg9[%swap3A_415, %swap3A_416] {strides = array<i32>} : memref<24x768xf32, #tpu.memory_space<vmem>>, vector<1x16xf32>,
        %swap3A_418 = vector.shape_cast %swap3A_417 : vector<1x16xf32> to vector<16xf32>
        %swap3A_419 = vector.shape_cast %get3A_414 : vector<16xf32> to vector<1x16xf32>
        tpu.vector_store %arg9[%swap3A_415, %swap3A_416], %swap3A_419 {add = true, strides = array<i32>} : memref<24x768xf32, #tpu.memory_space<vmem>>, vector<1x16xf32>,
        %get3A_420 = arith.index_cast %scan3A_151 : i32 to index
        %get3A_421 = arith.constant 480 : index
        %get3A_422 = tpu.vector_load %arg12[%get3A_420, %get3A_421] {strides = array<i32>} : memref<24x768xf32, #tpu.memory_space<vmem>>, vector<1x16xf32>,
        %get3A_423 = vector.shape_cast %get3A_422 : vector<1x16xf32> to vector<16xf32>
        %swap3A_424 = arith.index_cast %scan3A_151 : i32 to index
        %swap3A_425 = arith.constant 480 : index
        %swap3A_426 = tpu.vector_load %arg9[%swap3A_424, %swap3A_425] {strides = array<i32>} : memref<24x768xf32, #tpu.memory_space<vmem>>, vector<1x16xf32>,
        %swap3A_427 = vector.shape_cast %swap3A_426 : vector<1x16xf32> to vector<16xf32>
        %swap3A_428 = vector.shape_cast %get3A_423 : vector<16xf32> to vector<1x16xf32>
        tpu.vector_store %arg9[%swap3A_424, %swap3A_425], %swap3A_428 {add = true, strides = array<i32>} : memref<24x768xf32, #tpu.memory_space<vmem>>, vector<1x16xf32>,
        %get3A_429 = arith.index_cast %scan3A_151 : i32 to index
        %get3A_430 = arith.constant 496 : index
        %get3A_431 = tpu.vector_load %arg12[%get3A_429, %get3A_430] {strides = array<i32>} : memref<24x768xf32, #tpu.memory_space<vmem>>, vector<1x16xf32>,
        %get3A_432 = vector.shape_cast %get3A_431 : vector<1x16xf32> to vector<16xf32>
        %swap3A_433 = arith.index_cast %scan3A_151 : i32 to index
        %swap3A_434 = arith.constant 496 : index
        %swap3A_435 = tpu.vector_load %arg9[%swap3A_433, %swap3A_434] {strides = array<i32>} : memref<24x768xf32, #tpu.memory_space<vmem>>, vector<1x16xf32>,
        %swap3A_436 = vector.shape_cast %swap3A_435 : vector<1x16xf32> to vector<16xf32>
        %swap3A_437 = vector.shape_cast %get3A_432 : vector<16xf32> to vector<1x16xf32>
        tpu.vector_store %arg9[%swap3A_433, %swap3A_434], %swap3A_437 {add = true, strides = array<i32>} : memref<24x768xf32, #tpu.memory_space<vmem>>, vector<1x16xf32>,
        %get3A_438 = arith.index_cast %scan3A_151 : i32 to index
        %get3A_439 = arith.constant 512 : index
        %get3A_440 = tpu.vector_load %arg12[%get3A_438, %get3A_439] {strides = array<i32>} : memref<24x768xf32, #tpu.memory_space<vmem>>, vector<1x16xf32>,
        %get3A_441 = vector.shape_cast %get3A_440 : vector<1x16xf32> to vector<16xf32>
        %swap3A_442 = arith.index_cast %scan3A_151 : i32 to index
        %swap3A_443 = arith.constant 512 : index
        %swap3A_444 = tpu.vector_load %arg9[%swap3A_442, %swap3A_443] {strides = array<i32>} : memref<24x768xf32, #tpu.memory_space<vmem>>, vector<1x16xf32>,
        %swap3A_445 = vector.shape_cast %swap3A_444 : vector<1x16xf32> to vector<16xf32>
        %swap3A_446 = vector.shape_cast %get3A_441 : vector<16xf32> to vector<1x16xf32>
        tpu.vector_store %arg9[%swap3A_442, %swap3A_443], %swap3A_446 {add = true, strides = array<i32>} : memref<24x768xf32, #tpu.memory_space<vmem>>, vector<1x16xf32>,
        %get3A_447 = arith.index_cast %scan3A_151 : i32 to index
        %get3A_448 = arith.constant 528 : index
        %get3A_449 = tpu.vector_load %arg12[%get3A_447, %get3A_448] {strides = array<i32>} : memref<24x768xf32, #tpu.memory_space<vmem>>, vector<1x16xf32>,
        %get3A_450 = vector.shape_cast %get3A_449 : vector<1x16xf32> to vector<16xf32>
        %swap3A_451 = arith.index_cast %scan3A_151 : i32 to index
        %swap3A_452 = arith.constant 528 : index
        %swap3A_453 = tpu.vector_load %arg9[%swap3A_451, %swap3A_452] {strides = array<i32>} : memref<24x768xf32, #tpu.memory_space<vmem>>, vector<1x16xf32>,
        %swap3A_454 = vector.shape_cast %swap3A_453 : vector<1x16xf32> to vector<16xf32>
        %swap3A_455 = vector.shape_cast %get3A_450 : vector<16xf32> to vector<1x16xf32>
        tpu.vector_store %arg9[%swap3A_451, %swap3A_452], %swap3A_455 {add = true, strides = array<i32>} : memref<24x768xf32, #tpu.memory_space<vmem>>, vector<1x16xf32>,
        %get3A_456 = arith.index_cast %scan3A_151 : i32 to index
        %get3A_457 = arith.constant 544 : index
        %get3A_458 = tpu.vector_load %arg12[%get3A_456, %get3A_457] {strides = array<i32>} : memref<24x768xf32, #tpu.memory_space<vmem>>, vector<1x16xf32>,
        %get3A_459 = vector.shape_cast %get3A_458 : vector<1x16xf32> to vector<16xf32>
        %swap3A_460 = arith.index_cast %scan3A_151 : i32 to index
        %swap3A_461 = arith.constant 544 : index
        %swap3A_462 = tpu.vector_load %arg9[%swap3A_460, %swap3A_461] {strides = array<i32>} : memref<24x768xf32, #tpu.memory_space<vmem>>, vector<1x16xf32>,
        %swap3A_463 = vector.shape_cast %swap3A_462 : vector<1x16xf32> to vector<16xf32>
        %swap3A_464 = vector.shape_cast %get3A_459 : vector<16xf32> to vector<1x16xf32>
        tpu.vector_store %arg9[%swap3A_460, %swap3A_461], %swap3A_464 {add = true, strides = array<i32>} : memref<24x768xf32, #tpu.memory_space<vmem>>, vector<1x16xf32>,
        %get3A_465 = arith.index_cast %scan3A_151 : i32 to index
        %get3A_466 = arith.constant 560 : index
        %get3A_467 = tpu.vector_load %arg12[%get3A_465, %get3A_466] {strides = array<i32>} : memref<24x768xf32, #tpu.memory_space<vmem>>, vector<1x16xf32>,
        %get3A_468 = vector.shape_cast %get3A_467 : vector<1x16xf32> to vector<16xf32>
        %swap3A_469 = arith.index_cast %scan3A_151 : i32 to index
        %swap3A_470 = arith.constant 560 : index
        %swap3A_471 = tpu.vector_load %arg9[%swap3A_469, %swap3A_470] {strides = array<i32>} : memref<24x768xf32, #tpu.memory_space<vmem>>, vector<1x16xf32>,
        %swap3A_472 = vector.shape_cast %swap3A_471 : vector<1x16xf32> to vector<16xf32>
        %swap3A_473 = vector.shape_cast %get3A_468 : vector<16xf32> to vector<1x16xf32>
        tpu.vector_store %arg9[%swap3A_469, %swap3A_470], %swap3A_473 {add = true, strides = array<i32>} : memref<24x768xf32, #tpu.memory_space<vmem>>, vector<1x16xf32>,
        %get3A_474 = arith.index_cast %scan3A_151 : i32 to index
        %get3A_475 = arith.constant 576 : index
        %get3A_476 = tpu.vector_load %arg12[%get3A_474, %get3A_475] {strides = array<i32>} : memref<24x768xf32, #tpu.memory_space<vmem>>, vector<1x16xf32>,
        %get3A_477 = vector.shape_cast %get3A_476 : vector<1x16xf32> to vector<16xf32>
        %swap3A_478 = arith.index_cast %scan3A_151 : i32 to index
        %swap3A_479 = arith.constant 576 : index
        %swap3A_480 = tpu.vector_load %arg9[%swap3A_478, %swap3A_479] {strides = array<i32>} : memref<24x768xf32, #tpu.memory_space<vmem>>, vector<1x16xf32>,
        %swap3A_481 = vector.shape_cast %swap3A_480 : vector<1x16xf32> to vector<16xf32>
        %swap3A_482 = vector.shape_cast %get3A_477 : vector<16xf32> to vector<1x16xf32>
        tpu.vector_store %arg9[%swap3A_478, %swap3A_479], %swap3A_482 {add = true, strides = array<i32>} : memref<24x768xf32, #tpu.memory_space<vmem>>, vector<1x16xf32>,
        %get3A_483 = arith.index_cast %scan3A_151 : i32 to index
        %get3A_484 = arith.constant 592 : index
        %get3A_485 = tpu.vector_load %arg12[%get3A_483, %get3A_484] {strides = array<i32>} : memref<24x768xf32, #tpu.memory_space<vmem>>, vector<1x16xf32>,
        %get3A_486 = vector.shape_cast %get3A_485 : vector<1x16xf32> to vector<16xf32>
        %swap3A_487 = arith.index_cast %scan3A_151 : i32 to index
        %swap3A_488 = arith.constant 592 : index
        %swap3A_489 = tpu.vector_load %arg9[%swap3A_487, %swap3A_488] {strides = array<i32>} : memref<24x768xf32, #tpu.memory_space<vmem>>, vector<1x16xf32>,
        %swap3A_490 = vector.shape_cast %swap3A_489 : vector<1x16xf32> to vector<16xf32>
        %swap3A_491 = vector.shape_cast %get3A_486 : vector<16xf32> to vector<1x16xf32>
        tpu.vector_store %arg9[%swap3A_487, %swap3A_488], %swap3A_491 {add = true, strides = array<i32>} : memref<24x768xf32, #tpu.memory_space<vmem>>, vector<1x16xf32>,
        %get3A_492 = arith.index_cast %scan3A_151 : i32 to index
        %get3A_493 = arith.constant 608 : index
        %get3A_494 = tpu.vector_load %arg12[%get3A_492, %get3A_493] {strides = array<i32>} : memref<24x768xf32, #tpu.memory_space<vmem>>, vector<1x16xf32>,
        %get3A_495 = vector.shape_cast %get3A_494 : vector<1x16xf32> to vector<16xf32>
        %swap3A_496 = arith.index_cast %scan3A_151 : i32 to index
        %swap3A_497 = arith.constant 608 : index
        %swap3A_498 = tpu.vector_load %arg9[%swap3A_496, %swap3A_497] {strides = array<i32>} : memref<24x768xf32, #tpu.memory_space<vmem>>, vector<1x16xf32>,
        %swap3A_499 = vector.shape_cast %swap3A_498 : vector<1x16xf32> to vector<16xf32>
        %swap3A_500 = vector.shape_cast %get3A_495 : vector<16xf32> to vector<1x16xf32>
        tpu.vector_store %arg9[%swap3A_496, %swap3A_497], %swap3A_500 {add = true, strides = array<i32>} : memref<24x768xf32, #tpu.memory_space<vmem>>, vector<1x16xf32>,
        %get3A_501 = arith.index_cast %scan3A_151 : i32 to index
        %get3A_502 = arith.constant 624 : index
        %get3A_503 = tpu.vector_load %arg12[%get3A_501, %get3A_502] {strides = array<i32>} : memref<24x768xf32, #tpu.memory_space<vmem>>, vector<1x16xf32>,
        %get3A_504 = vector.shape_cast %get3A_503 : vector<1x16xf32> to vector<16xf32>
        %swap3A_505 = arith.index_cast %scan3A_151 : i32 to index
        %swap3A_506 = arith.constant 624 : index
        %swap3A_507 = tpu.vector_load %arg9[%swap3A_505, %swap3A_506] {strides = array<i32>} : memref<24x768xf32, #tpu.memory_space<vmem>>, vector<1x16xf32>,
        %swap3A_508 = vector.shape_cast %swap3A_507 : vector<1x16xf32> to vector<16xf32>
        %swap3A_509 = vector.shape_cast %get3A_504 : vector<16xf32> to vector<1x16xf32>
        tpu.vector_store %arg9[%swap3A_505, %swap3A_506], %swap3A_509 {add = true, strides = array<i32>} : memref<24x768xf32, #tpu.memory_space<vmem>>, vector<1x16xf32>,
        %get3A_510 = arith.index_cast %scan3A_151 : i32 to index
        %get3A_511 = arith.constant 640 : index
        %get3A_512 = tpu.vector_load %arg12[%get3A_510, %get3A_511] {strides = array<i32>} : memref<24x768xf32, #tpu.memory_space<vmem>>, vector<1x16xf32>,
        %get3A_513 = vector.shape_cast %get3A_512 : vector<1x16xf32> to vector<16xf32>
        %swap3A_514 = arith.index_cast %scan3A_151 : i32 to index
        %swap3A_515 = arith.constant 640 : index
        %swap3A_516 = tpu.vector_load %arg9[%swap3A_514, %swap3A_515] {strides = array<i32>} : memref<24x768xf32, #tpu.memory_space<vmem>>, vector<1x16xf32>,
        %swap3A_517 = vector.shape_cast %swap3A_516 : vector<1x16xf32> to vector<16xf32>
        %swap3A_518 = vector.shape_cast %get3A_513 : vector<16xf32> to vector<1x16xf32>
        tpu.vector_store %arg9[%swap3A_514, %swap3A_515], %swap3A_518 {add = true, strides = array<i32>} : memref<24x768xf32, #tpu.memory_space<vmem>>, vector<1x16xf32>,
        %get3A_519 = arith.index_cast %scan3A_151 : i32 to index
        %get3A_520 = arith.constant 656 : index
        %get3A_521 = tpu.vector_load %arg12[%get3A_519, %get3A_520] {strides = array<i32>} : memref<24x768xf32, #tpu.memory_space<vmem>>, vector<1x16xf32>,
        %get3A_522 = vector.shape_cast %get3A_521 : vector<1x16xf32> to vector<16xf32>
        %swap3A_523 = arith.index_cast %scan3A_151 : i32 to index
        %swap3A_524 = arith.constant 656 : index
        %swap3A_525 = tpu.vector_load %arg9[%swap3A_523, %swap3A_524] {strides = array<i32>} : memref<24x768xf32, #tpu.memory_space<vmem>>, vector<1x16xf32>,
        %swap3A_526 = vector.shape_cast %swap3A_525 : vector<1x16xf32> to vector<16xf32>
        %swap3A_527 = vector.shape_cast %get3A_522 : vector<16xf32> to vector<1x16xf32>
        tpu.vector_store %arg9[%swap3A_523, %swap3A_524], %swap3A_527 {add = true, strides = array<i32>} : memref<24x768xf32, #tpu.memory_space<vmem>>, vector<1x16xf32>,
        %get3A_528 = arith.index_cast %scan3A_151 : i32 to index
        %get3A_529 = arith.constant 672 : index
        %get3A_530 = tpu.vector_load %arg12[%get3A_528, %get3A_529] {strides = array<i32>} : memref<24x768xf32, #tpu.memory_space<vmem>>, vector<1x16xf32>,
        %get3A_531 = vector.shape_cast %get3A_530 : vector<1x16xf32> to vector<16xf32>
        %swap3A_532 = arith.index_cast %scan3A_151 : i32 to index
        %swap3A_533 = arith.constant 672 : index
        %swap3A_534 = tpu.vector_load %arg9[%swap3A_532, %swap3A_533] {strides = array<i32>} : memref<24x768xf32, #tpu.memory_space<vmem>>, vector<1x16xf32>,
        %swap3A_535 = vector.shape_cast %swap3A_534 : vector<1x16xf32> to vector<16xf32>
        %swap3A_536 = vector.shape_cast %get3A_531 : vector<16xf32> to vector<1x16xf32>
        tpu.vector_store %arg9[%swap3A_532, %swap3A_533], %swap3A_536 {add = true, strides = array<i32>} : memref<24x768xf32, #tpu.memory_space<vmem>>, vector<1x16xf32>,
        %get3A_537 = arith.index_cast %scan3A_151 : i32 to index
        %get3A_538 = arith.constant 688 : index
        %get3A_539 = tpu.vector_load %arg12[%get3A_537, %get3A_538] {strides = array<i32>} : memref<24x768xf32, #tpu.memory_space<vmem>>, vector<1x16xf32>,
        %get3A_540 = vector.shape_cast %get3A_539 : vector<1x16xf32> to vector<16xf32>
        %swap3A_541 = arith.index_cast %scan3A_151 : i32 to index
        %swap3A_542 = arith.constant 688 : index
        %swap3A_543 = tpu.vector_load %arg9[%swap3A_541, %swap3A_542] {strides = array<i32>} : memref<24x768xf32, #tpu.memory_space<vmem>>, vector<1x16xf32>,
        %swap3A_544 = vector.shape_cast %swap3A_543 : vector<1x16xf32> to vector<16xf32>
        %swap3A_545 = vector.shape_cast %get3A_540 : vector<16xf32> to vector<1x16xf32>
        tpu.vector_store %arg9[%swap3A_541, %swap3A_542], %swap3A_545 {add = true, strides = array<i32>} : memref<24x768xf32, #tpu.memory_space<vmem>>, vector<1x16xf32>,
        %get3A_546 = arith.index_cast %scan3A_151 : i32 to index
        %get3A_547 = arith.constant 704 : index
        %get3A_548 = tpu.vector_load %arg12[%get3A_546, %get3A_547] {strides = array<i32>} : memref<24x768xf32, #tpu.memory_space<vmem>>, vector<1x16xf32>,
        %get3A_549 = vector.shape_cast %get3A_548 : vector<1x16xf32> to vector<16xf32>
        %swap3A_550 = arith.index_cast %scan3A_151 : i32 to index
        %swap3A_551 = arith.constant 704 : index
        %swap3A_552 = tpu.vector_load %arg9[%swap3A_550, %swap3A_551] {strides = array<i32>} : memref<24x768xf32, #tpu.memory_space<vmem>>, vector<1x16xf32>,
        %swap3A_553 = vector.shape_cast %swap3A_552 : vector<1x16xf32> to vector<16xf32>
        %swap3A_554 = vector.shape_cast %get3A_549 : vector<16xf32> to vector<1x16xf32>
        tpu.vector_store %arg9[%swap3A_550, %swap3A_551], %swap3A_554 {add = true, strides = array<i32>} : memref<24x768xf32, #tpu.memory_space<vmem>>, vector<1x16xf32>,
        %get3A_555 = arith.index_cast %scan3A_151 : i32 to index
        %get3A_556 = arith.constant 720 : index
        %get3A_557 = tpu.vector_load %arg12[%get3A_555, %get3A_556] {strides = array<i32>} : memref<24x768xf32, #tpu.memory_space<vmem>>, vector<1x16xf32>,
        %get3A_558 = vector.shape_cast %get3A_557 : vector<1x16xf32> to vector<16xf32>
        %swap3A_559 = arith.index_cast %scan3A_151 : i32 to index
        %swap3A_560 = arith.constant 720 : index
        %swap3A_561 = tpu.vector_load %arg9[%swap3A_559, %swap3A_560] {strides = array<i32>} : memref<24x768xf32, #tpu.memory_space<vmem>>, vector<1x16xf32>,
        %swap3A_562 = vector.shape_cast %swap3A_561 : vector<1x16xf32> to vector<16xf32>
        %swap3A_563 = vector.shape_cast %get3A_558 : vector<16xf32> to vector<1x16xf32>
        tpu.vector_store %arg9[%swap3A_559, %swap3A_560], %swap3A_563 {add = true, strides = array<i32>} : memref<24x768xf32, #tpu.memory_space<vmem>>, vector<1x16xf32>,
        %get3A_564 = arith.index_cast %scan3A_151 : i32 to index
        %get3A_565 = arith.constant 736 : index
        %get3A_566 = tpu.vector_load %arg12[%get3A_564, %get3A_565] {strides = array<i32>} : memref<24x768xf32, #tpu.memory_space<vmem>>, vector<1x16xf32>,
        %get3A_567 = vector.shape_cast %get3A_566 : vector<1x16xf32> to vector<16xf32>
        %swap3A_568 = arith.index_cast %scan3A_151 : i32 to index
        %swap3A_569 = arith.constant 736 : index
        %swap3A_570 = tpu.vector_load %arg9[%swap3A_568, %swap3A_569] {strides = array<i32>} : memref<24x768xf32, #tpu.memory_space<vmem>>, vector<1x16xf32>,
        %swap3A_571 = vector.shape_cast %swap3A_570 : vector<1x16xf32> to vector<16xf32>
        %swap3A_572 = vector.shape_cast %get3A_567 : vector<16xf32> to vector<1x16xf32>
        tpu.vector_store %arg9[%swap3A_568, %swap3A_569], %swap3A_572 {add = true, strides = array<i32>} : memref<24x768xf32, #tpu.memory_space<vmem>>, vector<1x16xf32>,
        %get3A_573 = arith.index_cast %scan3A_151 : i32 to index
        %get3A_574 = arith.constant 752 : index
        %get3A_575 = tpu.vector_load %arg12[%get3A_573, %get3A_574] {strides = array<i32>} : memref<24x768xf32, #tpu.memory_space<vmem>>, vector<1x16xf32>,
        %get3A_576 = vector.shape_cast %get3A_575 : vector<1x16xf32> to vector<16xf32>
        %swap3A_577 = arith.index_cast %scan3A_151 : i32 to index
        %swap3A_578 = arith.constant 752 : index
        %swap3A_579 = tpu.vector_load %arg9[%swap3A_577, %swap3A_578] {strides = array<i32>} : memref<24x768xf32, #tpu.memory_space<vmem>>, vector<1x16xf32>,
        %swap3A_580 = vector.shape_cast %swap3A_579 : vector<1x16xf32> to vector<16xf32>
        %swap3A_581 = vector.shape_cast %get3A_576 : vector<16xf32> to vector<1x16xf32>
        tpu.vector_store %arg9[%swap3A_577, %swap3A_578], %swap3A_581 {add = true, strides = array<i32>} : memref<24x768xf32, #tpu.memory_space<vmem>>, vector<1x16xf32>,
      }
      %scan3A_136 = arith.constant 24 : i32
      %mul3A_137 = arith.constant 24 : i32
      %mul3A_138 = arith.muli %add3A_120, %mul3A_137 : i32
      %add3A_139 = arith.addi %mul3A_2, %mul3A_138 : i32
      %dma_start3A_140 = arith.constant 0 : i32
      %dma_start3A_141 = tpu.memref_slice %arg5[%add3A_139, %dma_start3A_140] : memref<36864x768xf32, #tpu.memory_space<hbm>> -> memref<24x768xf32, #tpu.memory_space<hbm>>
      %dma_start3A_142 = arith.constant 0 : i32
      %dma_start3A_143 = tpu.memref_slice %arg5[%add3A_139, %dma_start3A_142] : memref<36864x768xf32, #tpu.memory_space<hbm>> -> memref<24x768xf32, #tpu.memory_space<hbm>>
      tpu.enqueue_dma source(%arg9 : memref<24x768xf32, #tpu.memory_space<vmem>>) target(%dma_start3A_143 : memref<24x768xf32, #tpu.memory_space<hbm>>) target_semaphore(%arg21 : memref<!tpu.dma_semaphore, #tpu.memory_space<semaphore_mem>>)
      %add3A_144 = arith.constant 3 : i32
      %add3A_145 = arith.addi %add3A_120, %add3A_144 : i32
      %lt3A_146 = arith.constant 48 : i32
      %lt3A_147 = arith.cmpi slt, %add3A_145, %lt3A_146 : i32
      %convert_element_type3A_148 = arith.extui %lt3A_147 : i1 to i32
      %cond3A_149 = arith.constant 0 : i32
      %cond3A_150 = arith.cmpi ne, %convert_element_type3A_148, %cond3A_149 : i32
      scf.if %cond3A_150 {
        %add3A_151 = arith.constant 3 : i32
        %add3A_152 = arith.addi %add3A_120, %add3A_151 : i32
        %dma_wait3A_153 = arith.constant 0 : i32
        %dma_wait3A_154 = tpu.memref_slice %arg5[%mul3A_2, %dma_wait3A_153] : memref<36864x768xf32, #tpu.memory_space<hbm>> -> memref<24x768xf32, #tpu.memory_space<hbm>>
        %dma_wait3A_155 = arith.constant 0 : i32
        %dma_wait3A_156 = tpu.memref_slice %arg5[%mul3A_2, %dma_wait3A_155] : memref<36864x768xf32, #tpu.memory_space<hbm>> -> memref<24x768xf32, #tpu.memory_space<hbm>>
        tpu.wait_dma2 semaphore(%arg21 : memref<!tpu.dma_semaphore, #tpu.memory_space<semaphore_mem>>) src(%arg9 : memref<24x768xf32, #tpu.memory_space<vmem>>) dst(%dma_wait3A_156 : memref<24x768xf32, #tpu.memory_space<hbm>>)
        %mul3A_157 = arith.constant 24 : i32
        %mul3A_158 = arith.muli %add3A_152, %mul3A_157 : i32
        %add3A_159 = arith.addi %mul3A_2, %mul3A_158 : i32
        %dma_start3A_160 = arith.constant 0 : i32
        %dma_start3A_161 = tpu.memref_slice %arg2[%add3A_159, %dma_start3A_160] : memref<36864x768xf32, #tpu.memory_space<hbm>> -> memref<24x768xf32, #tpu.memory_space<hbm>>
        %dma_start3A_162 = arith.constant 0 : i32
        %dma_start3A_163 = tpu.memref_slice %arg2[%add3A_159, %dma_start3A_162] : memref<36864x768xf32, #tpu.memory_space<hbm>> -> memref<24x768xf32, #tpu.memory_space<hbm>>
        tpu.enqueue_dma source(%dma_start3A_163 : memref<24x768xf32, #tpu.memory_space<hbm>>) target(%arg9 : memref<24x768xf32, #tpu.memory_space<vmem>>) target_semaphore(%arg15 : memref<!tpu.dma_semaphore, #tpu.memory_space<semaphore_mem>>)
        %mul3A_164 = arith.constant 24 : i32
        %mul3A_165 = arith.muli %add3A_152, %mul3A_164 : i32
        %dma_start3A_166 = tpu.memref_slice %arg6[%mul3A_165] : memref<1152xi32, #tpu.memory_space<vmem>> -> memref<24xi32, #tpu.memory_space<vmem>>
        %dma_start3A_167 = arith.constant 0 : i32
        %dma_start3A_168 = arith.constant 0 : i32
        %dma_start3A_169 = tpu.memref_slice %arg4[%dma_start3A_167, %dma_start3A_168] : memref<576x768xf32, #tpu.memory_space<hbm>> -> memref<576x768xf32, #tpu.memory_space<hbm>>
        tpu.enqueue_indirect_dma source(%dma_start3A_169 : memref<576x768xf32, #tpu.memory_space<hbm>>) target(%arg12 : memref<24x768xf32, #tpu.memory_space<vmem>>) offsets(%dma_start3A_166 : memref<24xi32, #tpu.memory_space<vmem>>) semaphore(%arg18 : memref<!tpu.dma_semaphore, #tpu.memory_space<semaphore_mem>>)
      } else {
      }
    }
    %scan3A_39 = arith.constant 16 : i32
    %dma_wait3A = arith.constant 0 : i32
    %dma_wait3A_40 = tpu.memref_slice %arg5[%mul3A_2, %dma_wait3A] : memref<36864x768xf32, #tpu.memory_space<hbm>> -> memref<24x768xf32, #tpu.memory_space<hbm>>
    %dma_wait3A_41 = arith.constant 0 : i32
    %dma_wait3A_42 = tpu.memref_slice %arg5[%mul3A_2, %dma_wait3A_41] : memref<36864x768xf32, #tpu.memory_space<hbm>> -> memref<24x768xf32, #tpu.memory_space<hbm>>
    tpu.wait_dma2 semaphore(%arg19 : memref<!tpu.dma_semaphore, #tpu.memory_space<semaphore_mem>>) src(%arg7 : memref<24x768xf32, #tpu.memory_space<vmem>>) dst(%dma_wait3A_42 : memref<24x768xf32, #tpu.memory_space<hbm>>)
    %dma_wait3A_43 = arith.constant 0 : i32
    %dma_wait3A_44 = tpu.memref_slice %arg5[%mul3A_2, %dma_wait3A_43] : memref<36864x768xf32, #tpu.memory_space<hbm>> -> memref<24x768xf32, #tpu.memory_space<hbm>>
    %dma_wait3A_45 = arith.constant 0 : i32
    %dma_wait3A_46 = tpu.memref_slice %arg5[%mul3A_2, %dma_wait3A_45] : memref<36864x768xf32, #tpu.memory_space<hbm>> -> memref<24x768xf32, #tpu.memory_space<hbm>>
    tpu.wait_dma2 semaphore(%arg20 : memref<!tpu.dma_semaphore, #tpu.memory_space<semaphore_mem>>) src(%arg8 : memref<24x768xf32, #tpu.memory_space<vmem>>) dst(%dma_wait3A_46 : memref<24x768xf32, #tpu.memory_space<hbm>>)
    %dma_wait3A_47 = arith.constant 0 : i32
    %dma_wait3A_48 = tpu.memref_slice %arg5[%mul3A_2, %dma_wait3A_47] : memref<36864x768xf32, #tpu.memory_space<hbm>> -> memref<24x768xf32, #tpu.memory_space<hbm>>
    %dma_wait3A_49 = arith.constant 0 : i32
    %dma_wait3A_50 = tpu.memref_slice %arg5[%mul3A_2, %dma_wait3A_49] : memref<36864x768xf32, #tpu.memory_space<hbm>> -> memref<24x768xf32, #tpu.memory_space<hbm>>
    tpu.wait_dma2 semaphore(%arg21 : memref<!tpu.dma_semaphore, #tpu.memory_space<semaphore_mem>>) src(%arg9 : memref<24x768xf32, #tpu.memory_space<vmem>>) dst(%dma_wait3A_50 : memref<24x768xf32, #tpu.memory_space<hbm>>)
    return
  }
}

</mosaic_0001>

<sc_bundles>
// kernel: kernel.3.cloned.1.call-start
scs
__scs_entry_jumppad:
0x0: {  	(pc) =	sbr.rel $0x88, $3  }
0x1: {  	(tag) =	ssettag $0x0;
	lr =	simm.s32 $0x1  }
0x2: {  	[smem:$0x3F9E] =	sst lr;
	_ =	strace $0xD0000000  }
0x3: {  	_ = 	snop  }
0x4: {  	_ = 	snop  }
0x5: {  	_ = 	snop  }
0x6: {  	_ = 	snop  }
0x7: {  	_ = 	snop  }
__scs_overlays_trampoline_lowered:
0x8: {  	[smem:$0x3FAD] =	sst s0  }
0x9: {  	[smem:$0x3FAE] =	sst s1  }
0xa: {  	[smem:$0x3FAF] =	sst s2  }
0xb: {  	[smem:$0x3FB0] =	sst s3  }
0xc: {  	[smem:$0x3FB1] =	sst s4  }
0xd: {  	[smem:$0x3FB2] =	sst s5  }
0xe: {  	[smem:$0x3FB3] =	sst s6  }
0xf: {  	[smem:$0x3FB4] =	sst s7  }
0x10: {  	[smem:$0x3FB5] =	sst s8  }
0x11: {  	[smem:$0x3FB6] =	sst s9;
	s0 =	simm.s32 @!p0 $0x0  }
0x12: {  	s1 =	sld [smem:$0x3F9C];
	s0 =	simm.s32 @p0 $0x1  }
0x13: {  	[smem:$0x3FB7] =	sst s0;
	s0 =	simm.s32 @!p1 $0x0  }
0x14: {  	s2 =	sld [smem:$0x3F9B];
	s0 =	simm.s32 @p1 $0x1  }
0x15: {  	[smem:$0x3FB8] =	sst s0;
	s0 =	simm.s32 @!p2 $0x0  }
0x16: {  	s3 =	sld [smem:$0x3FDB];
	s0 =	simm.s32 @p2 $0x1  }
0x17: {  	s4 =	simm.s32 $0x1BF5;
	[smem:$0x3FBA] =	sst s0  }
0x18: {  	s0 =	sld [smem:$0x3F9D];
	_ =	swait.ge [sflag:s4], $0x0  }
0x19: {  	s7 =	sld [smem:$0x3F9E]  }
0x1a: {  	s8 =	sadd.s32 $0xFFFFE003, lr  }
0x1b: {  	s9 =	sadd.s32 $0xFFFFFEF7, lr;
	s5 =	simm.s32 $0xFFFFFFFF;
	p2 =	slt.u32 s8, $0xFFFFF086  }
0x1c: {  	p1 =	slt.u32 s9, $0xF7A;
	s5 =	simm.s32 @!p2 $0x0  }
0x1d: {  	s5 =	simm.s32 @p1 $0x1;
	p0 =	seq.s32 s7, s2  }
0x1e: {  	s7 =	smul.u32 @!p0 $0xF7A, s2;
	p2 =	seq.s32 @!p0 s5, $0x0  }
0x1f: {  	s9 =	smul.u32 $0xF7A, s1;
	s8 =	simm.s32 @!p0 $0x1BF5;
	p2 =	por !p2, p0  }
0x20: {  	[sflag:s8] =	ssyncset.s32 @!p0 $0xFFFFF086;
	s6 =	sadd.s32 @!p0 s3, s7;
	s7 =	simm.s32 @!p0 $0x108  }
0x21: {  	s3 =	sadd.s32 s3, s9;
	s6 =	sadd.s32 @!p0 $0x88, s6;
	s7 =	simm.s32 @p2 $0x1082  }
0x22: {  	[simem:s7], [sflag:s8] =	dma.local @!p0 [hbm:s6], $0xF7A  }
0x23: {  	s9 =	sor.u32 $0xD0000000, s2;
	s6 =	simm.s32 $0x108;
	_ =	swait.ge @!p0 [sflag:s8], $0x0  }
0x24: {  	s3 =	sadd.s32 $0x88, s3;
	s6 =	simm.s32 @!p1 $0x1082;
	[sflag:s4] =	ssyncset.s32 $0xFFFFF086  }
0x25: {  	[simem:s6], [sflag:s4] =	dma.local [hbm:s3], $0xF7A  }
0x26: {  	[smem:$0x3F9E] =	sst s1;
	(tag) =	ssettag s2;
	_ =	strace s9  }
0x27: {  	s1 =	sld [smem:$0x3FAE]  }
0x28: {  	s2 =	sld [smem:$0x3FAF]  }
0x29: {  	s4 =	sld [smem:$0x3FB1]  }
0x2a: {  	p0 =	seq.s32 s5, $0x0;
	s5 =	sld [smem:$0x3FB2]  }
0x2b: {  	s6 =	sld [smem:$0x3FB3]  }
0x2c: {  	s7 =	sld [smem:$0x3FB4]  }
0x2d: {  	s3 =	simm.s32 $0x108;
	s8 =	sld [smem:$0x3FB5]  }
0x2e: {  	s3 =	simm.s32 @!p0 $0x1082;
	s9 =	sld [smem:$0x3FB6]  }
0x2f: {  	lr =	sadd.s32 s0, s3;
	s0 =	sld [smem:$0x3FAD]  }
0x30: {  	s3 =	sld [smem:$0x3FB0]  }
0x31: {  	[smem:$0x3FB9] =	sst s10  }
0x32: {  	s10 =	sld [smem:$0x3FB7];
	_ =	sdelay $0x3  }
0x33: {  	p0 =	seq.s32 s10, $0x1;
	s10 =	sld [smem:$0x3FB9];
	_ =	sdelay $0x3  }
0x34: {  	[smem:$0x3FB9] =	sst s10  }
0x35: {  	s10 =	sld [smem:$0x3FB8];
	_ =	sdelay $0x3  }
0x36: {  	p1 =	seq.s32 s10, $0x1;
	s10 =	sld [smem:$0x3FB9];
	_ =	sdelay $0x3  }
0x37: {  	[smem:$0x3FB9] =	sst s10  }
0x38: {  	s10 =	sld [smem:$0x3FBA]  }
0x39: {  	_ = 	snop;
	(pc) =	sbr.ind lr, $3  }
0x3a: {  	_ = 	snop  }
0x3b: {  	_ = 	snop  }
0x3c: {  	p2 =	seq.s32 s10, $0x1;
	s10 =	sld [smem:$0x3FB9]  }
0x3d: {  	_ =	shalt  }
0x3e: {  	_ =	shalt  }
0x3f: {  	_ =	shalt  }
0x40: {  	_ =	shalt  }
0x41: {  	_ =	shalt  }
0x42: {  	_ =	shalt  }
0x43: {  	_ =	shalt  }
0x44: {  	_ =	shalt  }
0x45: {  	_ =	shalt  }
0x46: {  	_ =	shalt  }
0x47: {  	_ =	shalt  }
0x48: {  	_ =	shalt  }
0x49: {  	_ =	shalt  }
0x4a: {  	_ =	shalt  }
0x4b: {  	_ =	shalt  }
0x4c: {  	_ =	shalt  }
0x4d: {  	_ =	shalt  }
0x4e: {  	_ =	shalt  }
0x4f: {  	_ =	shalt  }
0x50: {  	_ =	shalt  }
0x51: {  	_ =	shalt  }
0x52: {  	_ =	shalt  }
0x53: {  	_ =	shalt  }
0x54: {  	_ =	shalt  }
0x55: {  	_ =	shalt  }
0x56: {  	_ =	shalt  }
0x57: {  	_ =	shalt  }
0x58: {  	_ =	shalt  }
0x59: {  	_ =	shalt  }
0x5a: {  	_ =	shalt  }
0x5b: {  	_ =	shalt  }
0x5c: {  	_ =	shalt  }
0x5d: {  	_ =	shalt  }
0x5e: {  	_ =	shalt  }
0x5f: {  	_ =	shalt  }
0x60: {  	_ =	shalt  }
0x61: {  	_ =	shalt  }
0x62: {  	_ =	shalt  }
0x63: {  	_ =	shalt  }
0x64: {  	_ =	shalt  }
0x65: {  	_ =	shalt  }
0x66: {  	_ =	shalt  }
0x67: {  	_ =	shalt  }
0x68: {  	_ =	shalt  }
0x69: {  	_ =	shalt  }
0x6a: {  	_ =	shalt  }
0x6b: {  	_ =	shalt  }
0x6c: {  	_ =	shalt  }
0x6d: {  	_ =	shalt  }
0x6e: {  	_ =	shalt  }
0x6f: {  	_ =	shalt  }
0x70: {  	_ =	shalt  }
0x71: {  	_ =	shalt  }
0x72: {  	_ =	shalt  }
0x73: {  	_ =	shalt  }
0x74: {  	_ =	shalt  }
0x75: {  	_ =	shalt  }
0x76: {  	_ =	shalt  }
0x77: {  	_ =	shalt  }
0x78: {  	_ =	shalt  }
0x79: {  	_ =	shalt  }
0x7a: {  	_ =	shalt  }
0x7b: {  	_ =	shalt  }
0x7c: {  	_ =	shalt  }
0x7d: {  	_ =	shalt  }
0x7e: {  	_ =	shalt  }
0x7f: {  	_ =	shalt  }
0x80: {  	_ =	shalt  }
0x81: {  	_ =	shalt  }
0x82: {  	_ =	shalt  }
0x83: {  	_ =	shalt  }
0x84: {  	_ =	shalt  }
0x85: {  	_ =	shalt  }
0x86: {  	_ =	shalt  }
0x87: {  	_ =	shalt  }
.Lfunc_end0:
.L_simem_size_0:
called_computation_lowered:
.L_overlay_start_0:
0x88: {  	s2 =	sld [smem:$0x3FD9]  }
0x89: {  	s3 =	sld [smem:$0x3FFE];
	_ =	sdelay $0x1  }
0x8a: {  	s1 =	srdreg.scid  }
0x8b: {  	s0 =	sand.u32 $0x1, s1  }
0x8c: {  	s17 =	sshll.u32 s0, $0xA;
	s2 =	sadd.s32 s3, s2  }
0x8d: {  	s2 =	sadd.s32 s2, s17  }
0x8e: {  	[smem:$0x3FC5] =	sst s2  }
0x8f: {  	_ = 	snop  }
0x90: {  	s2 =	sld [smem:$0x3FC9]  }
0x91: {  	s18 =	sld [smem:$0x3FC7]  }
0x92: {  	s4 =	sld [smem:$0x3FD0];
	(tm) =	ssettm $0x1  }
0x93: {  	s5 =	sld [smem:$0x3FFB];
	_ =	sdelay $0x3  }
0x94: {  	_ =	strace s5  }
0x95: {  	s5 =	sld [smem:$0x3FFC];
	_ =	sdelay $0x3  }
0x96: {  	_ =	strace s5  }
0x97: {  	s5 =	sld [smem:$0x3FFD];
	_ =	sdelay $0x3  }
0x98: {  	_ =	strace s5  }
0x99: {  	_ =	strace $0x8FFFFFFF  }
0x9a: {  	s19 =	sld [smem:$0x3FDB];
	_ =	sdelay $0x1  }
0x9b: {  	s6 =	simm.s32 $_scs_section_size  }
0x9c: {  	s7 =	simm.s32 $_size__tile_overlayer_lowered;
	s8 =	simm.s32 $_tile_overlayer_lowered  }
0x9d: {  	s22 =	simm.s32 $0x1BFF;
	s21 =	sshll.u32 s8, $0x1;
	s5 =	sadd.s32 s6, s19  }
0x9e: {  	s9 =	simm.s32 $0x0;
	s20 =	sshll.u32 s7, $0x1;
	s7 =	sadd.s32 s21, s5  }
0x9f: {  	[timem:s9], [sflag:s22] =	dma.local [hbm:s7], s20  }
0xa0: {  	_ =	swait.ge [sflag:s22], s20  }
0xa1: {  	s6 =	ssub.s32 $0x0, s20;
	[sflag:s22] =	ssyncset.done $0x0  }
0xa2: {  	[sflag:s22] =	ssyncadd.s32 s6;
	_ =	sdelay $0x1  }
0xa3: {  	s23 =	simm.s32 $0x1B8B  }
0xa4: {  	_ =	swait.ge [sflag:s23], $0x1  }
0xa5: {  	[sflag:s23] =	ssyncset.done $0x0  }
0xa6: {  	s25 =	simm.s32 $0x1B8E;
	s24 =	sld [smem:$0x3FFE];
	[sflag:s23] =	ssyncadd.s32 $0xFFFFFFFF  }
0xa7: {  	s26 =	simm.s32 $execute0_lowered;
	[smem:$0x3FD2] =	sst s25  }
0xa8: {  	s7 =	sshll.u32 s26, $0x1;
	_ =	strace $0x80000046;
	[dreg:$0x1] =	wrdreg $0xFFFFFFFF  }
0xa9: {  	s28 =	simm.s32 $_size_execute0_lowered;
	s5 =	sadd.s32 s5, s7;
	[dreg:$0x0] =	wrdreg $0x0  }
0xaa: {  	s7 =	sshll.u32 s28, $0x1;
	[dreg:$0x2] =	wrdreg s5  }
0xab: {  	[dreg:$0x3] =	wrdreg s7  }
0xac: {  	[dreg:$0x4] =	wrdreg $0xC0  }
0xad: {  	_ =	task [dreg:s9], $0x5FFFF  }
0xae: {  	[dreg:$0x1] =	wrdreg $0xFFFFFFFF  }
0xaf: {  	[dreg:$0x0] =	wrdreg $0x60  }
0xb0: {  	[dreg:$0x2] =	wrdreg s2  }
0xb1: {  	[dreg:$0x3] =	wrdreg s24  }
0xb2: {  	[dreg:$0x4] =	wrdreg s18  }
0xb3: {  	[dreg:$0x5] =	wrdreg s4  }
0xb4: {  	[dreg:$0x6] =	wrdreg $0x9  }
0xb5: {  	_ =	task.clear_ibuf [dreg:s9], $0x7FFFF;
	_ =	strace $0x90000046  }
0xb6: {  	s29 =	simm.s32 $0x9;
	_ =	strace $0x80000048  }
0xb7: {  	_ =	swait.ge [sflag:s29], $0x1  }
0xb8: {  	[sflag:s29] =	ssyncadd.s32 $0xFFFFFFFF  }
0xb9: {  	_ =	strace $0x90000048  }
0xba: {  	_ =	sfence  }
0xbb: {  	s30 =	sld [smem:$0x0];
	_ =	sdelay $0x2  }
0xbc: {  	s31 =	sshll.u32 s1, $0xD;
	s1 =	sshrl.u32 s1, $0x2  }
0xbd: {  	s3 =	sand.u32 $0x4000, s31;
	s1 =	sadd.s32 s1, s30  }
0xbe: {  	s0 =	sor.u32 s3, s0;
	s1 =	sshll.u32 s1, $0x11  }
0xbf: {  	s0 =	sor.u32 s1, s0  }
0xc0: {  	s0 =	sadd.s32 $0x8F2B, s0  }
0xc1: {  	[sflag:s0] =	ssyncadd.remote.s32 $0x1  }
0xc2: {  	_ =	sfence.sel $0xFFFF  }
0xc3: {  	[dreg:$0x0] =	wrdreg $0xFFFFFFFF;
	(pc) =	sbr.abs _section_cstart, $3  }
0xc4: {  	[dreg:$0x1] =	wrdreg $0xFFFFFFFF  }
0xc5: {  	_ =	task.clear_ibuf [dreg:s9], $0x2FFFF;
	_ =	strace $0x9FFFFFFF  }
0xc6: {  	(tm) =	ssettm $0x7FFFFFFF  }
0xc7: {  	_ =	shalt  }
tec
execute0_lowered:
.L_overlay_start_1:
0x0: {  	(tag) =	ssettag $0x1  }
0x1: {  	s1 =	rddreg [dreg:$0x0]  }
0x2: {  	s0 =	srdreg.scid;
	s7 =	rddreg [dreg:$0x1]  }
0x3: {  	s2 =	stileid.u32;
	s3 =	rddreg [dreg:$0x2]  }
0x4: {  	s5 =	rddreg [dreg:$0x3];
	s6 =	simm.s32 $0x0;
	s17 =	simm.s32 $0x480  }
0x5: {  	s28 =	simm.s32 $0x4C80;
	s22 =	simm.s32 $0x9480;
	s29 =	simm.s32 $0x18C80  }
0x6: {  	s30 =	simm.s32 $0x19480;
	s31 =	simm.s32 $0x19C80;
	s18 =	simm.s32 $0x1  }
0x7: {  	s19 =	simm.s32 $0x4;
	s20 =	simm.s32 $0x2;
	s21 =	simm.s32 $0x5  }
0x8: {  	s11 =	simm.s32 $0x6;
	s0 =	sand.u32 $0x1, s0;
	s2 =	sshll.u32 s2, $0x1  }
0x9: {  	s15 =	simm.s32 $0x0;
	s2 =	sor.u32 s0, s2;
	s0 =	ssub.s32 $0x2, s0  }
0xa: {  	[smem:$0x7FF] =	sst s6;
	s4 =	smul.u32 $0x480, s2;
	s9 =	sshrl.u32 s0, $0x1  }
0xb: {  	s10 =	sadd.s32 $0x200, s3;
	_ =	strace $0x80000047;
	s0 =	ssub.s32 s0, s9  }
0xc: {  	s9 =	sadd.s32 $0x100, s3;
	s2 =	sshrl.u32 s4, $0x3;
	s13 =	sor.u32 $0x18, s4  }
0xd: {  	s14 =	sor.u32 $0x30, s4;
	s0 =	smax.u32 s0, $0x1;
	s8 =	smul.u32 $0x300, s2  }
0xe: {  	s7 =	sadd.s32 s2, s7;
	s2 =	smul.u32 $0x1800, s2;
	[dreg:$0x9] =	wrdreg s0  }
.Ltmp0:
0xf: {  	s0 =	simm.s32 $0x1AC80;
	s7 =	sadd.s32 $0x400, s7;
	(pc) =	sbr.rel .LBB2_1-.Ltmp0, $4  }
0x10: {  	[dreg:$0x5] =	wrdreg s7;
	s26 =	sadd.s32 s1, s8;
	s2 =	sshrl.u32 s2, $0x3  }
0x11: {  	v2 =	vlaneseq.u32;
	[dreg:$0x6] =	wrdreg s26;
	s7 =	sadd.s32 $0x900, s26;
	s2 =	sadd.s32 s1, s2  }
0x12: {  	vm0 =	vmmov $0xffff;
	v1 =	vshrl.u32 v2, $0x3;
	s8 =	simm.s32 $0x9;
	[dreg:$0x7] =	wrdreg s7;
	s2 =	sadd.s32 $0x1200, s2  }
0x13: {  	v0 =	vand.u32 $0x7, v2;
	v2 =	vor.u32 $0x8, v2;
	v1 =	vmul.u32 $0x8, v1;
	s7 =	simm.s32 $0x3;
	[dreg:$0x8] =	wrdreg s2;
	s2 =	simm.s32 $0x1A480  }
.LBB2_10:
0x14: {  	s12 =	simm.s32 $0x7  }
0x15: {  	_ =	swait.ge [sflag:s12], $0x4800  }
0x16: {  	[sflag:s12] =	ssyncset.done $0x0  }
0x17: {  	s25 =	simm.s32 $0x8;
	[sflag:s12] =	ssyncadd.s32 $0xFFFFB800  }
0x18: {  	_ =	swait.ge [sflag:s25], $0x4800  }
0x19: {  	[sflag:s25] =	ssyncset.done $0x0  }
0x1a: {  	[sflag:s25] =	ssyncadd.s32 $0xFFFFB800  }
0x1b: {  	_ =	swait.ge [sflag:s8], $0x4800  }
0x1c: {  	s15 =	rddreg [dreg:$0xa]  }
0x1d: {  	s26 =	rddreg [dreg:$0x9];
	s15 =	sadd.s32 $0x1, s15  }
0x1e: {  	p0 =	sne.s32 s15, s26  }
.Ltmp1:
0x1f: {  	_ = 	snop;
	(pc) =	sbr.rel @!p0 .LBB2_11-.Ltmp1, $3  }
0x20: {  	_ =	sdelay $0x1  }
0x21: {  	[sflag:s8] =	ssyncset.done $0x0  }
0x22: {  	[sflag:s8] =	ssyncadd.s32 $0xFFFFB800  }
.LBB2_1:
0x23: {  	[dreg:$0xa] =	wrdreg s15  }
0x24: {  	s12 =	rddreg [dreg:$0x5];
	s25 =	simm.s32 $0xA  }
0x25: {  	[tilespmem:s6], [sflag:$0xA] =	stream.linear.gather [hbm4b:s12+s6], $0x480, $0x38;
	[tilespmem:$0x1B480] =	vst v63  }
0x26: {  	_ =	swait.ge [sflag:s25], $0x480  }
0x27: {  	[sflag:s25] =	ssyncset.done $0x0  }
0x28: {  	s26 =	rddreg [dreg:$0x6];
	[sflag:s25] =	ssyncadd.s32 $0xFFFFFB80  }
0x29: {  	[tilespmem:s17], [sflag:$0x1] =	stream.linear.gather [hbm4b:s26+s6], $0x4800, $0x38;
	[tilespmem:$0x1B480] =	vst v63  }
0x2a: {  	v3 =	vld [tilespmem:$0x0];
	_ =	sdelay $0x4  }
0x2b: {  	v4 =	vshrl.u32 v3, $0x3  }
0x2c: {  	v4 =	vmul.u32 $0x30, v4  }
0x2d: {  	v3 =	vand.u32 $0x7, v3  }
0x2e: {  	v3 =	vor.u32 v3, v4  }
0x2f: {  	v4 =	vperm.xlane v3, v0;
	_ =	sdelay $0x1  }
0x30: {  	v4 =	vadd.s32 v1, v4;
	_ =	sdelay $0x3  }
0x31: {  	s15 =	simm.s32 $0xDC80;
	v3 =	vperm.xlane v3, v2  }
0x32: {  	[tilespmem:s15], [sflag:$0x4] =	stream.indirect_vreg.gather [hbm4b:s3+s6], $0x80, v4, vm0, $0xb8;
	[tilespmem:$0x1B480] =	vst v63  }
0x33: {  	s16 =	simm.s32 $0xE480;
	v3 =	vadd.s32 v1, v3  }
0x34: {  	[tilespmem:s16], [sflag:$0x4] =	stream.indirect_vreg.gather [hbm4b:s9+s6], $0x80, v4, vm0, $0xb8;
	[tilespmem:$0x1B480] =	vst v63  }
0x35: {  	s23 =	simm.s32 $0xEC80  }
0x36: {  	[tilespmem:s23], [sflag:$0x4] =	stream.indirect_vreg.gather [hbm4b:s10+s6], $0x80, v4, vm0, $0xb8;
	[tilespmem:$0x1B480] =	vst v63  }
0x37: {  	s24 =	simm.s32 $0xF480  }
0x38: {  	[tilespmem:s24], [sflag:$0x4] =	stream.indirect_vreg.gather [hbm4b:s3+s6], $0x80, v3, vm0, $0xb8;
	[tilespmem:$0x1B480] =	vst v63  }
0x39: {  	s25 =	simm.s32 $0xFC80  }
0x3a: {  	[tilespmem:s25], [sflag:$0x4] =	stream.indirect_vreg.gather [hbm4b:s9+s6], $0x80, v3, vm0, $0xb8;
	[tilespmem:$0x1B480] =	vst v63  }
0x3b: {  	s26 =	simm.s32 $0x10480  }
0x3c: {  	[tilespmem:s26], [sflag:$0x4] =	stream.indirect_vreg.gather [hbm4b:s10+s6], $0x80, v3, vm0, $0xb8;
	[tilespmem:$0x1B480] =	vst v63  }
0x3d: {  	v3 =	vld.msk [tilespmem:$0x10], $0xff;
	_ =	sdelay $0x4  }
0x3e: {  	v59 =	vshrl.u32 v3, $0x3  }
0x3f: {  	v4 =	vmul.u32 $0x30, v59  }
0x40: {  	v3 =	vand.u32 $0x7, v3  }
0x41: {  	v3 =	vor.u32 v3, v4  }
0x42: {  	v3 =	vperm.xlane v3, v0;
	_ =	sdelay $0x1  }
0x43: {  	v3 =	vadd.s32 v1, v3;
	_ =	sdelay $0x3  }
0x44: {  	s15 =	simm.s32 $0x10C80  }
0x45: {  	[tilespmem:s15], [sflag:$0x4] =	stream.indirect_vreg.gather [hbm4b:s3+s6], $0x80, v3, vm0, $0xb8;
	[tilespmem:$0x1B480] =	vst v63  }
0x46: {  	s16 =	simm.s32 $0x11480  }
0x47: {  	[tilespmem:s16], [sflag:$0x4] =	stream.indirect_vreg.gather [hbm4b:s9+s6], $0x80, v3, vm0, $0xb8;
	[tilespmem:$0x1B480] =	vst v63  }
0x48: {  	s23 =	simm.s32 $0x11C80  }
0x49: {  	[tilespmem:s23], [sflag:$0x4] =	stream.indirect_vreg.gather [hbm4b:s10+s6], $0x80, v3, vm0, $0xb8;
	[tilespmem:$0x1B480] =	vst v63  }
0x4a: {  	s24 =	rddreg [dreg:$0x7]  }
0x4b: {  	[tilespmem:s28], [sflag:$0x2] =	stream.linear.gather [hbm4b:s24+s6], $0x4800, $0x38;
	[tilespmem:$0x1B480] =	vst v63  }
0x4c: {  	v3 =	vld [tilespmem:$0x18];
	_ =	sdelay $0x4  }
0x4d: {  	v60 =	vshrl.u32 v3, $0x3  }
0x4e: {  	v4 =	vmul.u32 $0x30, v60  }
0x4f: {  	v3 =	vand.u32 $0x7, v3  }
0x50: {  	v3 =	vor.u32 v3, v4  }
0x51: {  	v4 =	vperm.xlane v3, v0;
	_ =	sdelay $0x1  }
0x52: {  	v4 =	vadd.s32 v1, v4;
	_ =	sdelay $0x3  }
0x53: {  	s25 =	simm.s32 $0x12480;
	v3 =	vperm.xlane v3, v2  }
0x54: {  	[tilespmem:s25], [sflag:$0x5] =	stream.indirect_vreg.gather [hbm4b:s3+s6], $0x80, v4, vm0, $0xb8;
	[tilespmem:$0x1B480] =	vst v63  }
0x55: {  	s26 =	simm.s32 $0x12C80;
	v3 =	vadd.s32 v1, v3  }
0x56: {  	[tilespmem:s26], [sflag:$0x5] =	stream.indirect_vreg.gather [hbm4b:s9+s6], $0x80, v4, vm0, $0xb8;
	[tilespmem:$0x1B480] =	vst v63  }
0x57: {  	s15 =	simm.s32 $0x13480  }
0x58: {  	[tilespmem:s15], [sflag:$0x5] =	stream.indirect_vreg.gather [hbm4b:s10+s6], $0x80, v4, vm0, $0xb8;
	[tilespmem:$0x1B480] =	vst v63  }
0x59: {  	s16 =	simm.s32 $0x13C80  }
0x5a: {  	[tilespmem:s16], [sflag:$0x5] =	stream.indirect_vreg.gather [hbm4b:s3+s6], $0x80, v3, vm0, $0xb8;
	[tilespmem:$0x1B480] =	vst v63  }
0x5b: {  	s23 =	simm.s32 $0x14480  }
0x5c: {  	[tilespmem:s23], [sflag:$0x5] =	stream.indirect_vreg.gather [hbm4b:s9+s6], $0x80, v3, vm0, $0xb8;
	[tilespmem:$0x1B480] =	vst v63  }
0x5d: {  	s24 =	simm.s32 $0x14C80  }
0x5e: {  	[tilespmem:s24], [sflag:$0x5] =	stream.indirect_vreg.gather [hbm4b:s10+s6], $0x80, v3, vm0, $0xb8;
	[tilespmem:$0x1B480] =	vst v63  }
0x5f: {  	v3 =	vld.msk [tilespmem:$0x28], $0xff;
	_ =	sdelay $0x4  }
0x60: {  	v61 =	vshrl.u32 v3, $0x3  }
0x61: {  	v4 =	vmul.u32 $0x30, v61  }
0x62: {  	v3 =	vand.u32 $0x7, v3  }
0x63: {  	v3 =	vor.u32 v3, v4  }
0x64: {  	v3 =	vperm.xlane v3, v0;
	_ =	sdelay $0x1  }
0x65: {  	v3 =	vadd.s32 v1, v3;
	_ =	sdelay $0x3  }
0x66: {  	s25 =	simm.s32 $0x15480  }
0x67: {  	[tilespmem:s25], [sflag:$0x5] =	stream.indirect_vreg.gather [hbm4b:s3+s6], $0x80, v3, vm0, $0xb8;
	[tilespmem:$0x1B480] =	vst v63  }
0x68: {  	s26 =	simm.s32 $0x15C80  }
0x69: {  	[tilespmem:s26], [sflag:$0x5] =	stream.indirect_vreg.gather [hbm4b:s9+s6], $0x80, v3, vm0, $0xb8;
	[tilespmem:$0x1B480] =	vst v63  }
0x6a: {  	s15 =	simm.s32 $0x16480  }
0x6b: {  	[tilespmem:s15], [sflag:$0x5] =	stream.indirect_vreg.gather [hbm4b:s10+s6], $0x80, v3, vm0, $0xb8;
	[tilespmem:$0x1B480] =	vst v63  }
0x6c: {  	s16 =	rddreg [dreg:$0x8]  }
0x6d: {  	[tilespmem:s22], [sflag:$0x3] =	stream.linear.gather [hbm4b:s16+s6], $0x4800, $0x38;
	[tilespmem:$0x1B480] =	vst v63  }
0x6e: {  	v3 =	vld [tilespmem:$0x30];
	_ =	sdelay $0x4  }
0x6f: {  	v62 =	vshrl.u32 v3, $0x3  }
0x70: {  	v4 =	vmul.u32 $0x30, v62  }
0x71: {  	v3 =	vand.u32 $0x7, v3  }
0x72: {  	v3 =	vor.u32 v3, v4  }
0x73: {  	v4 =	vperm.xlane v3, v0;
	_ =	sdelay $0x1  }
0x74: {  	v4 =	vadd.s32 v1, v4;
	_ =	sdelay $0x3  }
0x75: {  	s23 =	simm.s32 $0x16C80;
	v3 =	vperm.xlane v3, v2  }
0x76: {  	[tilespmem:s23], [sflag:$0x6] =	stream.indirect_vreg.gather [hbm4b:s3+s6], $0x80, v4, vm0, $0xb8;
	[tilespmem:$0x1B480] =	vst v63  }
0x77: {  	s24 =	simm.s32 $0x17480;
	v3 =	vadd.s32 v1, v3  }
0x78: {  	[tilespmem:s24], [sflag:$0x6] =	stream.indirect_vreg.gather [hbm4b:s9+s6], $0x80, v4, vm0, $0xb8;
	[tilespmem:$0x1B480] =	vst v63  }
0x79: {  	s25 =	simm.s32 $0x17C80  }
0x7a: {  	[tilespmem:s25], [sflag:$0x6] =	stream.indirect_vreg.gather [hbm4b:s10+s6], $0x80, v4, vm0, $0xb8;
	[tilespmem:$0x1B480] =	vst v63  }
0x7b: {  	s26 =	simm.s32 $0x18480  }
0x7c: {  	[tilespmem:s26], [sflag:$0x6] =	stream.indirect_vreg.gather [hbm4b:s3+s6], $0x80, v3, vm0, $0xb8;
	[tilespmem:$0x1B480] =	vst v63  }
0x7d: {  	_ = 	snop  }
0x7e: {  	[tilespmem:s29], [sflag:$0x6] =	stream.indirect_vreg.gather [hbm4b:s9+s6], $0x80, v3, vm0, $0xb8;
	[tilespmem:$0x1B480] =	vst v63  }
0x7f: {  	_ = 	snop  }
0x80: {  	[tilespmem:s30], [sflag:$0x6] =	stream.indirect_vreg.gather [hbm4b:s10+s6], $0x80, v3, vm0, $0xb8;
	[tilespmem:$0x1B480] =	vst v63  }
0x81: {  	v3 =	vld.msk [tilespmem:$0x40], $0xff;
	_ =	sdelay $0x4  }
0x82: {  	v63 =	vshrl.u32 v3, $0x3  }
0x83: {  	v4 =	vmul.u32 $0x30, v63  }
0x84: {  	v3 =	vand.u32 $0x7, v3  }
0x85: {  	v3 =	vor.u32 v3, v4  }
0x86: {  	v3 =	vperm.xlane v3, v0;
	_ =	sdelay $0x1  }
0x87: {  	v3 =	vadd.s32 v1, v3;
	_ =	sdelay $0x4  }
0x88: {  	[tilespmem:s31], [sflag:$0x6] =	stream.indirect_vreg.gather [hbm4b:s3+s6], $0x80, v3, vm0, $0xb8;
	[tilespmem:$0x1B480] =	vst v63  }
0x89: {  	_ = 	snop  }
0x8a: {  	[tilespmem:s2], [sflag:$0x6] =	stream.indirect_vreg.gather [hbm4b:s9+s6], $0x80, v3, vm0, $0xb8;
	[tilespmem:$0x1B480] =	vst v63  }
0x8b: {  	s12 =	simm.s32 $0x0  }
0x8c: {  	[tilespmem:s0], [sflag:$0x6] =	stream.indirect_vreg.gather [hbm4b:s10+s6], $0x80, v3, vm0, $0xb8;
	[tilespmem:$0x1B480] =	vst v63  }
.LBB2_2:
0x8d: {  	_ =	swait.ge [sflag:s18], $0x4800  }
0x8e: {  	[sflag:s18] =	ssyncset.done $0x0  }
0x8f: {  	s16 =	simm.s32 $0x0;
	[sflag:s18] =	ssyncadd.s32 $0xFFFFB800  }
0x90: {  	s15 =	simm.s32 $0x0;
	s16 =	smul.u32 $0x1800, s16;
	_ =	swait.ge [sflag:s19], $0x4800  }
0x91: {  	s23 =	sand.u32 $0x380, s15;
	[sflag:s19] =	ssyncset.done $0x0  }
0x92: {  	s16 =	sor.u32 s23, s16;
	[sflag:s19] =	ssyncadd.s32 $0xFFFFB800  }
0x93: {  	v3 =	vld [tilespmem:s16+$0xF0F0]  }
0x94: {  	v6 =	vld [tilespmem:s16+$0xDC80]  }
0x95: {  	v7 =	vld [tilespmem:s16+$0xDC90]  }
0x96: {  	v8 =	vld [tilespmem:s16+$0xDCA0]  }
0x97: {  	v9 =	vld [tilespmem:s16+$0xDCB0]  }
0x98: {  	v10 =	vld [tilespmem:s16+$0xDCC0]  }
0x99: {  	v11 =	vld [tilespmem:s16+$0xDCD0]  }
0x9a: {  	v12 =	vld [tilespmem:s16+$0xDCE0]  }
0x9b: {  	v13 =	vld [tilespmem:s16+$0xDCF0]  }
0x9c: {  	v14 =	vld [tilespmem:s16+$0xE080]  }
0x9d: {  	v15 =	vld [tilespmem:s16+$0xE090]  }
0x9e: {  	v16 =	vld [tilespmem:s16+$0xE0A0]  }
0x9f: {  	v17 =	vld [tilespmem:s16+$0xE0B0]  }
0xa0: {  	v18 =	vld [tilespmem:s16+$0xE0C0]  }
0xa1: {  	v19 =	vld [tilespmem:s16+$0xE0D0]  }
0xa2: {  	v20 =	vld [tilespmem:s16+$0xE0E0]  }
0xa3: {  	v21 =	vld [tilespmem:s16+$0xE0F0]  }
0xa4: {  	v22 =	vld [tilespmem:s16+$0xE480]  }
0xa5: {  	v23 =	vld [tilespmem:s16+$0xE490]  }
0xa6: {  	v24 =	vld [tilespmem:s16+$0xE4A0]  }
0xa7: {  	v25 =	vld [tilespmem:s16+$0xE4B0]  }
0xa8: {  	v26 =	vld [tilespmem:s16+$0xE4C0]  }
0xa9: {  	v27 =	vld [tilespmem:s16+$0xE4D0]  }
0xaa: {  	v28 =	vld [tilespmem:s16+$0xE4E0]  }
0xab: {  	v29 =	vld [tilespmem:s16+$0xE4F0]  }
0xac: {  	v30 =	vld [tilespmem:s16+$0xE880]  }
0xad: {  	v31 =	vld [tilespmem:s16+$0xE890]  }
0xae: {  	v32 =	vld [tilespmem:s16+$0xE8A0]  }
0xaf: {  	v33 =	vld [tilespmem:s16+$0xE8B0]  }
0xb0: {  	v34 =	vld [tilespmem:s16+$0xE8C0]  }
0xb1: {  	v35 =	vld [tilespmem:s16+$0xE8D0]  }
0xb2: {  	v36 =	vld [tilespmem:s16+$0xE8E0]  }
0xb3: {  	v37 =	vld [tilespmem:s16+$0xE8F0]  }
0xb4: {  	v38 =	vld [tilespmem:s16+$0xEC80]  }
0xb5: {  	v39 =	vld [tilespmem:s16+$0xEC90]  }
0xb6: {  	v40 =	vld [tilespmem:s16+$0xECA0]  }
0xb7: {  	v41 =	vld [tilespmem:s16+$0xECB0]  }
0xb8: {  	v42 =	vld [tilespmem:s16+$0xECC0]  }
0xb9: {  	v43 =	vld [tilespmem:s16+$0xECD0]  }
0xba: {  	v44 =	vld [tilespmem:s16+$0xECE0]  }
0xbb: {  	v45 =	vld [tilespmem:s16+$0xECF0]  }
0xbc: {  	v46 =	vld [tilespmem:s16+$0xF080]  }
0xbd: {  	v47 =	vld [tilespmem:s16+$0xF090]  }
0xbe: {  	v48 =	vld [tilespmem:s16+$0xF0A0]  }
0xbf: {  	v49 =	vld [tilespmem:s16+$0xF0B0]  }
0xc0: {  	v5 =	vld [tilespmem:s16+$0xF0C0]  }
0xc1: {  	v4 =	vld [tilespmem:s16+$0xF0D0]  }
0xc2: {  	[tilespmem:s16+$0x18F0] =	vst.add.f32.msk $0xffff, v3  }
0xc3: {  	v3 =	vld [tilespmem:s16+$0xF0E0]  }
0xc4: {  	[tilespmem:s16+$0x480] =	vst.add.f32.msk $0xffff, v6  }
0xc5: {  	[tilespmem:s16+$0x490] =	vst.add.f32.msk $0xffff, v7  }
0xc6: {  	[tilespmem:s16+$0x4A0] =	vst.add.f32.msk $0xffff, v8  }
0xc7: {  	[tilespmem:s16+$0x4B0] =	vst.add.f32.msk $0xffff, v9  }
0xc8: {  	[tilespmem:s16+$0x4C0] =	vst.add.f32.msk $0xffff, v10  }
0xc9: {  	[tilespmem:s16+$0x4D0] =	vst.add.f32.msk $0xffff, v11  }
0xca: {  	[tilespmem:s16+$0x4E0] =	vst.add.f32.msk $0xffff, v12  }
0xcb: {  	[tilespmem:s16+$0x4F0] =	vst.add.f32.msk $0xffff, v13  }
0xcc: {  	[tilespmem:s16+$0x880] =	vst.add.f32.msk $0xffff, v14  }
0xcd: {  	[tilespmem:s16+$0x890] =	vst.add.f32.msk $0xffff, v15  }
0xce: {  	[tilespmem:s16+$0x8A0] =	vst.add.f32.msk $0xffff, v16  }
0xcf: {  	[tilespmem:s16+$0x8B0] =	vst.add.f32.msk $0xffff, v17  }
0xd0: {  	[tilespmem:s16+$0x8C0] =	vst.add.f32.msk $0xffff, v18  }
0xd1: {  	[tilespmem:s16+$0x8D0] =	vst.add.f32.msk $0xffff, v19  }
0xd2: {  	[tilespmem:s16+$0x8E0] =	vst.add.f32.msk $0xffff, v20  }
0xd3: {  	[tilespmem:s16+$0x8F0] =	vst.add.f32.msk $0xffff, v21  }
0xd4: {  	[tilespmem:s16+$0xC80] =	vst.add.f32.msk $0xffff, v22  }
0xd5: {  	[tilespmem:s16+$0xC90] =	vst.add.f32.msk $0xffff, v23  }
0xd6: {  	[tilespmem:s16+$0xCA0] =	vst.add.f32.msk $0xffff, v24  }
0xd7: {  	[tilespmem:s16+$0xCB0] =	vst.add.f32.msk $0xffff, v25  }
0xd8: {  	[tilespmem:s16+$0xCC0] =	vst.add.f32.msk $0xffff, v26  }
0xd9: {  	[tilespmem:s16+$0xCD0] =	vst.add.f32.msk $0xffff, v27  }
0xda: {  	[tilespmem:s16+$0xCE0] =	vst.add.f32.msk $0xffff, v28  }
0xdb: {  	[tilespmem:s16+$0xCF0] =	vst.add.f32.msk $0xffff, v29  }
0xdc: {  	[tilespmem:s16+$0x1080] =	vst.add.f32.msk $0xffff, v30  }
0xdd: {  	[tilespmem:s16+$0x1090] =	vst.add.f32.msk $0xffff, v31  }
0xde: {  	[tilespmem:s16+$0x10A0] =	vst.add.f32.msk $0xffff, v32  }
0xdf: {  	[tilespmem:s16+$0x10B0] =	vst.add.f32.msk $0xffff, v33  }
0xe0: {  	[tilespmem:s16+$0x10C0] =	vst.add.f32.msk $0xffff, v34  }
0xe1: {  	[tilespmem:s16+$0x10D0] =	vst.add.f32.msk $0xffff, v35  }
0xe2: {  	[tilespmem:s16+$0x10E0] =	vst.add.f32.msk $0xffff, v36  }
0xe3: {  	[tilespmem:s16+$0x10F0] =	vst.add.f32.msk $0xffff, v37  }
0xe4: {  	[tilespmem:s16+$0x1480] =	vst.add.f32.msk $0xffff, v38  }
0xe5: {  	[tilespmem:s16+$0x1490] =	vst.add.f32.msk $0xffff, v39  }
0xe6: {  	[tilespmem:s16+$0x14A0] =	vst.add.f32.msk $0xffff, v40  }
0xe7: {  	[tilespmem:s16+$0x14B0] =	vst.add.f32.msk $0xffff, v41  }
0xe8: {  	[tilespmem:s16+$0x14C0] =	vst.add.f32.msk $0xffff, v42  }
0xe9: {  	[tilespmem:s16+$0x14D0] =	vst.add.f32.msk $0xffff, v43  }
0xea: {  	[tilespmem:s16+$0x14E0] =	vst.add.f32.msk $0xffff, v44  }
0xeb: {  	[tilespmem:s16+$0x14F0] =	vst.add.f32.msk $0xffff, v45  }
0xec: {  	[tilespmem:s16+$0x1880] =	vst.add.f32.msk $0xffff, v46  }
0xed: {  	[tilespmem:s16+$0x1890] =	vst.add.f32.msk $0xffff, v47  }
0xee: {  	[tilespmem:s16+$0x18A0] =	vst.add.f32.msk $0xffff, v48  }
0xef: {  	s24 =	simm.s32 $0x0;
	s23 =	simm.s32 $0x2;
	[tilespmem:s16+$0x18B0] =	vst.add.f32.msk $0xffff, v49  }
.LBB2_3:
0xf0: {  	p0 =	sne.s32 s23, $0x17;
	s24 =	smul.u32 $0x1800, s24;
	[tilespmem:s16+$0x18C0] =	vst.add.f32.msk $0xffff, v5;
	s15 =	sadd.s32 $0x80, s15  }
0xf1: {  	s25 =	sand.u32 $0x380, s15;
	[tilespmem:s16+$0x18D0] =	vst.add.f32.msk $0xffff, v4  }
0xf2: {  	[tilespmem:s16+$0x18E0] =	vst.add.f32.msk $0xffff, v3;
	s16 =	sor.u32 s25, s24  }
0xf3: {  	v3 =	vld [tilespmem:s16+$0xF0F0]  }
0xf4: {  	v6 =	vld [tilespmem:s16+$0xDC80]  }
0xf5: {  	v7 =	vld [tilespmem:s16+$0xDC90]  }
0xf6: {  	v8 =	vld [tilespmem:s16+$0xDCA0]  }
0xf7: {  	v9 =	vld [tilespmem:s16+$0xDCB0]  }
0xf8: {  	[tilespmem:s16+$0x18F0] =	vst.add.f32.msk $0xffff, v3  }
0xf9: {  	v10 =	vld [tilespmem:s16+$0xDCC0]  }
0xfa: {  	v11 =	vld [tilespmem:s16+$0xDCD0]  }
0xfb: {  	v12 =	vld [tilespmem:s16+$0xDCE0]  }
0xfc: {  	v13 =	vld [tilespmem:s16+$0xDCF0]  }
0xfd: {  	v14 =	vld [tilespmem:s16+$0xE080]  }
0xfe: {  	v15 =	vld [tilespmem:s16+$0xE090]  }
0xff: {  	v16 =	vld [tilespmem:s16+$0xE0A0]  }
0x100: {  	v17 =	vld [tilespmem:s16+$0xE0B0]  }
0x101: {  	v18 =	vld [tilespmem:s16+$0xE0C0]  }
0x102: {  	v19 =	vld [tilespmem:s16+$0xE0D0]  }
0x103: {  	v20 =	vld [tilespmem:s16+$0xE0E0]  }
0x104: {  	v21 =	vld [tilespmem:s16+$0xE0F0]  }
0x105: {  	v22 =	vld [tilespmem:s16+$0xE480]  }
0x106: {  	v23 =	vld [tilespmem:s16+$0xE490]  }
0x107: {  	v24 =	vld [tilespmem:s16+$0xE4A0]  }
0x108: {  	v25 =	vld [tilespmem:s16+$0xE4B0]  }
0x109: {  	v26 =	vld [tilespmem:s16+$0xE4C0]  }
0x10a: {  	v27 =	vld [tilespmem:s16+$0xE4D0]  }
0x10b: {  	v28 =	vld [tilespmem:s16+$0xE4E0]  }
0x10c: {  	v29 =	vld [tilespmem:s16+$0xE4F0]  }
0x10d: {  	v30 =	vld [tilespmem:s16+$0xE880]  }
0x10e: {  	v31 =	vld [tilespmem:s16+$0xE890]  }
0x10f: {  	v32 =	vld [tilespmem:s16+$0xE8A0]  }
0x110: {  	v33 =	vld [tilespmem:s16+$0xE8B0]  }
0x111: {  	v34 =	vld [tilespmem:s16+$0xE8C0]  }
0x112: {  	v35 =	vld [tilespmem:s16+$0xE8D0]  }
0x113: {  	v36 =	vld [tilespmem:s16+$0xE8E0]  }
0x114: {  	v37 =	vld [tilespmem:s16+$0xE8F0]  }
0x115: {  	v38 =	vld [tilespmem:s16+$0xEC80]  }
0x116: {  	v39 =	vld [tilespmem:s16+$0xEC90]  }
0x117: {  	v40 =	vld [tilespmem:s16+$0xECA0]  }
0x118: {  	v41 =	vld [tilespmem:s16+$0xECB0]  }
0x119: {  	v42 =	vld [tilespmem:s16+$0xECC0]  }
0x11a: {  	v43 =	vld [tilespmem:s16+$0xECD0]  }
0x11b: {  	v44 =	vld [tilespmem:s16+$0xECE0]  }
0x11c: {  	v45 =	vld [tilespmem:s16+$0xECF0]  }
0x11d: {  	v46 =	vld [tilespmem:s16+$0xF080]  }
0x11e: {  	v47 =	vld [tilespmem:s16+$0xF090]  }
0x11f: {  	v48 =	vld [tilespmem:s16+$0xF0A0]  }
0x120: {  	v49 =	vld [tilespmem:s16+$0xF0B0]  }
0x121: {  	v5 =	vld [tilespmem:s16+$0xF0C0]  }
0x122: {  	v4 =	vld [tilespmem:s16+$0xF0D0]  }
0x123: {  	v3 =	vld [tilespmem:s16+$0xF0E0]  }
0x124: {  	[tilespmem:s16+$0x480] =	vst.add.f32.msk $0xffff, v6  }
0x125: {  	[tilespmem:s16+$0x490] =	vst.add.f32.msk $0xffff, v7  }
0x126: {  	[tilespmem:s16+$0x4A0] =	vst.add.f32.msk $0xffff, v8  }
0x127: {  	[tilespmem:s16+$0x4B0] =	vst.add.f32.msk $0xffff, v9  }
0x128: {  	[tilespmem:s16+$0x4C0] =	vst.add.f32.msk $0xffff, v10  }
0x129: {  	[tilespmem:s16+$0x4D0] =	vst.add.f32.msk $0xffff, v11  }
0x12a: {  	[tilespmem:s16+$0x4E0] =	vst.add.f32.msk $0xffff, v12  }
0x12b: {  	[tilespmem:s16+$0x4F0] =	vst.add.f32.msk $0xffff, v13  }
0x12c: {  	[tilespmem:s16+$0x880] =	vst.add.f32.msk $0xffff, v14  }
0x12d: {  	[tilespmem:s16+$0x890] =	vst.add.f32.msk $0xffff, v15  }
0x12e: {  	[tilespmem:s16+$0x8A0] =	vst.add.f32.msk $0xffff, v16  }
0x12f: {  	[tilespmem:s16+$0x8B0] =	vst.add.f32.msk $0xffff, v17  }
0x130: {  	[tilespmem:s16+$0x8C0] =	vst.add.f32.msk $0xffff, v18  }
0x131: {  	[tilespmem:s16+$0x8D0] =	vst.add.f32.msk $0xffff, v19  }
0x132: {  	[tilespmem:s16+$0x8E0] =	vst.add.f32.msk $0xffff, v20  }
0x133: {  	[tilespmem:s16+$0x8F0] =	vst.add.f32.msk $0xffff, v21  }
0x134: {  	[tilespmem:s16+$0xC80] =	vst.add.f32.msk $0xffff, v22  }
0x135: {  	[tilespmem:s16+$0xC90] =	vst.add.f32.msk $0xffff, v23  }
0x136: {  	[tilespmem:s16+$0xCA0] =	vst.add.f32.msk $0xffff, v24  }
0x137: {  	[tilespmem:s16+$0xCB0] =	vst.add.f32.msk $0xffff, v25  }
0x138: {  	[tilespmem:s16+$0xCC0] =	vst.add.f32.msk $0xffff, v26  }
0x139: {  	[tilespmem:s16+$0xCD0] =	vst.add.f32.msk $0xffff, v27  }
0x13a: {  	[tilespmem:s16+$0xCE0] =	vst.add.f32.msk $0xffff, v28  }
0x13b: {  	[tilespmem:s16+$0xCF0] =	vst.add.f32.msk $0xffff, v29  }
0x13c: {  	[tilespmem:s16+$0x1080] =	vst.add.f32.msk $0xffff, v30  }
0x13d: {  	[tilespmem:s16+$0x1090] =	vst.add.f32.msk $0xffff, v31  }
0x13e: {  	[tilespmem:s16+$0x10A0] =	vst.add.f32.msk $0xffff, v32  }
0x13f: {  	[tilespmem:s16+$0x10B0] =	vst.add.f32.msk $0xffff, v33  }
0x140: {  	[tilespmem:s16+$0x10C0] =	vst.add.f32.msk $0xffff, v34  }
0x141: {  	[tilespmem:s16+$0x10D0] =	vst.add.f32.msk $0xffff, v35  }
0x142: {  	[tilespmem:s16+$0x10E0] =	vst.add.f32.msk $0xffff, v36  }
0x143: {  	[tilespmem:s16+$0x10F0] =	vst.add.f32.msk $0xffff, v37  }
0x144: {  	[tilespmem:s16+$0x1480] =	vst.add.f32.msk $0xffff, v38  }
0x145: {  	[tilespmem:s16+$0x1490] =	vst.add.f32.msk $0xffff, v39  }
0x146: {  	[tilespmem:s16+$0x14A0] =	vst.add.f32.msk $0xffff, v40  }
0x147: {  	[tilespmem:s16+$0x14B0] =	vst.add.f32.msk $0xffff, v41  }
0x148: {  	[tilespmem:s16+$0x14C0] =	vst.add.f32.msk $0xffff, v42  }
0x149: {  	[tilespmem:s16+$0x14D0] =	vst.add.f32.msk $0xffff, v43  }
0x14a: {  	[tilespmem:s16+$0x14E0] =	vst.add.f32.msk $0xffff, v44  }
.Ltmp2:
0x14b: {  	[tilespmem:s16+$0x14F0] =	vst.add.f32.msk $0xffff, v45;
	(pc) =	sbr.rel @p0 .LBB2_3-.Ltmp2, $4  }
0x14c: {  	[tilespmem:s16+$0x1880] =	vst.add.f32.msk $0xffff, v46  }
0x14d: {  	[tilespmem:s16+$0x1890] =	vst.add.f32.msk $0xffff, v47  }
0x14e: {  	[tilespmem:s16+$0x18A0] =	vst.add.f32.msk $0xffff, v48  }
0x14f: {  	s24 =	sshrl.u32 s23, $0x3;
	s23 =	sadd.s32 $0x1, s23;
	[tilespmem:s16+$0x18B0] =	vst.add.f32.msk $0xffff, v49  }
0x150: {  	s23 =	smul.u32 $0x1800, s24;
	[tilespmem:s16+$0x18C0] =	vst.add.f32.msk $0xffff, v5;
	s15 =	sadd.s32 $0x80, s15  }
0x151: {  	[tilespmem:s16+$0x18D0] =	vst.add.f32.msk $0xffff, v4;
	s15 =	sand.u32 $0x380, s15  }
0x152: {  	[tilespmem:s16+$0x18E0] =	vst.add.f32.msk $0xffff, v3;
	s23 =	sor.u32 s15, s23  }
0x153: {  	v3 =	vld [tilespmem:s23+$0xF0F0]  }
0x154: {  	v4 =	vld [tilespmem:s23+$0xDC80]  }
0x155: {  	v5 =	vld [tilespmem:s23+$0xDC90]  }
0x156: {  	v6 =	vld [tilespmem:s23+$0xDCA0]  }
0x157: {  	v7 =	vld [tilespmem:s23+$0xDCB0]  }
0x158: {  	v8 =	vld [tilespmem:s23+$0xDCD0]  }
0x159: {  	v9 =	vld [tilespmem:s23+$0xDCE0]  }
0x15a: {  	v10 =	vld [tilespmem:s23+$0xDCF0]  }
0x15b: {  	v11 =	vld [tilespmem:s23+$0xE080]  }
0x15c: {  	v12 =	vld [tilespmem:s23+$0xE090]  }
0x15d: {  	v13 =	vld [tilespmem:s23+$0xE0A0]  }
0x15e: {  	v14 =	vld [tilespmem:s23+$0xE0B0]  }
0x15f: {  	v15 =	vld [tilespmem:s23+$0xE0C0]  }
0x160: {  	v16 =	vld [tilespmem:s23+$0xE0D0]  }
0x161: {  	v17 =	vld [tilespmem:s23+$0xE0E0]  }
0x162: {  	v18 =	vld [tilespmem:s23+$0xE0F0]  }
0x163: {  	v19 =	vld [tilespmem:s23+$0xE480]  }
0x164: {  	v20 =	vld [tilespmem:s23+$0xE490]  }
0x165: {  	v21 =	vld [tilespmem:s23+$0xE4A0]  }
0x166: {  	v22 =	vld [tilespmem:s23+$0xE4B0]  }
0x167: {  	v23 =	vld [tilespmem:s23+$0xE4C0]  }
0x168: {  	v24 =	vld [tilespmem:s23+$0xE4D0]  }
0x169: {  	v25 =	vld [tilespmem:s23+$0xE4E0]  }
0x16a: {  	v26 =	vld [tilespmem:s23+$0xE4F0]  }
0x16b: {  	v27 =	vld [tilespmem:s23+$0xE880]  }
0x16c: {  	v28 =	vld [tilespmem:s23+$0xE890]  }
0x16d: {  	v29 =	vld [tilespmem:s23+$0xE8A0]  }
0x16e: {  	v30 =	vld [tilespmem:s23+$0xE8B0]  }
0x16f: {  	v31 =	vld [tilespmem:s23+$0xE8C0]  }
0x170: {  	v32 =	vld [tilespmem:s23+$0xE8D0]  }
0x171: {  	v33 =	vld [tilespmem:s23+$0xE8E0]  }
0x172: {  	v34 =	vld [tilespmem:s23+$0xE8F0]  }
0x173: {  	v35 =	vld [tilespmem:s23+$0xEC80]  }
0x174: {  	v36 =	vld [tilespmem:s23+$0xEC90]  }
0x175: {  	v37 =	vld [tilespmem:s23+$0xECA0]  }
0x176: {  	v38 =	vld [tilespmem:s23+$0xECB0]  }
0x177: {  	v39 =	vld [tilespmem:s23+$0xECC0]  }
0x178: {  	v40 =	vld [tilespmem:s23+$0xECD0]  }
0x179: {  	v41 =	vld [tilespmem:s23+$0xECE0]  }
0x17a: {  	v42 =	vld [tilespmem:s23+$0xECF0]  }
0x17b: {  	v43 =	vld [tilespmem:s23+$0xF080]  }
0x17c: {  	v44 =	vld [tilespmem:s23+$0xF090]  }
0x17d: {  	v45 =	vld [tilespmem:s23+$0xF0A0]  }
0x17e: {  	v46 =	vld [tilespmem:s23+$0xF0B0]  }
0x17f: {  	v47 =	vld [tilespmem:s23+$0xF0C0]  }
0x180: {  	v48 =	vld [tilespmem:s23+$0xF0D0]  }
0x181: {  	v49 =	vld [tilespmem:s23+$0xF0E0]  }
0x182: {  	[tilespmem:s23+$0x18F0] =	vst.add.f32.msk $0xffff, v3  }
0x183: {  	v3 =	vld [tilespmem:s23+$0xDCC0]  }
0x184: {  	[tilespmem:s23+$0x480] =	vst.add.f32.msk $0xffff, v4  }
0x185: {  	[tilespmem:s23+$0x490] =	vst.add.f32.msk $0xffff, v5  }
0x186: {  	[tilespmem:s23+$0x4A0] =	vst.add.f32.msk $0xffff, v6  }
0x187: {  	[tilespmem:s23+$0x4B0] =	vst.add.f32.msk $0xffff, v7  }
0x188: {  	[tilespmem:s23+$0x4D0] =	vst.add.f32.msk $0xffff, v8  }
0x189: {  	[tilespmem:s23+$0x4E0] =	vst.add.f32.msk $0xffff, v9  }
0x18a: {  	[tilespmem:s23+$0x4F0] =	vst.add.f32.msk $0xffff, v10  }
0x18b: {  	[tilespmem:s23+$0x880] =	vst.add.f32.msk $0xffff, v11  }
0x18c: {  	[tilespmem:s23+$0x890] =	vst.add.f32.msk $0xffff, v12  }
0x18d: {  	[tilespmem:s23+$0x8A0] =	vst.add.f32.msk $0xffff, v13  }
0x18e: {  	[tilespmem:s23+$0x8B0] =	vst.add.f32.msk $0xffff, v14  }
0x18f: {  	[tilespmem:s23+$0x8C0] =	vst.add.f32.msk $0xffff, v15  }
0x190: {  	[tilespmem:s23+$0x8D0] =	vst.add.f32.msk $0xffff, v16  }
0x191: {  	[tilespmem:s23+$0x8E0] =	vst.add.f32.msk $0xffff, v17  }
0x192: {  	[tilespmem:s23+$0x8F0] =	vst.add.f32.msk $0xffff, v18  }
0x193: {  	[tilespmem:s23+$0xC80] =	vst.add.f32.msk $0xffff, v19  }
0x194: {  	[tilespmem:s23+$0xC90] =	vst.add.f32.msk $0xffff, v20  }
0x195: {  	[tilespmem:s23+$0xCA0] =	vst.add.f32.msk $0xffff, v21  }
0x196: {  	[tilespmem:s23+$0xCB0] =	vst.add.f32.msk $0xffff, v22  }
0x197: {  	[tilespmem:s23+$0xCC0] =	vst.add.f32.msk $0xffff, v23  }
0x198: {  	[tilespmem:s23+$0xCD0] =	vst.add.f32.msk $0xffff, v24  }
0x199: {  	[tilespmem:s23+$0xCE0] =	vst.add.f32.msk $0xffff, v25  }
0x19a: {  	[tilespmem:s23+$0xCF0] =	vst.add.f32.msk $0xffff, v26  }
0x19b: {  	[tilespmem:s23+$0x1080] =	vst.add.f32.msk $0xffff, v27  }
0x19c: {  	[tilespmem:s23+$0x1090] =	vst.add.f32.msk $0xffff, v28  }
0x19d: {  	[tilespmem:s23+$0x10A0] =	vst.add.f32.msk $0xffff, v29  }
0x19e: {  	[tilespmem:s23+$0x10B0] =	vst.add.f32.msk $0xffff, v30  }
0x19f: {  	[tilespmem:s23+$0x10C0] =	vst.add.f32.msk $0xffff, v31  }
0x1a0: {  	[tilespmem:s23+$0x10D0] =	vst.add.f32.msk $0xffff, v32  }
0x1a1: {  	[tilespmem:s23+$0x10E0] =	vst.add.f32.msk $0xffff, v33  }
0x1a2: {  	[tilespmem:s23+$0x10F0] =	vst.add.f32.msk $0xffff, v34  }
0x1a3: {  	[tilespmem:s23+$0x1480] =	vst.add.f32.msk $0xffff, v35  }
0x1a4: {  	[tilespmem:s23+$0x1490] =	vst.add.f32.msk $0xffff, v36  }
0x1a5: {  	[tilespmem:s23+$0x14A0] =	vst.add.f32.msk $0xffff, v37  }
0x1a6: {  	[tilespmem:s23+$0x14B0] =	vst.add.f32.msk $0xffff, v38  }
0x1a7: {  	[tilespmem:s23+$0x14C0] =	vst.add.f32.msk $0xffff, v39  }
0x1a8: {  	[tilespmem:s23+$0x14D0] =	vst.add.f32.msk $0xffff, v40  }
0x1a9: {  	[tilespmem:s23+$0x14E0] =	vst.add.f32.msk $0xffff, v41  }
0x1aa: {  	[tilespmem:s23+$0x14F0] =	vst.add.f32.msk $0xffff, v42  }
0x1ab: {  	[tilespmem:s23+$0x1880] =	vst.add.f32.msk $0xffff, v43  }
0x1ac: {  	s15 =	smul.u32 $0x48, s12;
	[tilespmem:s23+$0x1890] =	vst.add.f32.msk $0xffff, v44  }
0x1ad: {  	[tilespmem:s23+$0x18A0] =	vst.add.f32.msk $0xffff, v45  }
0x1ae: {  	s24 =	sadd.s32 s4, s15;
	[tilespmem:s23+$0x18B0] =	vst.add.f32.msk $0xffff, v46  }
0x1af: {  	s16 =	sshrl.u32 s24, $0x3;
	[tilespmem:s23+$0x18C0] =	vst.add.f32.msk $0xffff, v47  }
0x1b0: {  	s16 =	smul.u32 $0x300, s16;
	[tilespmem:s23+$0x18D0] =	vst.add.f32.msk $0xffff, v48  }
0x1b1: {  	[tilespmem:s23+$0x18E0] =	vst.add.f32.msk $0xffff, v49  }
0x1b2: {  	p0 =	seq.s32 s12, $0xF;
	s16 =	sadd.s32 s5, s16;
	[tilespmem:s23+$0x4C0] =	vst.add.f32.msk $0xffff, v3  }
0x1b3: {  	[hbm4b:s16+s6] =	stream.linear.scatter [tilespmem:s17], [sflag:$0x7], $0x4800, $0x38;
	[tilespmem:$0x1B480] =	vst v63  }
0x1b4: {  	s16 =	sadd.s32 @!p0 $0x48, s15  }
0x1b5: {  	s16 =	sadd.s32 @!p0 s4, s16  }
0x1b6: {  	s23 =	simm.s32 @!p0 $0x7;
	s16 =	sshrl.u32 @!p0 s16, $0x3  }
0x1b7: {  	_ =	swait.ge @!p0 [sflag:s23], $0x4800;
	s16 =	smul.u32 @!p0 $0x300, s16  }
0x1b8: {  	s24 =	simm.s32 @!p0 $0x480;
	[sflag:s23] =	ssyncset.done @!p0 $0x0  }
0x1b9: {  	[sflag:s23] =	ssyncadd.s32 @!p0 $0xFFFFB800;
	s23 =	simm.s32 @!p0 $0x0;
	s16 =	sadd.s32 @!p0 s1, s16  }
0x1ba: {  	[tilespmem:s24], [sflag:$0x1] =	stream.linear.gather @!p0 [hbm4b:s16+s23], $0x4800, $0x38;
	[tilespmem:$0x1B480] =	vst v63  }
0x1bb: {  	v3 =	vld @!p0 [tilespmem:s15+$0x48];
	_ =	sdelay $0x4  }
0x1bc: {  	v4 =	vshrl.u32 @!p0 v3, $0x3  }
0x1bd: {  	v4 =	vmul.u32 @!p0 $0x30, v4  }
0x1be: {  	v5 =	vlaneseq.u32 @!p0;
	v3 =	vand.u32 @!p0 $0x7, v3  }
0x1bf: {  	v6 =	vshrl.u32 @!p0 v5, $0x3;
	v3 =	vor.u32 @!p0 v3, v4;
	v4 =	vand.u32 @!p0 $0x7, v5  }
0x1c0: {  	v6 =	vmul.u32 @!p0 $0x8, v6;
	v7 =	vperm.xlane @!p0 v3, v4;
	_ =	sdelay $0x1  }
0x1c1: {  	v7 =	vadd.s32 @!p0 v6, v7;
	_ =	sdelay $0x2  }
0x1c2: {  	v5 =	vor.u32 @!p0 $0x8, v5  }
0x1c3: {  	vm1 =	vmmov @!p0 $0xffff;
	s16 =	simm.s32 @!p0 $0xDC80;
	v3 =	vperm.xlane @!p0 v3, v5  }
0x1c4: {  	[tilespmem:s16], [sflag:$0x4] =	stream.indirect_vreg.gather @!p0 [hbm4b:s3+s23], $0x80, v7, vm1, $0xb8;
	[tilespmem:$0x1B480] =	vst v63  }
0x1c5: {  	v3 =	vadd.s32 @!p0 v6, v3;
	s16 =	simm.s32 @!p0 $0xE480  }
0x1c6: {  	[tilespmem:s16], [sflag:$0x4] =	stream.indirect_vreg.gather @!p0 [hbm4b:s9+s23], $0x80, v7, vm1, $0xb8;
	[tilespmem:$0x1B480] =	vst v63  }
0x1c7: {  	s16 =	simm.s32 @!p0 $0xEC80  }
0x1c8: {  	[tilespmem:s16], [sflag:$0x4] =	stream.indirect_vreg.gather @!p0 [hbm4b:s10+s23], $0x80, v7, vm1, $0xb8;
	[tilespmem:$0x1B480] =	vst v63  }
0x1c9: {  	s16 =	simm.s32 @!p0 $0xF480  }
0x1ca: {  	[tilespmem:s16], [sflag:$0x4] =	stream.indirect_vreg.gather @!p0 [hbm4b:s3+s23], $0x80, v3, vm1, $0xb8;
	[tilespmem:$0x1B480] =	vst v63  }
0x1cb: {  	s16 =	simm.s32 @!p0 $0xFC80  }
0x1cc: {  	[tilespmem:s16], [sflag:$0x4] =	stream.indirect_vreg.gather @!p0 [hbm4b:s9+s23], $0x80, v3, vm1, $0xb8;
	[tilespmem:$0x1B480] =	vst v63  }
0x1cd: {  	s16 =	simm.s32 @!p0 $0x10480  }
0x1ce: {  	[tilespmem:s16], [sflag:$0x4] =	stream.indirect_vreg.gather @!p0 [hbm4b:s10+s23], $0x80, v3, vm1, $0xb8;
	[tilespmem:$0x1B480] =	vst v63  }
0x1cf: {  	v3 =	vld.msk @!p0 [tilespmem:s15+$0x58], $0xff;
	_ =	sdelay $0x4  }
0x1d0: {  	v5 =	vshrl.u32 @!p0 v3, $0x3  }
0x1d1: {  	v5 =	vmul.u32 @!p0 $0x30, v5  }
0x1d2: {  	v3 =	vand.u32 @!p0 $0x7, v3  }
0x1d3: {  	v3 =	vor.u32 @!p0 v3, v5  }
0x1d4: {  	v3 =	vperm.xlane @!p0 v3, v4;
	_ =	sdelay $0x1  }
0x1d5: {  	v3 =	vadd.s32 @!p0 v6, v3;
	_ =	sdelay $0x3  }
0x1d6: {  	s16 =	simm.s32 @!p0 $0x10C80  }
0x1d7: {  	[tilespmem:s16], [sflag:$0x4] =	stream.indirect_vreg.gather @!p0 [hbm4b:s3+s23], $0x80, v3, vm1, $0xb8;
	[tilespmem:$0x1B480] =	vst v63  }
0x1d8: {  	s16 =	simm.s32 @!p0 $0x11480  }
0x1d9: {  	[tilespmem:s16], [sflag:$0x4] =	stream.indirect_vreg.gather @!p0 [hbm4b:s9+s23], $0x80, v3, vm1, $0xb8;
	[tilespmem:$0x1B480] =	vst v63  }
0x1da: {  	s16 =	simm.s32 @!p0 $0x11C80  }
0x1db: {  	[tilespmem:s16], [sflag:$0x4] =	stream.indirect_vreg.gather @!p0 [hbm4b:s10+s23], $0x80, v3, vm1, $0xb8;
	[tilespmem:$0x1B480] =	vst v63  }
0x1dc: {  	_ =	swait.ge [sflag:s20], $0x4800  }
0x1dd: {  	[sflag:s20] =	ssyncset.done $0x0  }
0x1de: {  	s25 =	simm.s32 $0x0;
	[sflag:s20] =	ssyncadd.s32 $0xFFFFB800  }
0x1df: {  	s16 =	simm.s32 $0x0;
	s23 =	smul.u32 $0x1800, s25;
	_ =	swait.ge [sflag:s21], $0x4800  }
0x1e0: {  	s26 =	sand.u32 $0x380, s16;
	[sflag:s21] =	ssyncset.done $0x0  }
0x1e1: {  	s23 =	sor.u32 s26, s23;
	[sflag:s21] =	ssyncadd.s32 $0xFFFFB800  }
0x1e2: {  	v3 =	vld [tilespmem:s23+$0x138F0]  }
0x1e3: {  	v6 =	vld [tilespmem:s23+$0x12480]  }
0x1e4: {  	v7 =	vld [tilespmem:s23+$0x12490]  }
0x1e5: {  	v8 =	vld [tilespmem:s23+$0x124A0]  }
0x1e6: {  	v9 =	vld [tilespmem:s23+$0x124B0]  }
0x1e7: {  	v10 =	vld [tilespmem:s23+$0x124C0]  }
0x1e8: {  	v11 =	vld [tilespmem:s23+$0x124D0]  }
0x1e9: {  	v12 =	vld [tilespmem:s23+$0x124E0]  }
0x1ea: {  	v13 =	vld [tilespmem:s23+$0x124F0]  }
0x1eb: {  	v14 =	vld [tilespmem:s23+$0x12880]  }
0x1ec: {  	v15 =	vld [tilespmem:s23+$0x12890]  }
0x1ed: {  	v16 =	vld [tilespmem:s23+$0x128A0]  }
0x1ee: {  	v17 =	vld [tilespmem:s23+$0x128B0]  }
0x1ef: {  	v18 =	vld [tilespmem:s23+$0x128C0]  }
0x1f0: {  	v19 =	vld [tilespmem:s23+$0x128D0]  }
0x1f1: {  	v20 =	vld [tilespmem:s23+$0x128E0]  }
0x1f2: {  	v21 =	vld [tilespmem:s23+$0x128F0]  }
0x1f3: {  	v22 =	vld [tilespmem:s23+$0x12C80]  }
0x1f4: {  	v23 =	vld [tilespmem:s23+$0x12C90]  }
0x1f5: {  	v24 =	vld [tilespmem:s23+$0x12CA0]  }
0x1f6: {  	v25 =	vld [tilespmem:s23+$0x12CB0]  }
0x1f7: {  	v26 =	vld [tilespmem:s23+$0x12CC0]  }
0x1f8: {  	v27 =	vld [tilespmem:s23+$0x12CD0]  }
0x1f9: {  	v28 =	vld [tilespmem:s23+$0x12CE0]  }
0x1fa: {  	v29 =	vld [tilespmem:s23+$0x12CF0]  }
0x1fb: {  	v30 =	vld [tilespmem:s23+$0x13080]  }
0x1fc: {  	v31 =	vld [tilespmem:s23+$0x13090]  }
0x1fd: {  	v32 =	vld [tilespmem:s23+$0x130A0]  }
0x1fe: {  	v33 =	vld [tilespmem:s23+$0x130B0]  }
0x1ff: {  	v34 =	vld [tilespmem:s23+$0x130C0]  }
0x200: {  	v35 =	vld [tilespmem:s23+$0x130D0]  }
0x201: {  	v36 =	vld [tilespmem:s23+$0x130E0]  }
0x202: {  	v37 =	vld [tilespmem:s23+$0x130F0]  }
0x203: {  	v52 =	vld [tilespmem:s23+$0x13480]  }
0x204: {  	v53 =	vld [tilespmem:s23+$0x13490]  }
0x205: {  	v54 =	vld [tilespmem:s23+$0x134A0]  }
0x206: {  	v55 =	vld [tilespmem:s23+$0x134B0]  }
0x207: {  	v56 =	vld [tilespmem:s23+$0x134C0]  }
0x208: {  	v57 =	vld [tilespmem:s23+$0x134D0]  }
0x209: {  	v58 =	vld [tilespmem:s23+$0x134E0]  }
0x20a: {  	v59 =	vld [tilespmem:s23+$0x134F0]  }
0x20b: {  	v60 =	vld [tilespmem:s23+$0x13880]  }
0x20c: {  	v61 =	vld [tilespmem:s23+$0x13890]  }
0x20d: {  	v62 =	vld [tilespmem:s23+$0x138A0]  }
0x20e: {  	v63 =	vld [tilespmem:s23+$0x138B0]  }
0x20f: {  	v5 =	vld [tilespmem:s23+$0x138C0]  }
0x210: {  	v4 =	vld [tilespmem:s23+$0x138D0]  }
0x211: {  	[tilespmem:s23+$0x60F0] =	vst.add.f32.msk $0xffff, v3  }
0x212: {  	v3 =	vld [tilespmem:s23+$0x138E0]  }
0x213: {  	[tilespmem:s23+$0x4C80] =	vst.add.f32.msk $0xffff, v6  }
0x214: {  	[tilespmem:s23+$0x4C90] =	vst.add.f32.msk $0xffff, v7  }
0x215: {  	[tilespmem:s23+$0x4CA0] =	vst.add.f32.msk $0xffff, v8  }
0x216: {  	[tilespmem:s23+$0x4CB0] =	vst.add.f32.msk $0xffff, v9  }
0x217: {  	[tilespmem:s23+$0x4CC0] =	vst.add.f32.msk $0xffff, v10  }
0x218: {  	[tilespmem:s23+$0x4CD0] =	vst.add.f32.msk $0xffff, v11  }
0x219: {  	[tilespmem:s23+$0x4CE0] =	vst.add.f32.msk $0xffff, v12  }
0x21a: {  	[tilespmem:s23+$0x4CF0] =	vst.add.f32.msk $0xffff, v13  }
0x21b: {  	[tilespmem:s23+$0x5080] =	vst.add.f32.msk $0xffff, v14  }
0x21c: {  	[tilespmem:s23+$0x5090] =	vst.add.f32.msk $0xffff, v15  }
0x21d: {  	[tilespmem:s23+$0x50A0] =	vst.add.f32.msk $0xffff, v16  }
0x21e: {  	[tilespmem:s23+$0x50B0] =	vst.add.f32.msk $0xffff, v17  }
0x21f: {  	[tilespmem:s23+$0x50C0] =	vst.add.f32.msk $0xffff, v18  }
0x220: {  	[tilespmem:s23+$0x50D0] =	vst.add.f32.msk $0xffff, v19  }
0x221: {  	[tilespmem:s23+$0x50E0] =	vst.add.f32.msk $0xffff, v20  }
0x222: {  	[tilespmem:s23+$0x50F0] =	vst.add.f32.msk $0xffff, v21  }
0x223: {  	[tilespmem:s23+$0x5480] =	vst.add.f32.msk $0xffff, v22  }
0x224: {  	[tilespmem:s23+$0x5490] =	vst.add.f32.msk $0xffff, v23  }
0x225: {  	[tilespmem:s23+$0x54A0] =	vst.add.f32.msk $0xffff, v24  }
0x226: {  	[tilespmem:s23+$0x54B0] =	vst.add.f32.msk $0xffff, v25  }
0x227: {  	[tilespmem:s23+$0x54C0] =	vst.add.f32.msk $0xffff, v26  }
0x228: {  	[tilespmem:s23+$0x54D0] =	vst.add.f32.msk $0xffff, v27  }
0x229: {  	[tilespmem:s23+$0x54E0] =	vst.add.f32.msk $0xffff, v28  }
0x22a: {  	[tilespmem:s23+$0x54F0] =	vst.add.f32.msk $0xffff, v29  }
0x22b: {  	[tilespmem:s23+$0x5880] =	vst.add.f32.msk $0xffff, v30  }
0x22c: {  	[tilespmem:s23+$0x5890] =	vst.add.f32.msk $0xffff, v31  }
0x22d: {  	[tilespmem:s23+$0x58A0] =	vst.add.f32.msk $0xffff, v32  }
0x22e: {  	[tilespmem:s23+$0x58B0] =	vst.add.f32.msk $0xffff, v33  }
0x22f: {  	[tilespmem:s23+$0x58C0] =	vst.add.f32.msk $0xffff, v34  }
0x230: {  	[tilespmem:s23+$0x58D0] =	vst.add.f32.msk $0xffff, v35  }
0x231: {  	[tilespmem:s23+$0x58E0] =	vst.add.f32.msk $0xffff, v36  }
0x232: {  	[tilespmem:s23+$0x58F0] =	vst.add.f32.msk $0xffff, v37  }
0x233: {  	[tilespmem:s23+$0x5C80] =	vst.add.f32.msk $0xffff, v52  }
0x234: {  	[tilespmem:s23+$0x5C90] =	vst.add.f32.msk $0xffff, v53  }
0x235: {  	[tilespmem:s23+$0x5CA0] =	vst.add.f32.msk $0xffff, v54  }
0x236: {  	[tilespmem:s23+$0x5CB0] =	vst.add.f32.msk $0xffff, v55  }
0x237: {  	[tilespmem:s23+$0x5CC0] =	vst.add.f32.msk $0xffff, v56  }
0x238: {  	[tilespmem:s23+$0x5CD0] =	vst.add.f32.msk $0xffff, v57  }
0x239: {  	[tilespmem:s23+$0x5CE0] =	vst.add.f32.msk $0xffff, v58  }
0x23a: {  	[tilespmem:s23+$0x5CF0] =	vst.add.f32.msk $0xffff, v59  }
0x23b: {  	[tilespmem:s23+$0x6080] =	vst.add.f32.msk $0xffff, v60  }
0x23c: {  	[tilespmem:s23+$0x6090] =	vst.add.f32.msk $0xffff, v61  }
0x23d: {  	[tilespmem:s23+$0x60A0] =	vst.add.f32.msk $0xffff, v62  }
0x23e: {  	s24 =	simm.s32 $0x2;
	s25 =	simm.s32 $0x0;
	[tilespmem:s23+$0x60B0] =	vst.add.f32.msk $0xffff, v63  }
.LBB2_5:
0x23f: {  	p1 =	sne.s32 s24, $0x17;
	s25 =	smul.u32 $0x1800, s25;
	[tilespmem:s23+$0x60C0] =	vst.add.f32.msk $0xffff, v5;
	s16 =	sadd.s32 $0x80, s16  }
0x240: {  	s26 =	sand.u32 $0x380, s16;
	[tilespmem:s23+$0x60D0] =	vst.add.f32.msk $0xffff, v4  }
0x241: {  	[tilespmem:s23+$0x60E0] =	vst.add.f32.msk $0xffff, v3;
	s23 =	sor.u32 s26, s25  }
0x242: {  	v3 =	vld [tilespmem:s23+$0x138F0]  }
0x243: {  	v6 =	vld [tilespmem:s23+$0x12480]  }
0x244: {  	v7 =	vld [tilespmem:s23+$0x12490]  }
0x245: {  	v8 =	vld [tilespmem:s23+$0x124A0]  }
0x246: {  	v9 =	vld [tilespmem:s23+$0x124B0]  }
0x247: {  	[tilespmem:s23+$0x60F0] =	vst.add.f32.msk $0xffff, v3  }
0x248: {  	v10 =	vld [tilespmem:s23+$0x124C0]  }
0x249: {  	v11 =	vld [tilespmem:s23+$0x124D0]  }
0x24a: {  	v12 =	vld [tilespmem:s23+$0x124E0]  }
0x24b: {  	v13 =	vld [tilespmem:s23+$0x124F0]  }
0x24c: {  	v14 =	vld [tilespmem:s23+$0x12880]  }
0x24d: {  	v15 =	vld [tilespmem:s23+$0x12890]  }
0x24e: {  	v16 =	vld [tilespmem:s23+$0x128A0]  }
0x24f: {  	v17 =	vld [tilespmem:s23+$0x128B0]  }
0x250: {  	v18 =	vld [tilespmem:s23+$0x128C0]  }
0x251: {  	v19 =	vld [tilespmem:s23+$0x128D0]  }
0x252: {  	v20 =	vld [tilespmem:s23+$0x128E0]  }
0x253: {  	v21 =	vld [tilespmem:s23+$0x128F0]  }
0x254: {  	v22 =	vld [tilespmem:s23+$0x12C80]  }
0x255: {  	v23 =	vld [tilespmem:s23+$0x12C90]  }
0x256: {  	v24 =	vld [tilespmem:s23+$0x12CA0]  }
0x257: {  	v25 =	vld [tilespmem:s23+$0x12CB0]  }
0x258: {  	v26 =	vld [tilespmem:s23+$0x12CC0]  }
0x259: {  	v27 =	vld [tilespmem:s23+$0x12CD0]  }
0x25a: {  	v28 =	vld [tilespmem:s23+$0x12CE0]  }
0x25b: {  	v29 =	vld [tilespmem:s23+$0x12CF0]  }
0x25c: {  	v30 =	vld [tilespmem:s23+$0x13080]  }
0x25d: {  	v31 =	vld [tilespmem:s23+$0x13090]  }
0x25e: {  	v32 =	vld [tilespmem:s23+$0x130A0]  }
0x25f: {  	v33 =	vld [tilespmem:s23+$0x130B0]  }
0x260: {  	v34 =	vld [tilespmem:s23+$0x130C0]  }
0x261: {  	v35 =	vld [tilespmem:s23+$0x130D0]  }
0x262: {  	v36 =	vld [tilespmem:s23+$0x130E0]  }
0x263: {  	v37 =	vld [tilespmem:s23+$0x130F0]  }
0x264: {  	v38 =	vld [tilespmem:s23+$0x13480]  }
0x265: {  	v39 =	vld [tilespmem:s23+$0x13490]  }
0x266: {  	v40 =	vld [tilespmem:s23+$0x134A0]  }
0x267: {  	v41 =	vld [tilespmem:s23+$0x134B0]  }
0x268: {  	v42 =	vld [tilespmem:s23+$0x134C0]  }
0x269: {  	v43 =	vld [tilespmem:s23+$0x134D0]  }
0x26a: {  	v44 =	vld [tilespmem:s23+$0x134E0]  }
0x26b: {  	v45 =	vld [tilespmem:s23+$0x134F0]  }
0x26c: {  	v46 =	vld [tilespmem:s23+$0x13880]  }
0x26d: {  	v47 =	vld [tilespmem:s23+$0x13890]  }
0x26e: {  	v48 =	vld [tilespmem:s23+$0x138A0]  }
0x26f: {  	v49 =	vld [tilespmem:s23+$0x138B0]  }
0x270: {  	v5 =	vld [tilespmem:s23+$0x138C0]  }
0x271: {  	v4 =	vld [tilespmem:s23+$0x138D0]  }
0x272: {  	v3 =	vld [tilespmem:s23+$0x138E0]  }
0x273: {  	[tilespmem:s23+$0x4C80] =	vst.add.f32.msk $0xffff, v6  }
0x274: {  	[tilespmem:s23+$0x4C90] =	vst.add.f32.msk $0xffff, v7  }
0x275: {  	[tilespmem:s23+$0x4CA0] =	vst.add.f32.msk $0xffff, v8  }
0x276: {  	[tilespmem:s23+$0x4CB0] =	vst.add.f32.msk $0xffff, v9  }
0x277: {  	[tilespmem:s23+$0x4CC0] =	vst.add.f32.msk $0xffff, v10  }
0x278: {  	[tilespmem:s23+$0x4CD0] =	vst.add.f32.msk $0xffff, v11  }
0x279: {  	[tilespmem:s23+$0x4CE0] =	vst.add.f32.msk $0xffff, v12  }
0x27a: {  	[tilespmem:s23+$0x4CF0] =	vst.add.f32.msk $0xffff, v13  }
0x27b: {  	[tilespmem:s23+$0x5080] =	vst.add.f32.msk $0xffff, v14  }
0x27c: {  	[tilespmem:s23+$0x5090] =	vst.add.f32.msk $0xffff, v15  }
0x27d: {  	[tilespmem:s23+$0x50A0] =	vst.add.f32.msk $0xffff, v16  }
0x27e: {  	[tilespmem:s23+$0x50B0] =	vst.add.f32.msk $0xffff, v17  }
0x27f: {  	[tilespmem:s23+$0x50C0] =	vst.add.f32.msk $0xffff, v18  }
0x280: {  	[tilespmem:s23+$0x50D0] =	vst.add.f32.msk $0xffff, v19  }
0x281: {  	[tilespmem:s23+$0x50E0] =	vst.add.f32.msk $0xffff, v20  }
0x282: {  	[tilespmem:s23+$0x50F0] =	vst.add.f32.msk $0xffff, v21  }
0x283: {  	[tilespmem:s23+$0x5480] =	vst.add.f32.msk $0xffff, v22  }
0x284: {  	[tilespmem:s23+$0x5490] =	vst.add.f32.msk $0xffff, v23  }
0x285: {  	[tilespmem:s23+$0x54A0] =	vst.add.f32.msk $0xffff, v24  }
0x286: {  	[tilespmem:s23+$0x54B0] =	vst.add.f32.msk $0xffff, v25  }
0x287: {  	[tilespmem:s23+$0x54C0] =	vst.add.f32.msk $0xffff, v26  }
0x288: {  	[tilespmem:s23+$0x54D0] =	vst.add.f32.msk $0xffff, v27  }
0x289: {  	[tilespmem:s23+$0x54E0] =	vst.add.f32.msk $0xffff, v28  }
0x28a: {  	[tilespmem:s23+$0x54F0] =	vst.add.f32.msk $0xffff, v29  }
0x28b: {  	[tilespmem:s23+$0x5880] =	vst.add.f32.msk $0xffff, v30  }
0x28c: {  	[tilespmem:s23+$0x5890] =	vst.add.f32.msk $0xffff, v31  }
0x28d: {  	[tilespmem:s23+$0x58A0] =	vst.add.f32.msk $0xffff, v32  }
0x28e: {  	[tilespmem:s23+$0x58B0] =	vst.add.f32.msk $0xffff, v33  }
0x28f: {  	[tilespmem:s23+$0x58C0] =	vst.add.f32.msk $0xffff, v34  }
0x290: {  	[tilespmem:s23+$0x58D0] =	vst.add.f32.msk $0xffff, v35  }
0x291: {  	[tilespmem:s23+$0x58E0] =	vst.add.f32.msk $0xffff, v36  }
0x292: {  	[tilespmem:s23+$0x58F0] =	vst.add.f32.msk $0xffff, v37  }
0x293: {  	[tilespmem:s23+$0x5C80] =	vst.add.f32.msk $0xffff, v38  }
0x294: {  	[tilespmem:s23+$0x5C90] =	vst.add.f32.msk $0xffff, v39  }
0x295: {  	[tilespmem:s23+$0x5CA0] =	vst.add.f32.msk $0xffff, v40  }
0x296: {  	[tilespmem:s23+$0x5CB0] =	vst.add.f32.msk $0xffff, v41  }
0x297: {  	[tilespmem:s23+$0x5CC0] =	vst.add.f32.msk $0xffff, v42  }
0x298: {  	[tilespmem:s23+$0x5CD0] =	vst.add.f32.msk $0xffff, v43  }
0x299: {  	[tilespmem:s23+$0x5CE0] =	vst.add.f32.msk $0xffff, v44  }
.Ltmp3:
0x29a: {  	[tilespmem:s23+$0x5CF0] =	vst.add.f32.msk $0xffff, v45;
	(pc) =	sbr.rel @p1 .LBB2_5-.Ltmp3, $4  }
0x29b: {  	[tilespmem:s23+$0x6080] =	vst.add.f32.msk $0xffff, v46  }
0x29c: {  	[tilespmem:s23+$0x6090] =	vst.add.f32.msk $0xffff, v47  }
0x29d: {  	[tilespmem:s23+$0x60A0] =	vst.add.f32.msk $0xffff, v48  }
0x29e: {  	s25 =	sshrl.u32 s24, $0x3;
	s24 =	sadd.s32 $0x1, s24;
	[tilespmem:s23+$0x60B0] =	vst.add.f32.msk $0xffff, v49  }
0x29f: {  	s24 =	smul.u32 $0x1800, s25;
	[tilespmem:s23+$0x60C0] =	vst.add.f32.msk $0xffff, v5;
	s16 =	sadd.s32 $0x80, s16  }
0x2a0: {  	[tilespmem:s23+$0x60D0] =	vst.add.f32.msk $0xffff, v4;
	s16 =	sand.u32 $0x380, s16  }
0x2a1: {  	[tilespmem:s23+$0x60E0] =	vst.add.f32.msk $0xffff, v3;
	s16 =	sor.u32 s16, s24  }
0x2a2: {  	v3 =	vld [tilespmem:s16+$0x138F0]  }
0x2a3: {  	v4 =	vld [tilespmem:s16+$0x12480]  }
0x2a4: {  	v5 =	vld [tilespmem:s16+$0x12490]  }
0x2a5: {  	v6 =	vld [tilespmem:s16+$0x124A0]  }
0x2a6: {  	v7 =	vld [tilespmem:s16+$0x124B0]  }
0x2a7: {  	v8 =	vld [tilespmem:s16+$0x124D0]  }
0x2a8: {  	v9 =	vld [tilespmem:s16+$0x124E0]  }
0x2a9: {  	v10 =	vld [tilespmem:s16+$0x124F0]  }
0x2aa: {  	v11 =	vld [tilespmem:s16+$0x12880]  }
0x2ab: {  	v12 =	vld [tilespmem:s16+$0x12890]  }
0x2ac: {  	v13 =	vld [tilespmem:s16+$0x128A0]  }
0x2ad: {  	v14 =	vld [tilespmem:s16+$0x128B0]  }
0x2ae: {  	v15 =	vld [tilespmem:s16+$0x128C0]  }
0x2af: {  	v16 =	vld [tilespmem:s16+$0x128D0]  }
0x2b0: {  	v17 =	vld [tilespmem:s16+$0x128E0]  }
0x2b1: {  	v18 =	vld [tilespmem:s16+$0x128F0]  }
0x2b2: {  	v19 =	vld [tilespmem:s16+$0x12C80]  }
0x2b3: {  	v20 =	vld [tilespmem:s16+$0x12C90]  }
0x2b4: {  	v21 =	vld [tilespmem:s16+$0x12CA0]  }
0x2b5: {  	v22 =	vld [tilespmem:s16+$0x12CB0]  }
0x2b6: {  	v23 =	vld [tilespmem:s16+$0x12CC0]  }
0x2b7: {  	v24 =	vld [tilespmem:s16+$0x12CD0]  }
0x2b8: {  	v25 =	vld [tilespmem:s16+$0x12CE0]  }
0x2b9: {  	v26 =	vld [tilespmem:s16+$0x12CF0]  }
0x2ba: {  	v27 =	vld [tilespmem:s16+$0x13080]  }
0x2bb: {  	v28 =	vld [tilespmem:s16+$0x13090]  }
0x2bc: {  	v29 =	vld [tilespmem:s16+$0x130A0]  }
0x2bd: {  	v30 =	vld [tilespmem:s16+$0x130B0]  }
0x2be: {  	v31 =	vld [tilespmem:s16+$0x130C0]  }
0x2bf: {  	v32 =	vld [tilespmem:s16+$0x130D0]  }
0x2c0: {  	v33 =	vld [tilespmem:s16+$0x130E0]  }
0x2c1: {  	v34 =	vld [tilespmem:s16+$0x130F0]  }
0x2c2: {  	v35 =	vld [tilespmem:s16+$0x13480]  }
0x2c3: {  	v36 =	vld [tilespmem:s16+$0x13490]  }
0x2c4: {  	v37 =	vld [tilespmem:s16+$0x134A0]  }
0x2c5: {  	v38 =	vld [tilespmem:s16+$0x134B0]  }
0x2c6: {  	v39 =	vld [tilespmem:s16+$0x134C0]  }
0x2c7: {  	v40 =	vld [tilespmem:s16+$0x134D0]  }
0x2c8: {  	v41 =	vld [tilespmem:s16+$0x134E0]  }
0x2c9: {  	v42 =	vld [tilespmem:s16+$0x134F0]  }
0x2ca: {  	v43 =	vld [tilespmem:s16+$0x13880]  }
0x2cb: {  	v44 =	vld [tilespmem:s16+$0x13890]  }
0x2cc: {  	v45 =	vld [tilespmem:s16+$0x138A0]  }
0x2cd: {  	v46 =	vld [tilespmem:s16+$0x138B0]  }
0x2ce: {  	v47 =	vld [tilespmem:s16+$0x138C0]  }
0x2cf: {  	v48 =	vld [tilespmem:s16+$0x138D0]  }
0x2d0: {  	v49 =	vld [tilespmem:s16+$0x138E0]  }
0x2d1: {  	[tilespmem:s16+$0x60F0] =	vst.add.f32.msk $0xffff, v3  }
0x2d2: {  	v3 =	vld [tilespmem:s16+$0x124C0]  }
0x2d3: {  	[tilespmem:s16+$0x4C80] =	vst.add.f32.msk $0xffff, v4  }
0x2d4: {  	[tilespmem:s16+$0x4C90] =	vst.add.f32.msk $0xffff, v5  }
0x2d5: {  	[tilespmem:s16+$0x4CA0] =	vst.add.f32.msk $0xffff, v6  }
0x2d6: {  	[tilespmem:s16+$0x4CB0] =	vst.add.f32.msk $0xffff, v7  }
0x2d7: {  	[tilespmem:s16+$0x4CD0] =	vst.add.f32.msk $0xffff, v8  }
0x2d8: {  	[tilespmem:s16+$0x4CE0] =	vst.add.f32.msk $0xffff, v9  }
0x2d9: {  	[tilespmem:s16+$0x4CF0] =	vst.add.f32.msk $0xffff, v10  }
0x2da: {  	[tilespmem:s16+$0x5080] =	vst.add.f32.msk $0xffff, v11  }
0x2db: {  	[tilespmem:s16+$0x5090] =	vst.add.f32.msk $0xffff, v12  }
0x2dc: {  	[tilespmem:s16+$0x50A0] =	vst.add.f32.msk $0xffff, v13  }
0x2dd: {  	[tilespmem:s16+$0x50B0] =	vst.add.f32.msk $0xffff, v14  }
0x2de: {  	[tilespmem:s16+$0x50C0] =	vst.add.f32.msk $0xffff, v15  }
0x2df: {  	[tilespmem:s16+$0x50D0] =	vst.add.f32.msk $0xffff, v16  }
0x2e0: {  	[tilespmem:s16+$0x50E0] =	vst.add.f32.msk $0xffff, v17  }
0x2e1: {  	[tilespmem:s16+$0x50F0] =	vst.add.f32.msk $0xffff, v18  }
0x2e2: {  	[tilespmem:s16+$0x5480] =	vst.add.f32.msk $0xffff, v19  }
0x2e3: {  	[tilespmem:s16+$0x5490] =	vst.add.f32.msk $0xffff, v20  }
0x2e4: {  	[tilespmem:s16+$0x54A0] =	vst.add.f32.msk $0xffff, v21  }
0x2e5: {  	[tilespmem:s16+$0x54B0] =	vst.add.f32.msk $0xffff, v22  }
0x2e6: {  	[tilespmem:s16+$0x54C0] =	vst.add.f32.msk $0xffff, v23  }
0x2e7: {  	[tilespmem:s16+$0x54D0] =	vst.add.f32.msk $0xffff, v24  }
0x2e8: {  	[tilespmem:s16+$0x54E0] =	vst.add.f32.msk $0xffff, v25  }
0x2e9: {  	[tilespmem:s16+$0x54F0] =	vst.add.f32.msk $0xffff, v26  }
0x2ea: {  	[tilespmem:s16+$0x5880] =	vst.add.f32.msk $0xffff, v27  }
0x2eb: {  	[tilespmem:s16+$0x5890] =	vst.add.f32.msk $0xffff, v28  }
0x2ec: {  	[tilespmem:s16+$0x58A0] =	vst.add.f32.msk $0xffff, v29  }
0x2ed: {  	[tilespmem:s16+$0x58B0] =	vst.add.f32.msk $0xffff, v30  }
0x2ee: {  	[tilespmem:s16+$0x58C0] =	vst.add.f32.msk $0xffff, v31  }
0x2ef: {  	[tilespmem:s16+$0x58D0] =	vst.add.f32.msk $0xffff, v32  }
0x2f0: {  	[tilespmem:s16+$0x58E0] =	vst.add.f32.msk $0xffff, v33  }
0x2f1: {  	[tilespmem:s16+$0x58F0] =	vst.add.f32.msk $0xffff, v34  }
0x2f2: {  	[tilespmem:s16+$0x5C80] =	vst.add.f32.msk $0xffff, v35  }
0x2f3: {  	[tilespmem:s16+$0x5C90] =	vst.add.f32.msk $0xffff, v36  }
0x2f4: {  	[tilespmem:s16+$0x5CA0] =	vst.add.f32.msk $0xffff, v37  }
0x2f5: {  	[tilespmem:s16+$0x5CB0] =	vst.add.f32.msk $0xffff, v38  }
0x2f6: {  	[tilespmem:s16+$0x5CC0] =	vst.add.f32.msk $0xffff, v39  }
0x2f7: {  	[tilespmem:s16+$0x5CD0] =	vst.add.f32.msk $0xffff, v40  }
0x2f8: {  	[tilespmem:s16+$0x5CE0] =	vst.add.f32.msk $0xffff, v41  }
0x2f9: {  	[tilespmem:s16+$0x5CF0] =	vst.add.f32.msk $0xffff, v42  }
0x2fa: {  	[tilespmem:s16+$0x6080] =	vst.add.f32.msk $0xffff, v43  }
0x2fb: {  	[tilespmem:s16+$0x6090] =	vst.add.f32.msk $0xffff, v44  }
0x2fc: {  	[tilespmem:s16+$0x60A0] =	vst.add.f32.msk $0xffff, v45  }
0x2fd: {  	s26 =	sadd.s32 s15, s13;
	[tilespmem:s16+$0x60B0] =	vst.add.f32.msk $0xffff, v46  }
0x2fe: {  	s23 =	sshrl.u32 s26, $0x3;
	[tilespmem:s16+$0x60C0] =	vst.add.f32.msk $0xffff, v47  }
0x2ff: {  	s23 =	smul.u32 $0x300, s23;
	[tilespmem:s16+$0x60D0] =	vst.add.f32.msk $0xffff, v48  }
0x300: {  	[tilespmem:s16+$0x60E0] =	vst.add.f32.msk $0xffff, v49  }
0x301: {  	s24 =	sadd.s32 s5, s23;
	[tilespmem:s16+$0x4CC0] =	vst.add.f32.msk $0xffff, v3;
	s16 =	sadd.s32 @!p0 $0x60, s15  }
0x302: {  	[hbm4b:s24+s6] =	stream.linear.scatter [tilespmem:s28], [sflag:$0x8], $0x4800, $0x38;
	[tilespmem:$0x1B480] =	vst v63  }
0x303: {  	s16 =	sadd.s32 @!p0 s4, s16  }
0x304: {  	s23 =	simm.s32 @!p0 $0x8;
	s16 =	sshrl.u32 @!p0 s16, $0x3  }
0x305: {  	_ =	swait.ge @!p0 [sflag:s23], $0x4800;
	s16 =	smul.u32 @!p0 $0x300, s16  }
0x306: {  	s24 =	simm.s32 @!p0 $0x4C80;
	[sflag:s23] =	ssyncset.done @!p0 $0x0  }
0x307: {  	[sflag:s23] =	ssyncadd.s32 @!p0 $0xFFFFB800;
	s23 =	simm.s32 @!p0 $0x0;
	s16 =	sadd.s32 @!p0 s1, s16  }
0x308: {  	[tilespmem:s24], [sflag:$0x2] =	stream.linear.gather @!p0 [hbm4b:s16+s23], $0x4800, $0x38;
	[tilespmem:$0x1B480] =	vst v63  }
0x309: {  	v3 =	vld @!p0 [tilespmem:s15+$0x60];
	_ =	sdelay $0x4  }
0x30a: {  	v4 =	vshrl.u32 @!p0 v3, $0x3  }
0x30b: {  	v4 =	vmul.u32 @!p0 $0x30, v4  }
0x30c: {  	v5 =	vlaneseq.u32 @!p0;
	v3 =	vand.u32 @!p0 $0x7, v3  }
0x30d: {  	v6 =	vshrl.u32 @!p0 v5, $0x3;
	v3 =	vor.u32 @!p0 v3, v4;
	v4 =	vand.u32 @!p0 $0x7, v5  }
0x30e: {  	v6 =	vmul.u32 @!p0 $0x8, v6;
	v7 =	vperm.xlane @!p0 v3, v4;
	_ =	sdelay $0x1  }
0x30f: {  	v7 =	vadd.s32 @!p0 v6, v7;
	_ =	sdelay $0x2  }
0x310: {  	v5 =	vor.u32 @!p0 $0x8, v5  }
0x311: {  	s16 =	simm.s32 @!p0 $0x12480;
	v3 =	vperm.xlane @!p0 v3, v5  }
0x312: {  	[tilespmem:s16], [sflag:$0x5] =	stream.indirect_vreg.gather @!p0 [hbm4b:s3+s23], $0x80, v7, vm1, $0xb8;
	[tilespmem:$0x1B480] =	vst v63  }
0x313: {  	v3 =	vadd.s32 @!p0 v6, v3;
	s16 =	simm.s32 @!p0 $0x12C80  }
0x314: {  	[tilespmem:s16], [sflag:$0x5] =	stream.indirect_vreg.gather @!p0 [hbm4b:s9+s23], $0x80, v7, vm1, $0xb8;
	[tilespmem:$0x1B480] =	vst v63  }
0x315: {  	s16 =	simm.s32 @!p0 $0x13480  }
0x316: {  	[tilespmem:s16], [sflag:$0x5] =	stream.indirect_vreg.gather @!p0 [hbm4b:s10+s23], $0x80, v7, vm1, $0xb8;
	[tilespmem:$0x1B480] =	vst v63  }
0x317: {  	s16 =	simm.s32 @!p0 $0x13C80  }
0x318: {  	[tilespmem:s16], [sflag:$0x5] =	stream.indirect_vreg.gather @!p0 [hbm4b:s3+s23], $0x80, v3, vm1, $0xb8;
	[tilespmem:$0x1B480] =	vst v63  }
0x319: {  	s16 =	simm.s32 @!p0 $0x14480  }
0x31a: {  	[tilespmem:s16], [sflag:$0x5] =	stream.indirect_vreg.gather @!p0 [hbm4b:s9+s23], $0x80, v3, vm1, $0xb8;
	[tilespmem:$0x1B480] =	vst v63  }
0x31b: {  	s16 =	simm.s32 @!p0 $0x14C80  }
0x31c: {  	[tilespmem:s16], [sflag:$0x5] =	stream.indirect_vreg.gather @!p0 [hbm4b:s10+s23], $0x80, v3, vm1, $0xb8;
	[tilespmem:$0x1B480] =	vst v63  }
0x31d: {  	v3 =	vld.msk @!p0 [tilespmem:s15+$0x70], $0xff;
	_ =	sdelay $0x4  }
0x31e: {  	v5 =	vshrl.u32 @!p0 v3, $0x3  }
0x31f: {  	v5 =	vmul.u32 @!p0 $0x30, v5  }
0x320: {  	v3 =	vand.u32 @!p0 $0x7, v3  }
0x321: {  	v3 =	vor.u32 @!p0 v3, v5  }
0x322: {  	v3 =	vperm.xlane @!p0 v3, v4;
	_ =	sdelay $0x1  }
0x323: {  	v3 =	vadd.s32 @!p0 v6, v3;
	_ =	sdelay $0x3  }
0x324: {  	s16 =	simm.s32 @!p0 $0x15480  }
0x325: {  	[tilespmem:s16], [sflag:$0x5] =	stream.indirect_vreg.gather @!p0 [hbm4b:s3+s23], $0x80, v3, vm1, $0xb8;
	[tilespmem:$0x1B480] =	vst v63  }
0x326: {  	s16 =	simm.s32 @!p0 $0x15C80  }
0x327: {  	[tilespmem:s16], [sflag:$0x5] =	stream.indirect_vreg.gather @!p0 [hbm4b:s9+s23], $0x80, v3, vm1, $0xb8;
	[tilespmem:$0x1B480] =	vst v63  }
0x328: {  	s16 =	simm.s32 @!p0 $0x16480  }
0x329: {  	[tilespmem:s16], [sflag:$0x5] =	stream.indirect_vreg.gather @!p0 [hbm4b:s10+s23], $0x80, v3, vm1, $0xb8;
	[tilespmem:$0x1B480] =	vst v63  }
0x32a: {  	_ =	swait.ge [sflag:s7], $0x4800  }
0x32b: {  	[sflag:s7] =	ssyncset.done $0x0  }
0x32c: {  	s25 =	simm.s32 $0x0;
	[sflag:s7] =	ssyncadd.s32 $0xFFFFB800  }
0x32d: {  	s16 =	simm.s32 $0x0;
	s23 =	smul.u32 $0x1800, s25;
	_ =	swait.ge [sflag:s11], $0x4800  }
0x32e: {  	s26 =	sand.u32 $0x380, s16;
	[sflag:s11] =	ssyncset.done $0x0  }
0x32f: {  	s23 =	sor.u32 s26, s23;
	[sflag:s11] =	ssyncadd.s32 $0xFFFFB800  }
0x330: {  	v3 =	vld [tilespmem:s23+$0x180F0]  }
0x331: {  	v6 =	vld [tilespmem:s23+$0x16C80]  }
0x332: {  	v7 =	vld [tilespmem:s23+$0x16C90]  }
0x333: {  	v8 =	vld [tilespmem:s23+$0x16CA0]  }
0x334: {  	v9 =	vld [tilespmem:s23+$0x16CB0]  }
0x335: {  	v10 =	vld [tilespmem:s23+$0x16CC0]  }
0x336: {  	v11 =	vld [tilespmem:s23+$0x16CD0]  }
0x337: {  	v12 =	vld [tilespmem:s23+$0x16CE0]  }
0x338: {  	v13 =	vld [tilespmem:s23+$0x16CF0]  }
0x339: {  	v14 =	vld [tilespmem:s23+$0x17080]  }
0x33a: {  	v15 =	vld [tilespmem:s23+$0x17090]  }
0x33b: {  	v16 =	vld [tilespmem:s23+$0x170A0]  }
0x33c: {  	v17 =	vld [tilespmem:s23+$0x170B0]  }
0x33d: {  	v18 =	vld [tilespmem:s23+$0x170C0]  }
0x33e: {  	v19 =	vld [tilespmem:s23+$0x170D0]  }
0x33f: {  	v20 =	vld [tilespmem:s23+$0x170E0]  }
0x340: {  	v21 =	vld [tilespmem:s23+$0x170F0]  }
0x341: {  	v22 =	vld [tilespmem:s23+$0x17480]  }
0x342: {  	v23 =	vld [tilespmem:s23+$0x17490]  }
0x343: {  	v24 =	vld [tilespmem:s23+$0x174A0]  }
0x344: {  	v25 =	vld [tilespmem:s23+$0x174B0]  }
0x345: {  	v26 =	vld [tilespmem:s23+$0x174C0]  }
0x346: {  	v27 =	vld [tilespmem:s23+$0x174D0]  }
0x347: {  	v28 =	vld [tilespmem:s23+$0x174E0]  }
0x348: {  	v29 =	vld [tilespmem:s23+$0x174F0]  }
0x349: {  	v30 =	vld [tilespmem:s23+$0x17880]  }
0x34a: {  	v31 =	vld [tilespmem:s23+$0x17890]  }
0x34b: {  	v32 =	vld [tilespmem:s23+$0x178A0]  }
0x34c: {  	v33 =	vld [tilespmem:s23+$0x178B0]  }
0x34d: {  	v34 =	vld [tilespmem:s23+$0x178C0]  }
0x34e: {  	v35 =	vld [tilespmem:s23+$0x178D0]  }
0x34f: {  	v36 =	vld [tilespmem:s23+$0x178E0]  }
0x350: {  	v37 =	vld [tilespmem:s23+$0x178F0]  }
0x351: {  	v52 =	vld [tilespmem:s23+$0x17C80]  }
0x352: {  	v53 =	vld [tilespmem:s23+$0x17C90]  }
0x353: {  	v54 =	vld [tilespmem:s23+$0x17CA0]  }
0x354: {  	v55 =	vld [tilespmem:s23+$0x17CB0]  }
0x355: {  	v56 =	vld [tilespmem:s23+$0x17CC0]  }
0x356: {  	v57 =	vld [tilespmem:s23+$0x17CD0]  }
0x357: {  	v58 =	vld [tilespmem:s23+$0x17CE0]  }
0x358: {  	v59 =	vld [tilespmem:s23+$0x17CF0]  }
0x359: {  	v60 =	vld [tilespmem:s23+$0x18080]  }
0x35a: {  	v61 =	vld [tilespmem:s23+$0x18090]  }
0x35b: {  	v62 =	vld [tilespmem:s23+$0x180A0]  }
0x35c: {  	v63 =	vld [tilespmem:s23+$0x180B0]  }
0x35d: {  	v5 =	vld [tilespmem:s23+$0x180C0]  }
0x35e: {  	v4 =	vld [tilespmem:s23+$0x180D0]  }
0x35f: {  	[tilespmem:s23+$0xA8F0] =	vst.add.f32.msk $0xffff, v3  }
0x360: {  	v3 =	vld [tilespmem:s23+$0x180E0]  }
0x361: {  	[tilespmem:s23+$0x9480] =	vst.add.f32.msk $0xffff, v6  }
0x362: {  	[tilespmem:s23+$0x9490] =	vst.add.f32.msk $0xffff, v7  }
0x363: {  	[tilespmem:s23+$0x94A0] =	vst.add.f32.msk $0xffff, v8  }
0x364: {  	[tilespmem:s23+$0x94B0] =	vst.add.f32.msk $0xffff, v9  }
0x365: {  	[tilespmem:s23+$0x94C0] =	vst.add.f32.msk $0xffff, v10  }
0x366: {  	[tilespmem:s23+$0x94D0] =	vst.add.f32.msk $0xffff, v11  }
0x367: {  	[tilespmem:s23+$0x94E0] =	vst.add.f32.msk $0xffff, v12  }
0x368: {  	[tilespmem:s23+$0x94F0] =	vst.add.f32.msk $0xffff, v13  }
0x369: {  	[tilespmem:s23+$0x9880] =	vst.add.f32.msk $0xffff, v14  }
0x36a: {  	[tilespmem:s23+$0x9890] =	vst.add.f32.msk $0xffff, v15  }
0x36b: {  	[tilespmem:s23+$0x98A0] =	vst.add.f32.msk $0xffff, v16  }
0x36c: {  	[tilespmem:s23+$0x98B0] =	vst.add.f32.msk $0xffff, v17  }
0x36d: {  	[tilespmem:s23+$0x98C0] =	vst.add.f32.msk $0xffff, v18  }
0x36e: {  	[tilespmem:s23+$0x98D0] =	vst.add.f32.msk $0xffff, v19  }
0x36f: {  	[tilespmem:s23+$0x98E0] =	vst.add.f32.msk $0xffff, v20  }
0x370: {  	[tilespmem:s23+$0x98F0] =	vst.add.f32.msk $0xffff, v21  }
0x371: {  	[tilespmem:s23+$0x9C80] =	vst.add.f32.msk $0xffff, v22  }
0x372: {  	[tilespmem:s23+$0x9C90] =	vst.add.f32.msk $0xffff, v23  }
0x373: {  	[tilespmem:s23+$0x9CA0] =	vst.add.f32.msk $0xffff, v24  }
0x374: {  	[tilespmem:s23+$0x9CB0] =	vst.add.f32.msk $0xffff, v25  }
0x375: {  	[tilespmem:s23+$0x9CC0] =	vst.add.f32.msk $0xffff, v26  }
0x376: {  	[tilespmem:s23+$0x9CD0] =	vst.add.f32.msk $0xffff, v27  }
0x377: {  	[tilespmem:s23+$0x9CE0] =	vst.add.f32.msk $0xffff, v28  }
0x378: {  	[tilespmem:s23+$0x9CF0] =	vst.add.f32.msk $0xffff, v29  }
0x379: {  	[tilespmem:s23+$0xA080] =	vst.add.f32.msk $0xffff, v30  }
0x37a: {  	[tilespmem:s23+$0xA090] =	vst.add.f32.msk $0xffff, v31  }
0x37b: {  	[tilespmem:s23+$0xA0A0] =	vst.add.f32.msk $0xffff, v32  }
0x37c: {  	[tilespmem:s23+$0xA0B0] =	vst.add.f32.msk $0xffff, v33  }
0x37d: {  	[tilespmem:s23+$0xA0C0] =	vst.add.f32.msk $0xffff, v34  }
0x37e: {  	[tilespmem:s23+$0xA0D0] =	vst.add.f32.msk $0xffff, v35  }
0x37f: {  	[tilespmem:s23+$0xA0E0] =	vst.add.f32.msk $0xffff, v36  }
0x380: {  	[tilespmem:s23+$0xA0F0] =	vst.add.f32.msk $0xffff, v37  }
0x381: {  	[tilespmem:s23+$0xA480] =	vst.add.f32.msk $0xffff, v52  }
0x382: {  	[tilespmem:s23+$0xA490] =	vst.add.f32.msk $0xffff, v53  }
0x383: {  	[tilespmem:s23+$0xA4A0] =	vst.add.f32.msk $0xffff, v54  }
0x384: {  	[tilespmem:s23+$0xA4B0] =	vst.add.f32.msk $0xffff, v55  }
0x385: {  	[tilespmem:s23+$0xA4C0] =	vst.add.f32.msk $0xffff, v56  }
0x386: {  	[tilespmem:s23+$0xA4D0] =	vst.add.f32.msk $0xffff, v57  }
0x387: {  	[tilespmem:s23+$0xA4E0] =	vst.add.f32.msk $0xffff, v58  }
0x388: {  	[tilespmem:s23+$0xA4F0] =	vst.add.f32.msk $0xffff, v59  }
0x389: {  	[tilespmem:s23+$0xA880] =	vst.add.f32.msk $0xffff, v60  }
0x38a: {  	[tilespmem:s23+$0xA890] =	vst.add.f32.msk $0xffff, v61  }
0x38b: {  	[tilespmem:s23+$0xA8A0] =	vst.add.f32.msk $0xffff, v62  }
0x38c: {  	s24 =	simm.s32 $0x2;
	s25 =	simm.s32 $0x0;
	[tilespmem:s23+$0xA8B0] =	vst.add.f32.msk $0xffff, v63  }
.LBB2_7:
0x38d: {  	p1 =	sne.s32 s24, $0x17;
	s25 =	smul.u32 $0x1800, s25;
	[tilespmem:s23+$0xA8C0] =	vst.add.f32.msk $0xffff, v5;
	s16 =	sadd.s32 $0x80, s16  }
0x38e: {  	s26 =	sand.u32 $0x380, s16;
	[tilespmem:s23+$0xA8D0] =	vst.add.f32.msk $0xffff, v4  }
0x38f: {  	[tilespmem:s23+$0xA8E0] =	vst.add.f32.msk $0xffff, v3;
	s23 =	sor.u32 s26, s25  }
0x390: {  	v3 =	vld [tilespmem:s23+$0x180F0]  }
0x391: {  	v6 =	vld [tilespmem:s23+$0x16C80]  }
0x392: {  	v7 =	vld [tilespmem:s23+$0x16C90]  }
0x393: {  	v8 =	vld [tilespmem:s23+$0x16CA0]  }
0x394: {  	v9 =	vld [tilespmem:s23+$0x16CB0]  }
0x395: {  	[tilespmem:s23+$0xA8F0] =	vst.add.f32.msk $0xffff, v3  }
0x396: {  	v10 =	vld [tilespmem:s23+$0x16CC0]  }
0x397: {  	v11 =	vld [tilespmem:s23+$0x16CD0]  }
0x398: {  	v12 =	vld [tilespmem:s23+$0x16CE0]  }
0x399: {  	v13 =	vld [tilespmem:s23+$0x16CF0]  }
0x39a: {  	v14 =	vld [tilespmem:s23+$0x17080]  }
0x39b: {  	v15 =	vld [tilespmem:s23+$0x17090]  }
0x39c: {  	v16 =	vld [tilespmem:s23+$0x170A0]  }
0x39d: {  	v17 =	vld [tilespmem:s23+$0x170B0]  }
0x39e: {  	v18 =	vld [tilespmem:s23+$0x170C0]  }
0x39f: {  	v19 =	vld [tilespmem:s23+$0x170D0]  }
0x3a0: {  	v20 =	vld [tilespmem:s23+$0x170E0]  }
0x3a1: {  	v21 =	vld [tilespmem:s23+$0x170F0]  }
0x3a2: {  	v22 =	vld [tilespmem:s23+$0x17480]  }
0x3a3: {  	v23 =	vld [tilespmem:s23+$0x17490]  }
0x3a4: {  	v24 =	vld [tilespmem:s23+$0x174A0]  }
0x3a5: {  	v25 =	vld [tilespmem:s23+$0x174B0]  }
0x3a6: {  	v26 =	vld [tilespmem:s23+$0x174C0]  }
0x3a7: {  	v27 =	vld [tilespmem:s23+$0x174D0]  }
0x3a8: {  	v28 =	vld [tilespmem:s23+$0x174E0]  }
0x3a9: {  	v29 =	vld [tilespmem:s23+$0x174F0]  }
0x3aa: {  	v30 =	vld [tilespmem:s23+$0x17880]  }
0x3ab: {  	v31 =	vld [tilespmem:s23+$0x17890]  }
0x3ac: {  	v32 =	vld [tilespmem:s23+$0x178A0]  }
0x3ad: {  	v33 =	vld [tilespmem:s23+$0x178B0]  }
0x3ae: {  	v34 =	vld [tilespmem:s23+$0x178C0]  }
0x3af: {  	v35 =	vld [tilespmem:s23+$0x178D0]  }
0x3b0: {  	v36 =	vld [tilespmem:s23+$0x178E0]  }
0x3b1: {  	v37 =	vld [tilespmem:s23+$0x178F0]  }
0x3b2: {  	v38 =	vld [tilespmem:s23+$0x17C80]  }
0x3b3: {  	v39 =	vld [tilespmem:s23+$0x17C90]  }
0x3b4: {  	v40 =	vld [tilespmem:s23+$0x17CA0]  }
0x3b5: {  	v41 =	vld [tilespmem:s23+$0x17CB0]  }
0x3b6: {  	v42 =	vld [tilespmem:s23+$0x17CC0]  }
0x3b7: {  	v43 =	vld [tilespmem:s23+$0x17CD0]  }
0x3b8: {  	v44 =	vld [tilespmem:s23+$0x17CE0]  }
0x3b9: {  	v45 =	vld [tilespmem:s23+$0x17CF0]  }
0x3ba: {  	v46 =	vld [tilespmem:s23+$0x18080]  }
0x3bb: {  	v47 =	vld [tilespmem:s23+$0x18090]  }
0x3bc: {  	v48 =	vld [tilespmem:s23+$0x180A0]  }
0x3bd: {  	v49 =	vld [tilespmem:s23+$0x180B0]  }
0x3be: {  	v5 =	vld [tilespmem:s23+$0x180C0]  }
0x3bf: {  	v4 =	vld [tilespmem:s23+$0x180D0]  }
0x3c0: {  	v3 =	vld [tilespmem:s23+$0x180E0]  }
0x3c1: {  	[tilespmem:s23+$0x9480] =	vst.add.f32.msk $0xffff, v6  }
0x3c2: {  	[tilespmem:s23+$0x9490] =	vst.add.f32.msk $0xffff, v7  }
0x3c3: {  	[tilespmem:s23+$0x94A0] =	vst.add.f32.msk $0xffff, v8  }
0x3c4: {  	[tilespmem:s23+$0x94B0] =	vst.add.f32.msk $0xffff, v9  }
0x3c5: {  	[tilespmem:s23+$0x94C0] =	vst.add.f32.msk $0xffff, v10  }
0x3c6: {  	[tilespmem:s23+$0x94D0] =	vst.add.f32.msk $0xffff, v11  }
0x3c7: {  	[tilespmem:s23+$0x94E0] =	vst.add.f32.msk $0xffff, v12  }
0x3c8: {  	[tilespmem:s23+$0x94F0] =	vst.add.f32.msk $0xffff, v13  }
0x3c9: {  	[tilespmem:s23+$0x9880] =	vst.add.f32.msk $0xffff, v14  }
0x3ca: {  	[tilespmem:s23+$0x9890] =	vst.add.f32.msk $0xffff, v15  }
0x3cb: {  	[tilespmem:s23+$0x98A0] =	vst.add.f32.msk $0xffff, v16  }
0x3cc: {  	[tilespmem:s23+$0x98B0] =	vst.add.f32.msk $0xffff, v17  }
0x3cd: {  	[tilespmem:s23+$0x98C0] =	vst.add.f32.msk $0xffff, v18  }
0x3ce: {  	[tilespmem:s23+$0x98D0] =	vst.add.f32.msk $0xffff, v19  }
0x3cf: {  	[tilespmem:s23+$0x98E0] =	vst.add.f32.msk $0xffff, v20  }
0x3d0: {  	[tilespmem:s23+$0x98F0] =	vst.add.f32.msk $0xffff, v21  }
0x3d1: {  	[tilespmem:s23+$0x9C80] =	vst.add.f32.msk $0xffff, v22  }
0x3d2: {  	[tilespmem:s23+$0x9C90] =	vst.add.f32.msk $0xffff, v23  }
0x3d3: {  	[tilespmem:s23+$0x9CA0] =	vst.add.f32.msk $0xffff, v24  }
0x3d4: {  	[tilespmem:s23+$0x9CB0] =	vst.add.f32.msk $0xffff, v25  }
0x3d5: {  	[tilespmem:s23+$0x9CC0] =	vst.add.f32.msk $0xffff, v26  }
0x3d6: {  	[tilespmem:s23+$0x9CD0] =	vst.add.f32.msk $0xffff, v27  }
0x3d7: {  	[tilespmem:s23+$0x9CE0] =	vst.add.f32.msk $0xffff, v28  }
0x3d8: {  	[tilespmem:s23+$0x9CF0] =	vst.add.f32.msk $0xffff, v29  }
0x3d9: {  	[tilespmem:s23+$0xA080] =	vst.add.f32.msk $0xffff, v30  }
0x3da: {  	[tilespmem:s23+$0xA090] =	vst.add.f32.msk $0xffff, v31  }
0x3db: {  	[tilespmem:s23+$0xA0A0] =	vst.add.f32.msk $0xffff, v32  }
0x3dc: {  	[tilespmem:s23+$0xA0B0] =	vst.add.f32.msk $0xffff, v33  }
0x3dd: {  	[tilespmem:s23+$0xA0C0] =	vst.add.f32.msk $0xffff, v34  }
0x3de: {  	[tilespmem:s23+$0xA0D0] =	vst.add.f32.msk $0xffff, v35  }
0x3df: {  	[tilespmem:s23+$0xA0E0] =	vst.add.f32.msk $0xffff, v36  }
0x3e0: {  	[tilespmem:s23+$0xA0F0] =	vst.add.f32.msk $0xffff, v37  }
0x3e1: {  	[tilespmem:s23+$0xA480] =	vst.add.f32.msk $0xffff, v38  }
0x3e2: {  	[tilespmem:s23+$0xA490] =	vst.add.f32.msk $0xffff, v39  }
0x3e3: {  	[tilespmem:s23+$0xA4A0] =	vst.add.f32.msk $0xffff, v40  }
0x3e4: {  	[tilespmem:s23+$0xA4B0] =	vst.add.f32.msk $0xffff, v41  }
0x3e5: {  	[tilespmem:s23+$0xA4C0] =	vst.add.f32.msk $0xffff, v42  }
0x3e6: {  	[tilespmem:s23+$0xA4D0] =	vst.add.f32.msk $0xffff, v43  }
0x3e7: {  	[tilespmem:s23+$0xA4E0] =	vst.add.f32.msk $0xffff, v44  }
.Ltmp4:
0x3e8: {  	[tilespmem:s23+$0xA4F0] =	vst.add.f32.msk $0xffff, v45;
	(pc) =	sbr.rel @p1 .LBB2_7-.Ltmp4, $4  }
0x3e9: {  	[tilespmem:s23+$0xA880] =	vst.add.f32.msk $0xffff, v46  }
0x3ea: {  	[tilespmem:s23+$0xA890] =	vst.add.f32.msk $0xffff, v47  }
0x3eb: {  	[tilespmem:s23+$0xA8A0] =	vst.add.f32.msk $0xffff, v48  }
0x3ec: {  	s25 =	sshrl.u32 s24, $0x3;
	s24 =	sadd.s32 $0x1, s24;
	[tilespmem:s23+$0xA8B0] =	vst.add.f32.msk $0xffff, v49  }
0x3ed: {  	s24 =	smul.u32 $0x1800, s25;
	[tilespmem:s23+$0xA8C0] =	vst.add.f32.msk $0xffff, v5;
	s16 =	sadd.s32 $0x80, s16  }
0x3ee: {  	[tilespmem:s23+$0xA8D0] =	vst.add.f32.msk $0xffff, v4;
	s16 =	sand.u32 $0x380, s16  }
0x3ef: {  	[tilespmem:s23+$0xA8E0] =	vst.add.f32.msk $0xffff, v3;
	s16 =	sor.u32 s16, s24  }
0x3f0: {  	v3 =	vld [tilespmem:s16+$0x180F0]  }
0x3f1: {  	v4 =	vld [tilespmem:s16+$0x16C80]  }
0x3f2: {  	v5 =	vld [tilespmem:s16+$0x16C90]  }
0x3f3: {  	v6 =	vld [tilespmem:s16+$0x16CA0]  }
0x3f4: {  	v7 =	vld [tilespmem:s16+$0x16CB0]  }
0x3f5: {  	v8 =	vld [tilespmem:s16+$0x16CD0]  }
0x3f6: {  	v9 =	vld [tilespmem:s16+$0x16CE0]  }
0x3f7: {  	v10 =	vld [tilespmem:s16+$0x16CF0]  }
0x3f8: {  	v11 =	vld [tilespmem:s16+$0x17080]  }
0x3f9: {  	v12 =	vld [tilespmem:s16+$0x17090]  }
0x3fa: {  	v13 =	vld [tilespmem:s16+$0x170A0]  }
0x3fb: {  	v14 =	vld [tilespmem:s16+$0x170B0]  }
0x3fc: {  	v15 =	vld [tilespmem:s16+$0x170C0]  }
0x3fd: {  	v16 =	vld [tilespmem:s16+$0x170D0]  }
0x3fe: {  	v17 =	vld [tilespmem:s16+$0x170E0]  }
0x3ff: {  	v18 =	vld [tilespmem:s16+$0x170F0]  }
0x400: {  	v19 =	vld [tilespmem:s16+$0x17480]  }
0x401: {  	v20 =	vld [tilespmem:s16+$0x17490]  }
0x402: {  	v21 =	vld [tilespmem:s16+$0x174A0]  }
0x403: {  	v22 =	vld [tilespmem:s16+$0x174B0]  }
0x404: {  	v23 =	vld [tilespmem:s16+$0x174C0]  }
0x405: {  	v24 =	vld [tilespmem:s16+$0x174D0]  }
0x406: {  	v25 =	vld [tilespmem:s16+$0x174E0]  }
0x407: {  	v26 =	vld [tilespmem:s16+$0x174F0]  }
0x408: {  	v27 =	vld [tilespmem:s16+$0x17880]  }
0x409: {  	v28 =	vld [tilespmem:s16+$0x17890]  }
0x40a: {  	v29 =	vld [tilespmem:s16+$0x178A0]  }
0x40b: {  	v30 =	vld [tilespmem:s16+$0x178B0]  }
0x40c: {  	v31 =	vld [tilespmem:s16+$0x178C0]  }
0x40d: {  	v32 =	vld [tilespmem:s16+$0x178D0]  }
0x40e: {  	v33 =	vld [tilespmem:s16+$0x178E0]  }
0x40f: {  	v34 =	vld [tilespmem:s16+$0x178F0]  }
0x410: {  	v35 =	vld [tilespmem:s16+$0x17C80]  }
0x411: {  	v36 =	vld [tilespmem:s16+$0x17C90]  }
0x412: {  	v37 =	vld [tilespmem:s16+$0x17CA0]  }
0x413: {  	v38 =	vld [tilespmem:s16+$0x17CB0]  }
0x414: {  	v39 =	vld [tilespmem:s16+$0x17CC0]  }
0x415: {  	v40 =	vld [tilespmem:s16+$0x17CD0]  }
0x416: {  	v41 =	vld [tilespmem:s16+$0x17CE0]  }
0x417: {  	v42 =	vld [tilespmem:s16+$0x17CF0]  }
0x418: {  	v43 =	vld [tilespmem:s16+$0x18080]  }
0x419: {  	v44 =	vld [tilespmem:s16+$0x18090]  }
0x41a: {  	v45 =	vld [tilespmem:s16+$0x180A0]  }
0x41b: {  	v46 =	vld [tilespmem:s16+$0x180B0]  }
0x41c: {  	v47 =	vld [tilespmem:s16+$0x180C0]  }
0x41d: {  	v48 =	vld [tilespmem:s16+$0x180D0]  }
0x41e: {  	v49 =	vld [tilespmem:s16+$0x180E0]  }
0x41f: {  	[tilespmem:s16+$0xA8F0] =	vst.add.f32.msk $0xffff, v3  }
0x420: {  	v3 =	vld [tilespmem:s16+$0x16CC0]  }
0x421: {  	[tilespmem:s16+$0x9480] =	vst.add.f32.msk $0xffff, v4  }
0x422: {  	[tilespmem:s16+$0x9490] =	vst.add.f32.msk $0xffff, v5  }
0x423: {  	[tilespmem:s16+$0x94A0] =	vst.add.f32.msk $0xffff, v6  }
0x424: {  	[tilespmem:s16+$0x94B0] =	vst.add.f32.msk $0xffff, v7  }
0x425: {  	[tilespmem:s16+$0x94D0] =	vst.add.f32.msk $0xffff, v8  }
0x426: {  	[tilespmem:s16+$0x94E0] =	vst.add.f32.msk $0xffff, v9  }
0x427: {  	[tilespmem:s16+$0x94F0] =	vst.add.f32.msk $0xffff, v10  }
0x428: {  	[tilespmem:s16+$0x9880] =	vst.add.f32.msk $0xffff, v11  }
0x429: {  	[tilespmem:s16+$0x9890] =	vst.add.f32.msk $0xffff, v12  }
0x42a: {  	[tilespmem:s16+$0x98A0] =	vst.add.f32.msk $0xffff, v13  }
0x42b: {  	[tilespmem:s16+$0x98B0] =	vst.add.f32.msk $0xffff, v14  }
0x42c: {  	[tilespmem:s16+$0x98C0] =	vst.add.f32.msk $0xffff, v15  }
0x42d: {  	[tilespmem:s16+$0x98D0] =	vst.add.f32.msk $0xffff, v16  }
0x42e: {  	[tilespmem:s16+$0x98E0] =	vst.add.f32.msk $0xffff, v17  }
0x42f: {  	[tilespmem:s16+$0x98F0] =	vst.add.f32.msk $0xffff, v18  }
0x430: {  	[tilespmem:s16+$0x9C80] =	vst.add.f32.msk $0xffff, v19  }
0x431: {  	[tilespmem:s16+$0x9C90] =	vst.add.f32.msk $0xffff, v20  }
0x432: {  	[tilespmem:s16+$0x9CA0] =	vst.add.f32.msk $0xffff, v21  }
0x433: {  	[tilespmem:s16+$0x9CB0] =	vst.add.f32.msk $0xffff, v22  }
0x434: {  	[tilespmem:s16+$0x9CC0] =	vst.add.f32.msk $0xffff, v23  }
0x435: {  	[tilespmem:s16+$0x9CD0] =	vst.add.f32.msk $0xffff, v24  }
0x436: {  	[tilespmem:s16+$0x9CE0] =	vst.add.f32.msk $0xffff, v25  }
0x437: {  	[tilespmem:s16+$0x9CF0] =	vst.add.f32.msk $0xffff, v26  }
0x438: {  	[tilespmem:s16+$0xA080] =	vst.add.f32.msk $0xffff, v27  }
0x439: {  	[tilespmem:s16+$0xA090] =	vst.add.f32.msk $0xffff, v28  }
0x43a: {  	[tilespmem:s16+$0xA0A0] =	vst.add.f32.msk $0xffff, v29  }
0x43b: {  	[tilespmem:s16+$0xA0B0] =	vst.add.f32.msk $0xffff, v30  }
0x43c: {  	[tilespmem:s16+$0xA0C0] =	vst.add.f32.msk $0xffff, v31  }
0x43d: {  	[tilespmem:s16+$0xA0D0] =	vst.add.f32.msk $0xffff, v32  }
0x43e: {  	[tilespmem:s16+$0xA0E0] =	vst.add.f32.msk $0xffff, v33  }
0x43f: {  	[tilespmem:s16+$0xA0F0] =	vst.add.f32.msk $0xffff, v34  }
0x440: {  	[tilespmem:s16+$0xA480] =	vst.add.f32.msk $0xffff, v35  }
0x441: {  	[tilespmem:s16+$0xA490] =	vst.add.f32.msk $0xffff, v36  }
0x442: {  	[tilespmem:s16+$0xA4A0] =	vst.add.f32.msk $0xffff, v37  }
0x443: {  	[tilespmem:s16+$0xA4B0] =	vst.add.f32.msk $0xffff, v38  }
0x444: {  	[tilespmem:s16+$0xA4C0] =	vst.add.f32.msk $0xffff, v39  }
0x445: {  	[tilespmem:s16+$0xA4D0] =	vst.add.f32.msk $0xffff, v40  }
0x446: {  	[tilespmem:s16+$0xA4E0] =	vst.add.f32.msk $0xffff, v41  }
0x447: {  	[tilespmem:s16+$0xA4F0] =	vst.add.f32.msk $0xffff, v42  }
0x448: {  	[tilespmem:s16+$0xA880] =	vst.add.f32.msk $0xffff, v43  }
0x449: {  	[tilespmem:s16+$0xA890] =	vst.add.f32.msk $0xffff, v44  }
0x44a: {  	[tilespmem:s16+$0xA8A0] =	vst.add.f32.msk $0xffff, v45  }
0x44b: {  	s25 =	sadd.s32 s15, s14;
	[tilespmem:s16+$0xA8B0] =	vst.add.f32.msk $0xffff, v46  }
.Ltmp5:
0x44c: {  	s23 =	sshrl.u32 s25, $0x3;
	[tilespmem:s16+$0xA8C0] =	vst.add.f32.msk $0xffff, v47;
	(pc) =	sbr.rel @p0 .LBB2_10-.Ltmp5, $4  }
0x44d: {  	s23 =	smul.u32 $0x300, s23;
	[tilespmem:s16+$0xA8D0] =	vst.add.f32.msk $0xffff, v48  }
0x44e: {  	[tilespmem:s16+$0xA8E0] =	vst.add.f32.msk $0xffff, v49  }
0x44f: {  	s26 =	sadd.s32 s5, s23;
	[tilespmem:s16+$0x94C0] =	vst.add.f32.msk $0xffff, v3  }
0x450: {  	[hbm4b:s26+s6] =	stream.linear.scatter [tilespmem:s22], [sflag:$0x9], $0x4800, $0x38;
	[tilespmem:$0x1B480] =	vst v63  }
0x451: {  	s16 =	sadd.s32 $0x78, s15  }
0x452: {  	s16 =	sadd.s32 s4, s16  }
0x453: {  	s16 =	sshrl.u32 s16, $0x3  }
0x454: {  	_ =	swait.ge [sflag:s8], $0x4800;
	s16 =	smul.u32 $0x300, s16  }
0x455: {  	[sflag:s8] =	ssyncset.done $0x0  }
0x456: {  	[sflag:s8] =	ssyncadd.s32 $0xFFFFB800;
	s16 =	sadd.s32 s1, s16  }
0x457: {  	[tilespmem:s22], [sflag:$0x3] =	stream.linear.gather [hbm4b:s16+s6], $0x4800, $0x38;
	[tilespmem:$0x1B480] =	vst v63  }
0x458: {  	v3 =	vld [tilespmem:s15+$0x78];
	_ =	sdelay $0x4  }
0x459: {  	v4 =	vshrl.u32 v3, $0x3  }
0x45a: {  	v4 =	vmul.u32 $0x30, v4  }
0x45b: {  	v3 =	vand.u32 $0x7, v3  }
0x45c: {  	v3 =	vor.u32 v3, v4  }
0x45d: {  	v4 =	vperm.xlane v3, v0;
	_ =	sdelay $0x1  }
0x45e: {  	v4 =	vadd.s32 v1, v4;
	_ =	sdelay $0x3  }
0x45f: {  	s23 =	simm.s32 $0x16C80;
	v3 =	vperm.xlane v3, v2  }
0x460: {  	[tilespmem:s23], [sflag:$0x6] =	stream.indirect_vreg.gather [hbm4b:s3+s6], $0x80, v4, vm0, $0xb8;
	[tilespmem:$0x1B480] =	vst v63  }
0x461: {  	s24 =	simm.s32 $0x17480;
	v3 =	vadd.s32 v1, v3  }
0x462: {  	[tilespmem:s24], [sflag:$0x6] =	stream.indirect_vreg.gather [hbm4b:s9+s6], $0x80, v4, vm0, $0xb8;
	[tilespmem:$0x1B480] =	vst v63  }
0x463: {  	s25 =	simm.s32 $0x17C80  }
0x464: {  	[tilespmem:s25], [sflag:$0x6] =	stream.indirect_vreg.gather [hbm4b:s10+s6], $0x80, v4, vm0, $0xb8;
	[tilespmem:$0x1B480] =	vst v63  }
0x465: {  	s26 =	simm.s32 $0x18480  }
0x466: {  	[tilespmem:s26], [sflag:$0x6] =	stream.indirect_vreg.gather [hbm4b:s3+s6], $0x80, v3, vm0, $0xb8;
	[tilespmem:$0x1B480] =	vst v63  }
0x467: {  	_ = 	snop  }
0x468: {  	[tilespmem:s29], [sflag:$0x6] =	stream.indirect_vreg.gather [hbm4b:s9+s6], $0x80, v3, vm0, $0xb8;
	[tilespmem:$0x1B480] =	vst v63  }
0x469: {  	_ = 	snop  }
0x46a: {  	[tilespmem:s30], [sflag:$0x6] =	stream.indirect_vreg.gather [hbm4b:s10+s6], $0x80, v3, vm0, $0xb8;
	[tilespmem:$0x1B480] =	vst v63  }
0x46b: {  	v3 =	vld.msk [tilespmem:s15+$0x88], $0xff;
	_ =	sdelay $0x4  }
0x46c: {  	v63 =	vshrl.u32 v3, $0x3  }
0x46d: {  	v4 =	vmul.u32 $0x30, v63  }
0x46e: {  	v3 =	vand.u32 $0x7, v3  }
0x46f: {  	v3 =	vor.u32 v3, v4  }
0x470: {  	v3 =	vperm.xlane v3, v0;
	_ =	sdelay $0x1  }
0x471: {  	v3 =	vadd.s32 v1, v3;
	_ =	sdelay $0x4  }
0x472: {  	[tilespmem:s31], [sflag:$0x6] =	stream.indirect_vreg.gather [hbm4b:s3+s6], $0x80, v3, vm0, $0xb8;
	[tilespmem:$0x1B480] =	vst v63  }
.Ltmp6:
0x473: {  	_ = 	snop;
	(pc) =	sbr.rel .LBB2_2-.Ltmp6, $4  }
0x474: {  	_ = 	snop  }
0x475: {  	[tilespmem:s2], [sflag:$0x6] =	stream.indirect_vreg.gather [hbm4b:s9+s6], $0x80, v3, vm0, $0xb8;
	[tilespmem:$0x1B480] =	vst v63  }
0x476: {  	s12 =	sadd.s32 $0x1, s12  }
0x477: {  	[tilespmem:s0], [sflag:$0x6] =	stream.indirect_vreg.gather [hbm4b:s10+s6], $0x80, v3, vm0, $0xb8;
	[tilespmem:$0x1B480] =	vst v63  }
.LBB2_11:
0x478: {  	_ =	sfence.sel $0x180000  }
0x479: {  	[bflag:$0x0] =	sbarrier.arrive $0xFFFF  }
0x47a: {  	_ =	strace $0x90000047  }
0x47b: {  	s0 =	stileid.u32;
	[bflag:$0x2] =	sbarrier.arrive $0xFFFF  }
0x47c: {  	p0 =	sne.s32 s0, $0x0;
	s0 =	rddreg [dreg:$0x4]  }
0x47d: {  	s0 =	sadd.s32 @!p0 $0x100000, s0  }
0x47e: {  	[sflag:s0] =	ssyncadd.tile.s32 @!p0 $0x1;
	_ =	shalt  }
.Lfunc_end2:
_tile_overlayer_lowered:
.L_overlay_start_2:
0x47f: {  	(tag) =	ssettag $0x2  }
0x480: {  	s0 =	rddreg [dreg:$0x0];
	s2 =	stileid.u32  }
0x481: {  	s1 =	rddreg [dreg:$0x1];
	p0 =	sne.s32 s2, $0x0  }
0x482: {  	s3 =	rddreg [dreg:$0x2];
	[bflag:$0x3] =	sbarrier.arrive $0xFFFF;
	s2 =	simm.s32 @!p0 $0x1C0A  }
0x483: {  	[timem:s3], [sflag:s2] =	dma.local @!p0 [hbm:s0], s1  }
0x484: {  	s0 =	simm.s32 @!p0 $0xA  }
0x485: {  	_ =	swait.ge @!p0 [sflag:s0], s1  }
0x486: {  	s1 =	ssub.s32 @!p0 $0x0, s1;
	[sflag:s0] =	ssyncset.done @!p0 $0x0  }
0x487: {  	[sflag:s0] =	ssyncadd.s32 @!p0 s1  }
0x488: {  	[bflag:$0x3] =	sbarrier.arrive $0xFFFF  }
0x489: {  	_ =	shalt  }

</sc_bundles>
